<compile_context>
chip_gen: v7x
topology: tpu7x:2x2x1
jax: 0.10.2.dev20260603
libtpu: 0.0.44.dev20260713+nightly
codegen_flags: <defaults>
</compile_context>

<pallas_src>
import functools

import jax
import jax.numpy as jnp
from jax import lax
from jax.experimental import pallas as pl
from jax.experimental.pallas import tpu as pltpu
from jax.experimental.pallas import tpu_sc as plsc

B, T = 4, 2048
D, K = 1024, 512
N = B * T
NC, NS = 2, 16
NW = NC * NS
CH = 2
NCROWS = N // CH
GPW = NCROWS // NW
GCHUNK = 32
NGCH = GPW // GCHUNK
TPW = NCROWS // NW
WPR = T // TPW
ROW_BLOCK = 1024
N_BLOCKS = NCROWS // ROW_BLOCK

_f32 = jnp.float32
_i32 = jnp.int32


def _sc_embed_body(tok_hbm, emb_hbm, out_hbm, idx_v, buf_a, buf_b,
                   gsem_a, gsem_b, wsem_a, wsem_b):
    c = lax.axis_index("c")
    s = lax.axis_index("s")
    wid = s * NC + c
    base = wid * GPW
    pltpu.sync_copy(tok_hbm.at[pl.ds(base, GPW)], idx_v)
    bufs = (buf_a, buf_b)
    gsems = (gsem_a, gsem_b)
    wsems = (wsem_a, wsem_b)
    gathers = [None] * NGCH
    writes = [None] * NGCH
    gathers[0] = pltpu.async_copy(
        emb_hbm.at[idx_v.at[pl.ds(0, GCHUNK)]], bufs[0], gsems[0])
    for ch in range(NGCH):
        cur = ch % 2
        gathers[ch].wait()
        writes[ch] = pltpu.async_copy(
            bufs[cur], out_hbm.at[pl.ds(base + ch * GCHUNK, GCHUNK)],
            wsems[cur])
        if ch + 1 < NGCH:
            nxt = (ch + 1) % 2
            if ch >= 1:
                writes[ch - 1].wait()
            gathers[ch + 1] = pltpu.async_copy(
                emb_hbm.at[idx_v.at[pl.ds((ch + 1) * GCHUNK, GCHUNK)]],
                bufs[nxt], gsems[nxt])
    writes[NGCH - 1].wait()


def _sc_embed_gather(tok, embedding):
    mesh = plsc.VectorSubcoreMesh(core_axis_name="c", subcore_axis_name="s")
    f = functools.partial(
        pl.kernel,
        mesh=mesh,
        out_type=jax.ShapeDtypeStruct((NCROWS, D), _f32),
        scratch_types=[
            pltpu.VMEM((GPW,), _i32),
            pltpu.VMEM((GCHUNK, D), _f32),
            pltpu.VMEM((GCHUNK, D), _f32),
            pltpu.SemaphoreType.DMA,
            pltpu.SemaphoreType.DMA,
            pltpu.SemaphoreType.DMA,
            pltpu.SemaphoreType.DMA,
        ],
    )(_sc_embed_body)
    return f(tok, embedding)


def _prologue_body(cb_ref, cbn_ref, tbl_ref, g_ref):
    cb = cb_ref[...]
    n2 = jnp.sum(cb * cb, axis=1, keepdims=True)
    n = jnp.sqrt(n2)
    mcol = jnp.maximum(n, 1e-12)
    cbn_ref[...] = (cb / mcol).astype(jnp.bfloat16)
    pn = cb / (n + 1e-6)
    p2 = pn * pn
    s2 = jnp.sum(p2, axis=1, keepdims=True)
    s4 = jnp.sum(p2 * p2, axis=1, keepdims=True)
    s6 = jnp.sum(p2 * p2 * p2, axis=1, keepdims=True)
    z = jnp.zeros_like(s2)
    tbl_ref[...] = jnp.concatenate(
        [s2.T, s4.T, s6.T, n2.T, mcol.T, z.T, z.T, z.T], axis=0)
    g_ref[...] = lax.dot_general(
        pn, pn, (((1,), (1,)), ((), ())),
        preferred_element_type=_f32, precision=lax.Precision.HIGHEST)


def _prologue(codebook):
    return pl.pallas_call(
        _prologue_body,
        out_shape=[
            jax.ShapeDtypeStruct((K, D), jnp.bfloat16),
            jax.ShapeDtypeStruct((8, K), _f32),
            jax.ShapeDtypeStruct((K, K), _f32),
        ],
    )(codebook)


def _main_body(ze_ref, cbn_ref, k_ref, rmm_ref, cs_ref, rn_ref):
    i = pl.program_id(0)
    ze = ze_ref[...]
    rown2 = jnp.sum(ze * ze, axis=1, keepdims=True)
    m_row = jnp.maximum(jnp.sqrt(rown2), 1e-12)
    fn = (ze / m_row).astype(jnp.bfloat16)
    sim = lax.dot_general(
        fn, cbn_ref[...], (((1,), (1,)), ((), ())),
        preferred_element_type=_f32)
    rowmax = jnp.max(sim, axis=1, keepdims=True)
    io = lax.broadcasted_iota(_i32, sim.shape, 1)
    kk = jnp.min(jnp.where(sim == rowmax, io, K), axis=1)
    k_ref[...] = kk
    rmm_ref[...] = (rowmax * m_row)[:, 0]
    p = jnp.exp(sim - rowmax)
    psum = lax.dot_general(
        p.astype(jnp.bfloat16), jnp.ones((K, 128), jnp.bfloat16),
        (((1,), (0,)), ((), ())), preferred_element_type=_f32)
    probs = p * (1.0 / psum[:, :1])

    @pl.when(i == 0)
    def _init():
        cs_ref[...] = jnp.zeros_like(cs_ref)
        rn_ref[...] = jnp.zeros_like(rn_ref)

    cs_ref[...] += jnp.sum(probs, axis=0, keepdims=True)
    rn_ref[...] += jnp.reshape(jnp.sum(rown2), (1, 1))


def _main(ze, cbn):
    return pl.pallas_call(
        _main_body,
        grid=(N_BLOCKS,),
        in_specs=[
            pl.BlockSpec((ROW_BLOCK, D), lambda i: (i, 0)),
            pl.BlockSpec((K, D), lambda i: (0, 0)),
        ],
        out_specs=[
            pl.BlockSpec((ROW_BLOCK,), lambda i: (i,)),
            pl.BlockSpec((ROW_BLOCK,), lambda i: (i,)),
            pl.BlockSpec((1, K), lambda i: (0, 0)),
            pl.BlockSpec((1, 1), lambda i: (0, 0)),
        ],
        out_shape=[
            jax.ShapeDtypeStruct((NCROWS,), _i32),
            jax.ShapeDtypeStruct((NCROWS,), _f32),
            jax.ShapeDtypeStruct((1, K), _f32),
            jax.ShapeDtypeStruct((1, 1), _f32),
        ],
    )(ze, cbn)


def _sc_tab_body(k_hbm, tbl_hbm, g_hbm,
                 s2o, s4o, s6o, c2o, mco, gno,
                 krow, tblv, gidx, s2b, s4b, s6b, c2b, mcb, gob, sem):
    c = lax.axis_index("c")
    s = lax.axis_index("s")
    wid = s * NC + c
    bl = wid // WPR
    t0 = (wid % WPR) * TPW
    pltpu.sync_copy(k_hbm.at[pl.ds(bl * T, T)], krow)
    pltpu.sync_copy(tbl_hbm, tblv)
    for j in range(TPW // 16):
        t = t0 + j * 16 + lax.iota(_i32, 16)
        iself = plsc.load_gather(krow, [t])
        inext = plsc.load_gather(krow, [lax.rem(t + 1, T)])
        sl = pl.ds(j * 16, 16)
        gidx[sl] = iself * K + inext
        s2b[sl] = plsc.load_gather(tblv, [iself])
        s4b[sl] = plsc.load_gather(tblv, [iself + K])
        s6b[sl] = plsc.load_gather(tblv, [iself + 2 * K])
        c2b[sl] = plsc.load_gather(tblv, [iself + 3 * K])
        mcb[sl] = plsc.load_gather(tblv, [iself + 4 * K])
    pltpu.async_copy(g_hbm.at[gidx], gob, sem).wait()
    base = wid * TPW
    pltpu.sync_copy(s2b, s2o.at[pl.ds(base, TPW)])
    pltpu.sync_copy(s4b, s4o.at[pl.ds(base, TPW)])
    pltpu.sync_copy(s6b, s6o.at[pl.ds(base, TPW)])
    pltpu.sync_copy(c2b, c2o.at[pl.ds(base, TPW)])
    pltpu.sync_copy(mcb, mco.at[pl.ds(base, TPW)])
    pltpu.sync_copy(gob, gno.at[pl.ds(base, TPW)])


def _sc_tab_gather(kchunk, tblflat, gflat):
    mesh = plsc.VectorSubcoreMesh(core_axis_name="c", subcore_axis_name="s")
    vecN = jax.ShapeDtypeStruct((NCROWS,), _f32)
    f = functools.partial(
        pl.kernel,
        mesh=mesh,
        compiler_params=pltpu.CompilerParams(needs_layout_passes=False),
        out_type=[vecN] * 6,
        scratch_types=[
            pltpu.VMEM((T,), _i32),
            pltpu.VMEM((8 * K,), _f32),
            pltpu.VMEM((TPW,), _i32),
            pltpu.VMEM((TPW,), _f32),
            pltpu.VMEM((TPW,), _f32),
            pltpu.VMEM((TPW,), _f32),
            pltpu.VMEM((TPW,), _f32),
            pltpu.VMEM((TPW,), _f32),
            pltpu.VMEM((TPW,), _f32),
            pltpu.SemaphoreType.DMA,
        ],
    )(_sc_tab_body)
    return f(kchunk, tblflat, gflat)


def _final_body(*refs):
    (s2c, s4c, s6c, c2c, mcc, gnc, rmc, kc) = (
        refs[i * CH:(i + 1) * CH] for i in range(8))
    csc = refs[8 * CH:9 * CH]
    rnc = refs[9 * CH:10 * CH]
    lm2, lg4, lg6, mu_ = refs[10 * CH:10 * CH + 4]
    sd_ref, q_ref, sm_ref, cl_ref, pp_ref = refs[10 * CH + 4:]
    m2 = jnp.exp(lm2[0, 0])
    g4 = jnp.exp(lg4[0, 0])
    g6 = jnp.exp(lg6[0, 0])
    emu = jnp.exp(mu_[0, 0])
    enmu = jnp.exp(-mu_[0, 0])
    cat = lambda rs: jnp.concatenate([r[...] for r in rs])
    s2 = cat(s2c)
    s4 = cat(s4c)
    s6 = cat(s6c)
    c2 = cat(c2c)
    mc = cat(mcc)
    gn = cat(gnc)
    rm = cat(rmc)
    tmod = lax.rem(lax.broadcasted_iota(_i32, (N,), 0), T)
    gp = jnp.where(tmod == 0, jnp.roll(gn, 1 - T), jnp.roll(gn, 1))
    chem = -0.5 * (emu * gn + enmu * gp)
    mass = (-0.5 * m2) * s2
    p4 = (-g4 / 24.0) * s4
    p6 = (-g6 / 720.0) * s6
    s2n = jnp.roll(s2, -1)
    kin = 0.5 * (s2 + s2n) - gn
    sd = mass + p4 + p6 + chem + jnp.where(tmod < T - 1, kin, 0.0)
    sd_ref[...] = jnp.reshape(sd, (B, T))
    q_ref[...] = jnp.reshape(cat(kc), (B, T))
    sm_ref[...] = jnp.reshape(
        jnp.stack([jnp.sum(sd[b * T:(b + 1) * T]) for b in range(B)]), (1, B))
    rntot = sum(r[0, 0] for r in rnc)
    commit = (rntot - 2.0 * jnp.sum(rm * mc)
              + jnp.sum(c2)) * (1.0 / (N * D))
    cl_ref[...] = jnp.reshape(commit, (1, 1))
    avg = sum(c[...] for c in csc) * (1.0 / N)
    pp = jnp.exp(-jnp.sum(avg * jnp.log(avg + 1e-10)))
    pp_ref[...] = jnp.reshape(pp, (1, 1))


def _final(args):
    return pl.pallas_call(
        _final_body,
        out_shape=[
            jax.ShapeDtypeStruct((B, T), _f32),
            jax.ShapeDtypeStruct((B, T), _i32),
            jax.ShapeDtypeStruct((1, B), _f32),
            jax.ShapeDtypeStruct((1, 1), _f32),
            jax.ShapeDtypeStruct((1, 1), _f32),
        ],
    )(*args)


def kernel(token_ids, embedding, codebook, log_m2, log_g4, log_g6, mu):
    tok = token_ids.reshape(-1).astype(_i32)
    zes = [_sc_embed_gather(tok[c * NCROWS:(c + 1) * NCROWS], embedding)
           for c in range(CH)]
    cbn, tbl, g = _prologue(codebook)
    tblflat = tbl.reshape(-1)
    gflat = g.reshape(-1)
    mains = [_main(ze, cbn) for ze in zes]
    tabs = [_sc_tab_gather(m[0], tblflat, gflat) for m in mains]
    p11 = lambda x: jnp.reshape(x.astype(_f32), (1, 1))
    args = []
    for i in range(6):
        args += [t[i] for t in tabs]
    args += [m[1] for m in mains]
    args += [m[0] for m in mains]
    args += [m[2] for m in mains]
    args += [m[3] for m in mains]
    args += [p11(log_m2), p11(log_g4), p11(log_g6), p11(mu)]
    sd, quanta, sm, cl, pp = _final(args)
    return (sm.reshape(B), sd, quanta, cl.reshape(()), pp.reshape(()))

# --- scband reference (transcript-rebuilt; emitter-appended) ---
"""Pipeline reference for scband-minkowski-field-lm-26379689132412 (READ-ONLY COPY).

The authoritative reference and input builder live on the scoring server;
editing this copy changes nothing except your own understanding.
"""

import jax, jax.numpy as jnp
import numpy as np

B, T = 4, 2048
VOCAB, D, K = 50000, 1024, 512


def _normalize(x, eps=1e-12):
    n = jnp.linalg.norm(x, axis=-1, keepdims=True)
    return x / jnp.maximum(n, eps)


def setup_inputs(seed: int = 0) -> dict:
    key = jax.random.key(seed)
    k1, k2, k3 = jax.random.split(key, 3)
    token_ids = jax.random.randint(k1, (B, T), 0, VOCAB)
    embedding = jax.random.normal(k2, (VOCAB, D), dtype=jnp.float32) * 0.02
    cb = jax.random.normal(k3, (K, D), dtype=jnp.float32)
    codebook = _normalize(cb)
    return {
        "token_ids": token_ids,
        "embedding": embedding,
        "codebook": codebook,
        "log_m2": jnp.array(0.0, dtype=jnp.float32),
        "log_g4": jnp.array(-1.5, dtype=jnp.float32),
        "log_g6": jnp.array(-2.5, dtype=jnp.float32),
        "mu": jnp.array(0.15, dtype=jnp.float32),
    }


def reference(token_ids, embedding, codebook, log_m2, log_g4, log_g6, mu):
    # --- QuantizedFieldEmbedding (eval mode: no EMA buffer updates) ---
    z_e = jnp.take(embedding, token_ids, axis=0)  # [B, T, D]
    flat = z_e.reshape(-1, D)
    flat_n = _normalize(flat)
    cb_n = _normalize(codebook)
    sim = flat_n @ cb_n.T  # [B*T, K]
    k = jnp.argmax(sim, axis=-1)
    z_q = jnp.take(codebook, k, axis=0).reshape(z_e.shape)
    # straight-through estimator
    phi = z_e + jax.lax.stop_gradient(z_q - z_e)
    commit_loss = jnp.mean((z_e - jax.lax.stop_gradient(z_q)) ** 2)
    avg_probs = jax.nn.softmax(sim, axis=-1).mean(axis=0)
    perplexity = jnp.exp(-jnp.sum(avg_probs * jnp.log(avg_probs + 1e-10)))

    # --- MinkowskiAction ---
    phi_n = phi / (jnp.linalg.norm(phi, axis=-1, keepdims=True) + 1e-06)
    dphi = phi_n[:, 1:] - phi_n[:, :-1]
    kinetic = 0.5 * (dphi ** 2).sum(axis=-1)  # [B, T-1]
    m2 = jnp.exp(log_m2)
    g4 = jnp.exp(log_g4)
    g6 = jnp.exp(log_g6)
    mass = -0.5 * m2 * (phi_n ** 2).sum(axis=-1)
    phi4 = -(g4 / 24.0) * (phi_n ** 4).sum(axis=-1)
    phi6 = -(g6 / 720.0) * (phi_n ** 6).sum(axis=-1)
    hop_fwd = (jnp.roll(phi_n, -1, axis=1) * phi_n).sum(axis=-1)
    hop_bwd = (jnp.roll(phi_n, 1, axis=1) * phi_n).sum(axis=-1)
    chem = -0.5 * (jnp.exp(mu) * hop_fwd + jnp.exp(-mu) * hop_bwd)
    S_density = mass + phi4 + phi6 + chem
    S_density = S_density.at[:, :-1].add(kinetic)
    S_M_scalar = S_density.sum(axis=-1)  # [B]

    quanta_ids = k.reshape(token_ids.shape)
    return (S_M_scalar, S_density, quanta_ids, commit_loss, perplexity)

if __name__ == "__main__":
    import jax
    _d = setup_inputs()
    print(jax.jit(kernel)(*tuple(_d.values())))

</pallas_src>

<mosaic_0001>
#map = affine_map<(d0, d1) -> (0)>
module attributes {stable_mosaic.version = 14 : i64} {
  func.func @_sc_tab_body(%arg0: i32, %arg1: i32, %arg2: memref<4096xi32, #tpu.memory_space<hbm>>, %arg3: memref<4096xf32, #tpu.memory_space<hbm>>, %arg4: memref<262144xf32, #tpu.memory_space<hbm>>, %arg5: memref<4096xf32, #tpu.memory_space<hbm>>, %arg6: memref<4096xf32, #tpu.memory_space<hbm>>, %arg7: memref<4096xf32, #tpu.memory_space<hbm>>, %arg8: memref<4096xf32, #tpu.memory_space<hbm>>, %arg9: memref<4096xf32, #tpu.memory_space<hbm>>, %arg10: memref<4096xf32, #tpu.memory_space<hbm>>, %arg11: memref<2048xi32, #tpu.memory_space<vmem>>, %arg12: memref<4096xf32, #tpu.memory_space<vmem>>, %arg13: memref<128xi32, #tpu.memory_space<vmem>>, %arg14: memref<128xf32, #tpu.memory_space<vmem>>, %arg15: memref<128xf32, #tpu.memory_space<vmem>>, %arg16: memref<128xf32, #tpu.memory_space<vmem>>, %arg17: memref<128xf32, #tpu.memory_space<vmem>>, %arg18: memref<128xf32, #tpu.memory_space<vmem>>, %arg19: memref<128xf32, #tpu.memory_space<vmem>>, %arg20: memref<!tpu.dma_semaphore, #tpu.memory_space<semaphore_mem>>) attributes {dimension_semantics = [#tpu.dimension_semantics<core_parallel>, #tpu.dimension_semantics<subcore_parallel>], iteration_bounds = array<i64: 2, 16>, scalar_prefetch = 0 : i64, scratch_operands = 10 : i64, tpu.core_type = #tpu.core_type<sc_vector_subcore>, window_params = [{transform_indices = #map}, {transform_indices = #map}, {transform_indices = #map}, {transform_indices = #map}, {transform_indices = #map}, {transform_indices = #map}, {transform_indices = #map}, {transform_indices = #map}, {transform_indices = #map}]} {
    %mul3A = arith.constant 2 : i32
    %mul3A_0 = arith.muli %arg1, %mul3A : i32
    %add3A = arith.addi %mul3A_0, %arg0 : i32
    %jit3A = arith.constant 16 : i32
    %div3A = arith.divsi %add3A, %jit3A : i32
    %sign3A = arith.constant 0 : i32
    %sign3A_1 = arith.cmpi sgt, %add3A, %sign3A : i32
    %sign3A_2 = arith.extui %sign3A_1 : i1 to i32
    %sign3A_3 = arith.constant 0 : i32
    %sign3A_4 = arith.cmpi slt, %add3A, %sign3A_3 : i32
    %sign3A_5 = arith.extui %sign3A_4 : i1 to i32
    %sign3A_6 = arith.subi %sign3A_2, %sign3A_5 : i32
    %sign3A_7 = arith.constant 0 : i32
    %sign3A_8 = arith.cmpi sgt, %jit3A, %sign3A_7 : i32
    %sign3A_9 = arith.extui %sign3A_8 : i1 to i32
    %sign3A_10 = arith.constant 0 : i32
    %sign3A_11 = arith.cmpi slt, %jit3A, %sign3A_10 : i32
    %sign3A_12 = arith.extui %sign3A_11 : i1 to i32
    %sign3A_13 = arith.subi %sign3A_9, %sign3A_12 : i32
    %ne3A = arith.cmpi ne, %sign3A_6, %sign3A_13 : i32
    %rem3A = arith.remsi %add3A, %jit3A : i32
    %ne3A_14 = arith.constant 0 : i32
    %ne3A_15 = arith.cmpi ne, %rem3A, %ne3A_14 : i32
    %and3A = arith.andi %ne3A, %ne3A_15 : i1
    %sub3A = arith.constant 1 : i32
    %sub3A_16 = arith.subi %div3A, %sub3A : i32
    %select_n3A = arith.select %and3A, %sub3A_16, %div3A : i32
    %jit3A_17 = arith.constant 16 : i32
    %eq3A = arith.constant 0 : i32
    %eq3A_18 = arith.cmpi eq, %jit3A_17, %eq3A : i32
    %jit3A_19 = arith.constant 1 : i32
    %select_n3A_20 = arith.select %eq3A_18, %jit3A_19, %jit3A_17 : i32
    %rem3A_21 = arith.remsi %add3A, %select_n3A_20 : i32
    %ne3A_22 = arith.constant 0 : i32
    %ne3A_23 = arith.cmpi ne, %rem3A_21, %ne3A_22 : i32
    %lt3A = arith.constant 0 : i32
    %lt3A_24 = arith.cmpi slt, %rem3A_21, %lt3A : i32
    %lt3A_25 = arith.constant 0 : i32
    %lt3A_26 = arith.cmpi slt, %select_n3A_20, %lt3A_25 : i32
    %ne3A_27 = arith.xori %lt3A_24, %lt3A_26 : i1
    %and3A_28 = arith.andi %ne3A_27, %ne3A_23 : i1
    %add3A_29 = arith.addi %rem3A_21, %select_n3A_20 : i32
    %select_n3A_30 = arith.select %and3A_28, %add3A_29, %rem3A_21 : i32
    %mul3A_31 = arith.constant 128 : i32
    %mul3A_32 = arith.muli %select_n3A_30, %mul3A_31 : i32
    %mul3A_33 = arith.constant 2048 : i32
    %mul3A_34 = arith.muli %select_n3A, %mul3A_33 : i32
    "tpu.region"() ({
      %run_scoped3A = tpu.sem_alloc : memref<!tpu.dma_semaphore, #tpu.memory_space<semaphore_mem>>
      %dma_start3A_404 = tpu.memref_slice %arg2[%mul3A_34] : memref<4096xi32, #tpu.memory_space<hbm>> -> memref<2048xi32, #tpu.memory_space<hbm>>
      %dma_start3A_405 = tpu.memref_slice %arg2[%mul3A_34] : memref<4096xi32, #tpu.memory_space<hbm>> -> memref<2048xi32, #tpu.memory_space<hbm>>
      tpu.enqueue_dma source(%dma_start3A_405 : memref<2048xi32, #tpu.memory_space<hbm>>) target(%arg11 : memref<2048xi32, #tpu.memory_space<vmem>>) target_semaphore(%run_scoped3A : memref<!tpu.dma_semaphore, #tpu.memory_space<semaphore_mem>>)
      %dma_wait3A_406 = tpu.memref_slice %arg2[%mul3A_34] : memref<4096xi32, #tpu.memory_space<hbm>> -> memref<2048xi32, #tpu.memory_space<hbm>>
      %dma_wait3A_407 = tpu.memref_slice %arg2[%mul3A_34] : memref<4096xi32, #tpu.memory_space<hbm>> -> memref<2048xi32, #tpu.memory_space<hbm>>
      tpu.wait_dma2 semaphore(%run_scoped3A : memref<!tpu.dma_semaphore, #tpu.memory_space<semaphore_mem>>) src(%dma_wait3A_407 : memref<2048xi32, #tpu.memory_space<hbm>>) dst(%arg11 : memref<2048xi32, #tpu.memory_space<vmem>>)
      tpu.yield
    }) : () -> ()
    "tpu.region"() ({
      %run_scoped3A = tpu.sem_alloc : memref<!tpu.dma_semaphore, #tpu.memory_space<semaphore_mem>>
      tpu.enqueue_dma source(%arg3 : memref<4096xf32, #tpu.memory_space<hbm>>) target(%arg12 : memref<4096xf32, #tpu.memory_space<vmem>>) target_semaphore(%run_scoped3A : memref<!tpu.dma_semaphore, #tpu.memory_space<semaphore_mem>>)
      tpu.wait_dma2 semaphore(%run_scoped3A : memref<!tpu.dma_semaphore, #tpu.memory_space<semaphore_mem>>) src(%arg3 : memref<4096xf32, #tpu.memory_space<hbm>>) dst(%arg12 : memref<4096xf32, #tpu.memory_space<vmem>>)
      tpu.yield
    }) : () -> ()
    %add3A_35 = arith.constant 0 : i32
    %add3A_36 = arith.addi %mul3A_32, %add3A_35 : i32
    %iota3A = tpu.iota {dimensions = array<i32: 0>} : vector<16xi32>
    %add3A_37 = vector.broadcast %add3A_36 : i32 to vector<16xi32>
    %add3A_38 = arith.addi %add3A_37, %iota3A : vector<16xi32>
    %gather3A = tpu.vector_load_idx %arg11[%add3A_38] : memref<2048xi32, #tpu.memory_space<vmem>>[vector<16xi32>], vector<16xi32>,
    %add3A_39 = arith.constant 1 : i32
    %add3A_40 = vector.broadcast %add3A_39 : i32 to vector<16xi32>
    %add3A_41 = arith.addi %add3A_38, %add3A_40 : vector<16xi32>
    %rem3A_42 = arith.constant 2048 : i32
    %rem3A_43 = vector.broadcast %rem3A_42 : i32 to vector<16xi32>
    %rem3A_44 = arith.remsi %add3A_41, %rem3A_43 : vector<16xi32>
    %gather3A_45 = tpu.vector_load_idx %arg11[%rem3A_44] : memref<2048xi32, #tpu.memory_space<vmem>>[vector<16xi32>], vector<16xi32>,
    %mul3A_46 = arith.constant 512 : i32
    %mul3A_47 = vector.broadcast %mul3A_46 : i32 to vector<16xi32>
    %mul3A_48 = arith.muli %gather3A, %mul3A_47 : vector<16xi32>
    %add3A_49 = arith.addi %mul3A_48, %gather3A_45 : vector<16xi32>
    %swap3A = arith.constant 0 : index
    %swap3A_50 = tpu.vector_load %arg13[%swap3A] {strides = array<i32>} : memref<128xi32, #tpu.memory_space<vmem>>, vector<16xi32>,
    tpu.vector_store %arg13[%swap3A], %add3A_49 {strides = array<i32>} : memref<128xi32, #tpu.memory_space<vmem>>, vector<16xi32>,
    %gather3A_51 = tpu.vector_load_idx %arg12[%gather3A] : memref<4096xf32, #tpu.memory_space<vmem>>[vector<16xi32>], vector<16xf32>,
    %swap3A_52 = arith.constant 0 : index
    %swap3A_53 = tpu.vector_load %arg14[%swap3A_52] {strides = array<i32>} : memref<128xf32, #tpu.memory_space<vmem>>, vector<16xf32>,
    tpu.vector_store %arg14[%swap3A_52], %gather3A_51 {strides = array<i32>} : memref<128xf32, #tpu.memory_space<vmem>>, vector<16xf32>,
    %add3A_54 = arith.constant 512 : i32
    %add3A_55 = vector.broadcast %add3A_54 : i32 to vector<16xi32>
    %add3A_56 = arith.addi %gather3A, %add3A_55 : vector<16xi32>
    %gather3A_57 = tpu.vector_load_idx %arg12[%add3A_56] : memref<4096xf32, #tpu.memory_space<vmem>>[vector<16xi32>], vector<16xf32>,
    %swap3A_58 = arith.constant 0 : index
    %swap3A_59 = tpu.vector_load %arg15[%swap3A_58] {strides = array<i32>} : memref<128xf32, #tpu.memory_space<vmem>>, vector<16xf32>,
    tpu.vector_store %arg15[%swap3A_58], %gather3A_57 {strides = array<i32>} : memref<128xf32, #tpu.memory_space<vmem>>, vector<16xf32>,
    %add3A_60 = arith.constant 1024 : i32
    %add3A_61 = vector.broadcast %add3A_60 : i32 to vector<16xi32>
    %add3A_62 = arith.addi %gather3A, %add3A_61 : vector<16xi32>
    %gather3A_63 = tpu.vector_load_idx %arg12[%add3A_62] : memref<4096xf32, #tpu.memory_space<vmem>>[vector<16xi32>], vector<16xf32>,
    %swap3A_64 = arith.constant 0 : index
    %swap3A_65 = tpu.vector_load %arg16[%swap3A_64] {strides = array<i32>} : memref<128xf32, #tpu.memory_space<vmem>>, vector<16xf32>,
    tpu.vector_store %arg16[%swap3A_64], %gather3A_63 {strides = array<i32>} : memref<128xf32, #tpu.memory_space<vmem>>, vector<16xf32>,
    %add3A_66 = arith.constant 1536 : i32
    %add3A_67 = vector.broadcast %add3A_66 : i32 to vector<16xi32>
    %add3A_68 = arith.addi %gather3A, %add3A_67 : vector<16xi32>
    %gather3A_69 = tpu.vector_load_idx %arg12[%add3A_68] : memref<4096xf32, #tpu.memory_space<vmem>>[vector<16xi32>], vector<16xf32>,
    %swap3A_70 = arith.constant 0 : index
    %swap3A_71 = tpu.vector_load %arg17[%swap3A_70] {strides = array<i32>} : memref<128xf32, #tpu.memory_space<vmem>>, vector<16xf32>,
    tpu.vector_store %arg17[%swap3A_70], %gather3A_69 {strides = array<i32>} : memref<128xf32, #tpu.memory_space<vmem>>, vector<16xf32>,
    %add3A_72 = arith.constant 2048 : i32
    %add3A_73 = vector.broadcast %add3A_72 : i32 to vector<16xi32>
    %add3A_74 = arith.addi %gather3A, %add3A_73 : vector<16xi32>
    %gather3A_75 = tpu.vector_load_idx %arg12[%add3A_74] : memref<4096xf32, #tpu.memory_space<vmem>>[vector<16xi32>], vector<16xf32>,
    %swap3A_76 = arith.constant 0 : index
    %swap3A_77 = tpu.vector_load %arg18[%swap3A_76] {strides = array<i32>} : memref<128xf32, #tpu.memory_space<vmem>>, vector<16xf32>,
    tpu.vector_store %arg18[%swap3A_76], %gather3A_75 {strides = array<i32>} : memref<128xf32, #tpu.memory_space<vmem>>, vector<16xf32>,
    %add3A_78 = arith.constant 16 : i32
    %add3A_79 = arith.addi %mul3A_32, %add3A_78 : i32
    %iota3A_80 = tpu.iota {dimensions = array<i32: 0>} : vector<16xi32>
    %add3A_81 = vector.broadcast %add3A_79 : i32 to vector<16xi32>
    %add3A_82 = arith.addi %add3A_81, %iota3A_80 : vector<16xi32>
    %gather3A_83 = tpu.vector_load_idx %arg11[%add3A_82] : memref<2048xi32, #tpu.memory_space<vmem>>[vector<16xi32>], vector<16xi32>,
    %add3A_84 = arith.constant 1 : i32
    %add3A_85 = vector.broadcast %add3A_84 : i32 to vector<16xi32>
    %add3A_86 = arith.addi %add3A_82, %add3A_85 : vector<16xi32>
    %rem3A_87 = arith.constant 2048 : i32
    %rem3A_88 = vector.broadcast %rem3A_87 : i32 to vector<16xi32>
    %rem3A_89 = arith.remsi %add3A_86, %rem3A_88 : vector<16xi32>
    %gather3A_90 = tpu.vector_load_idx %arg11[%rem3A_89] : memref<2048xi32, #tpu.memory_space<vmem>>[vector<16xi32>], vector<16xi32>,
    %mul3A_91 = arith.constant 512 : i32
    %mul3A_92 = vector.broadcast %mul3A_91 : i32 to vector<16xi32>
    %mul3A_93 = arith.muli %gather3A_83, %mul3A_92 : vector<16xi32>
    %add3A_94 = arith.addi %mul3A_93, %gather3A_90 : vector<16xi32>
    %swap3A_95 = arith.constant 16 : index
    %swap3A_96 = tpu.vector_load %arg13[%swap3A_95] {strides = array<i32>} : memref<128xi32, #tpu.memory_space<vmem>>, vector<16xi32>,
    tpu.vector_store %arg13[%swap3A_95], %add3A_94 {strides = array<i32>} : memref<128xi32, #tpu.memory_space<vmem>>, vector<16xi32>,
    %gather3A_97 = tpu.vector_load_idx %arg12[%gather3A_83] : memref<4096xf32, #tpu.memory_space<vmem>>[vector<16xi32>], vector<16xf32>,
    %swap3A_98 = arith.constant 16 : index
    %swap3A_99 = tpu.vector_load %arg14[%swap3A_98] {strides = array<i32>} : memref<128xf32, #tpu.memory_space<vmem>>, vector<16xf32>,
    tpu.vector_store %arg14[%swap3A_98], %gather3A_97 {strides = array<i32>} : memref<128xf32, #tpu.memory_space<vmem>>, vector<16xf32>,
    %add3A_100 = arith.constant 512 : i32
    %add3A_101 = vector.broadcast %add3A_100 : i32 to vector<16xi32>
    %add3A_102 = arith.addi %gather3A_83, %add3A_101 : vector<16xi32>
    %gather3A_103 = tpu.vector_load_idx %arg12[%add3A_102] : memref<4096xf32, #tpu.memory_space<vmem>>[vector<16xi32>], vector<16xf32>,
    %swap3A_104 = arith.constant 16 : index
    %swap3A_105 = tpu.vector_load %arg15[%swap3A_104] {strides = array<i32>} : memref<128xf32, #tpu.memory_space<vmem>>, vector<16xf32>,
    tpu.vector_store %arg15[%swap3A_104], %gather3A_103 {strides = array<i32>} : memref<128xf32, #tpu.memory_space<vmem>>, vector<16xf32>,
    %add3A_106 = arith.constant 1024 : i32
    %add3A_107 = vector.broadcast %add3A_106 : i32 to vector<16xi32>
    %add3A_108 = arith.addi %gather3A_83, %add3A_107 : vector<16xi32>
    %gather3A_109 = tpu.vector_load_idx %arg12[%add3A_108] : memref<4096xf32, #tpu.memory_space<vmem>>[vector<16xi32>], vector<16xf32>,
    %swap3A_110 = arith.constant 16 : index
    %swap3A_111 = tpu.vector_load %arg16[%swap3A_110] {strides = array<i32>} : memref<128xf32, #tpu.memory_space<vmem>>, vector<16xf32>,
    tpu.vector_store %arg16[%swap3A_110], %gather3A_109 {strides = array<i32>} : memref<128xf32, #tpu.memory_space<vmem>>, vector<16xf32>,
    %add3A_112 = arith.constant 1536 : i32
    %add3A_113 = vector.broadcast %add3A_112 : i32 to vector<16xi32>
    %add3A_114 = arith.addi %gather3A_83, %add3A_113 : vector<16xi32>
    %gather3A_115 = tpu.vector_load_idx %arg12[%add3A_114] : memref<4096xf32, #tpu.memory_space<vmem>>[vector<16xi32>], vector<16xf32>,
    %swap3A_116 = arith.constant 16 : index
    %swap3A_117 = tpu.vector_load %arg17[%swap3A_116] {strides = array<i32>} : memref<128xf32, #tpu.memory_space<vmem>>, vector<16xf32>,
    tpu.vector_store %arg17[%swap3A_116], %gather3A_115 {strides = array<i32>} : memref<128xf32, #tpu.memory_space<vmem>>, vector<16xf32>,
    %add3A_118 = arith.constant 2048 : i32
    %add3A_119 = vector.broadcast %add3A_118 : i32 to vector<16xi32>
    %add3A_120 = arith.addi %gather3A_83, %add3A_119 : vector<16xi32>
    %gather3A_121 = tpu.vector_load_idx %arg12[%add3A_120] : memref<4096xf32, #tpu.memory_space<vmem>>[vector<16xi32>], vector<16xf32>,
    %swap3A_122 = arith.constant 16 : index
    %swap3A_123 = tpu.vector_load %arg18[%swap3A_122] {strides = array<i32>} : memref<128xf32, #tpu.memory_space<vmem>>, vector<16xf32>,
    tpu.vector_store %arg18[%swap3A_122], %gather3A_121 {strides = array<i32>} : memref<128xf32, #tpu.memory_space<vmem>>, vector<16xf32>,
    %add3A_124 = arith.constant 32 : i32
    %add3A_125 = arith.addi %mul3A_32, %add3A_124 : i32
    %iota3A_126 = tpu.iota {dimensions = array<i32: 0>} : vector<16xi32>
    %add3A_127 = vector.broadcast %add3A_125 : i32 to vector<16xi32>
    %add3A_128 = arith.addi %add3A_127, %iota3A_126 : vector<16xi32>
    %gather3A_129 = tpu.vector_load_idx %arg11[%add3A_128] : memref<2048xi32, #tpu.memory_space<vmem>>[vector<16xi32>], vector<16xi32>,
    %add3A_130 = arith.constant 1 : i32
    %add3A_131 = vector.broadcast %add3A_130 : i32 to vector<16xi32>
    %add3A_132 = arith.addi %add3A_128, %add3A_131 : vector<16xi32>
    %rem3A_133 = arith.constant 2048 : i32
    %rem3A_134 = vector.broadcast %rem3A_133 : i32 to vector<16xi32>
    %rem3A_135 = arith.remsi %add3A_132, %rem3A_134 : vector<16xi32>
    %gather3A_136 = tpu.vector_load_idx %arg11[%rem3A_135] : memref<2048xi32, #tpu.memory_space<vmem>>[vector<16xi32>], vector<16xi32>,
    %mul3A_137 = arith.constant 512 : i32
    %mul3A_138 = vector.broadcast %mul3A_137 : i32 to vector<16xi32>
    %mul3A_139 = arith.muli %gather3A_129, %mul3A_138 : vector<16xi32>
    %add3A_140 = arith.addi %mul3A_139, %gather3A_136 : vector<16xi32>
    %swap3A_141 = arith.constant 32 : index
    %swap3A_142 = tpu.vector_load %arg13[%swap3A_141] {strides = array<i32>} : memref<128xi32, #tpu.memory_space<vmem>>, vector<16xi32>,
    tpu.vector_store %arg13[%swap3A_141], %add3A_140 {strides = array<i32>} : memref<128xi32, #tpu.memory_space<vmem>>, vector<16xi32>,
    %gather3A_143 = tpu.vector_load_idx %arg12[%gather3A_129] : memref<4096xf32, #tpu.memory_space<vmem>>[vector<16xi32>], vector<16xf32>,
    %swap3A_144 = arith.constant 32 : index
    %swap3A_145 = tpu.vector_load %arg14[%swap3A_144] {strides = array<i32>} : memref<128xf32, #tpu.memory_space<vmem>>, vector<16xf32>,
    tpu.vector_store %arg14[%swap3A_144], %gather3A_143 {strides = array<i32>} : memref<128xf32, #tpu.memory_space<vmem>>, vector<16xf32>,
    %add3A_146 = arith.constant 512 : i32
    %add3A_147 = vector.broadcast %add3A_146 : i32 to vector<16xi32>
    %add3A_148 = arith.addi %gather3A_129, %add3A_147 : vector<16xi32>
    %gather3A_149 = tpu.vector_load_idx %arg12[%add3A_148] : memref<4096xf32, #tpu.memory_space<vmem>>[vector<16xi32>], vector<16xf32>,
    %swap3A_150 = arith.constant 32 : index
    %swap3A_151 = tpu.vector_load %arg15[%swap3A_150] {strides = array<i32>} : memref<128xf32, #tpu.memory_space<vmem>>, vector<16xf32>,
    tpu.vector_store %arg15[%swap3A_150], %gather3A_149 {strides = array<i32>} : memref<128xf32, #tpu.memory_space<vmem>>, vector<16xf32>,
    %add3A_152 = arith.constant 1024 : i32
    %add3A_153 = vector.broadcast %add3A_152 : i32 to vector<16xi32>
    %add3A_154 = arith.addi %gather3A_129, %add3A_153 : vector<16xi32>
    %gather3A_155 = tpu.vector_load_idx %arg12[%add3A_154] : memref<4096xf32, #tpu.memory_space<vmem>>[vector<16xi32>], vector<16xf32>,
    %swap3A_156 = arith.constant 32 : index
    %swap3A_157 = tpu.vector_load %arg16[%swap3A_156] {strides = array<i32>} : memref<128xf32, #tpu.memory_space<vmem>>, vector<16xf32>,
    tpu.vector_store %arg16[%swap3A_156], %gather3A_155 {strides = array<i32>} : memref<128xf32, #tpu.memory_space<vmem>>, vector<16xf32>,
    %add3A_158 = arith.constant 1536 : i32
    %add3A_159 = vector.broadcast %add3A_158 : i32 to vector<16xi32>
    %add3A_160 = arith.addi %gather3A_129, %add3A_159 : vector<16xi32>
    %gather3A_161 = tpu.vector_load_idx %arg12[%add3A_160] : memref<4096xf32, #tpu.memory_space<vmem>>[vector<16xi32>], vector<16xf32>,
    %swap3A_162 = arith.constant 32 : index
    %swap3A_163 = tpu.vector_load %arg17[%swap3A_162] {strides = array<i32>} : memref<128xf32, #tpu.memory_space<vmem>>, vector<16xf32>,
    tpu.vector_store %arg17[%swap3A_162], %gather3A_161 {strides = array<i32>} : memref<128xf32, #tpu.memory_space<vmem>>, vector<16xf32>,
    %add3A_164 = arith.constant 2048 : i32
    %add3A_165 = vector.broadcast %add3A_164 : i32 to vector<16xi32>
    %add3A_166 = arith.addi %gather3A_129, %add3A_165 : vector<16xi32>
    %gather3A_167 = tpu.vector_load_idx %arg12[%add3A_166] : memref<4096xf32, #tpu.memory_space<vmem>>[vector<16xi32>], vector<16xf32>,
    %swap3A_168 = arith.constant 32 : index
    %swap3A_169 = tpu.vector_load %arg18[%swap3A_168] {strides = array<i32>} : memref<128xf32, #tpu.memory_space<vmem>>, vector<16xf32>,
    tpu.vector_store %arg18[%swap3A_168], %gather3A_167 {strides = array<i32>} : memref<128xf32, #tpu.memory_space<vmem>>, vector<16xf32>,
    %add3A_170 = arith.constant 48 : i32
    %add3A_171 = arith.addi %mul3A_32, %add3A_170 : i32
    %iota3A_172 = tpu.iota {dimensions = array<i32: 0>} : vector<16xi32>
    %add3A_173 = vector.broadcast %add3A_171 : i32 to vector<16xi32>
    %add3A_174 = arith.addi %add3A_173, %iota3A_172 : vector<16xi32>
    %gather3A_175 = tpu.vector_load_idx %arg11[%add3A_174] : memref<2048xi32, #tpu.memory_space<vmem>>[vector<16xi32>], vector<16xi32>,
    %add3A_176 = arith.constant 1 : i32
    %add3A_177 = vector.broadcast %add3A_176 : i32 to vector<16xi32>
    %add3A_178 = arith.addi %add3A_174, %add3A_177 : vector<16xi32>
    %rem3A_179 = arith.constant 2048 : i32
    %rem3A_180 = vector.broadcast %rem3A_179 : i32 to vector<16xi32>
    %rem3A_181 = arith.remsi %add3A_178, %rem3A_180 : vector<16xi32>
    %gather3A_182 = tpu.vector_load_idx %arg11[%rem3A_181] : memref<2048xi32, #tpu.memory_space<vmem>>[vector<16xi32>], vector<16xi32>,
    %mul3A_183 = arith.constant 512 : i32
    %mul3A_184 = vector.broadcast %mul3A_183 : i32 to vector<16xi32>
    %mul3A_185 = arith.muli %gather3A_175, %mul3A_184 : vector<16xi32>
    %add3A_186 = arith.addi %mul3A_185, %gather3A_182 : vector<16xi32>
    %swap3A_187 = arith.constant 48 : index
    %swap3A_188 = tpu.vector_load %arg13[%swap3A_187] {strides = array<i32>} : memref<128xi32, #tpu.memory_space<vmem>>, vector<16xi32>,
    tpu.vector_store %arg13[%swap3A_187], %add3A_186 {strides = array<i32>} : memref<128xi32, #tpu.memory_space<vmem>>, vector<16xi32>,
    %gather3A_189 = tpu.vector_load_idx %arg12[%gather3A_175] : memref<4096xf32, #tpu.memory_space<vmem>>[vector<16xi32>], vector<16xf32>,
    %swap3A_190 = arith.constant 48 : index
    %swap3A_191 = tpu.vector_load %arg14[%swap3A_190] {strides = array<i32>} : memref<128xf32, #tpu.memory_space<vmem>>, vector<16xf32>,
    tpu.vector_store %arg14[%swap3A_190], %gather3A_189 {strides = array<i32>} : memref<128xf32, #tpu.memory_space<vmem>>, vector<16xf32>,
    %add3A_192 = arith.constant 512 : i32
    %add3A_193 = vector.broadcast %add3A_192 : i32 to vector<16xi32>
    %add3A_194 = arith.addi %gather3A_175, %add3A_193 : vector<16xi32>
    %gather3A_195 = tpu.vector_load_idx %arg12[%add3A_194] : memref<4096xf32, #tpu.memory_space<vmem>>[vector<16xi32>], vector<16xf32>,
    %swap3A_196 = arith.constant 48 : index
    %swap3A_197 = tpu.vector_load %arg15[%swap3A_196] {strides = array<i32>} : memref<128xf32, #tpu.memory_space<vmem>>, vector<16xf32>,
    tpu.vector_store %arg15[%swap3A_196], %gather3A_195 {strides = array<i32>} : memref<128xf32, #tpu.memory_space<vmem>>, vector<16xf32>,
    %add3A_198 = arith.constant 1024 : i32
    %add3A_199 = vector.broadcast %add3A_198 : i32 to vector<16xi32>
    %add3A_200 = arith.addi %gather3A_175, %add3A_199 : vector<16xi32>
    %gather3A_201 = tpu.vector_load_idx %arg12[%add3A_200] : memref<4096xf32, #tpu.memory_space<vmem>>[vector<16xi32>], vector<16xf32>,
    %swap3A_202 = arith.constant 48 : index
    %swap3A_203 = tpu.vector_load %arg16[%swap3A_202] {strides = array<i32>} : memref<128xf32, #tpu.memory_space<vmem>>, vector<16xf32>,
    tpu.vector_store %arg16[%swap3A_202], %gather3A_201 {strides = array<i32>} : memref<128xf32, #tpu.memory_space<vmem>>, vector<16xf32>,
    %add3A_204 = arith.constant 1536 : i32
    %add3A_205 = vector.broadcast %add3A_204 : i32 to vector<16xi32>
    %add3A_206 = arith.addi %gather3A_175, %add3A_205 : vector<16xi32>
    %gather3A_207 = tpu.vector_load_idx %arg12[%add3A_206] : memref<4096xf32, #tpu.memory_space<vmem>>[vector<16xi32>], vector<16xf32>,
    %swap3A_208 = arith.constant 48 : index
    %swap3A_209 = tpu.vector_load %arg17[%swap3A_208] {strides = array<i32>} : memref<128xf32, #tpu.memory_space<vmem>>, vector<16xf32>,
    tpu.vector_store %arg17[%swap3A_208], %gather3A_207 {strides = array<i32>} : memref<128xf32, #tpu.memory_space<vmem>>, vector<16xf32>,
    %add3A_210 = arith.constant 2048 : i32
    %add3A_211 = vector.broadcast %add3A_210 : i32 to vector<16xi32>
    %add3A_212 = arith.addi %gather3A_175, %add3A_211 : vector<16xi32>
    %gather3A_213 = tpu.vector_load_idx %arg12[%add3A_212] : memref<4096xf32, #tpu.memory_space<vmem>>[vector<16xi32>], vector<16xf32>,
    %swap3A_214 = arith.constant 48 : index
    %swap3A_215 = tpu.vector_load %arg18[%swap3A_214] {strides = array<i32>} : memref<128xf32, #tpu.memory_space<vmem>>, vector<16xf32>,
    tpu.vector_store %arg18[%swap3A_214], %gather3A_213 {strides = array<i32>} : memref<128xf32, #tpu.memory_space<vmem>>, vector<16xf32>,
    %add3A_216 = arith.constant 64 : i32
    %add3A_217 = arith.addi %mul3A_32, %add3A_216 : i32
    %iota3A_218 = tpu.iota {dimensions = array<i32: 0>} : vector<16xi32>
    %add3A_219 = vector.broadcast %add3A_217 : i32 to vector<16xi32>
    %add3A_220 = arith.addi %add3A_219, %iota3A_218 : vector<16xi32>
    %gather3A_221 = tpu.vector_load_idx %arg11[%add3A_220] : memref<2048xi32, #tpu.memory_space<vmem>>[vector<16xi32>], vector<16xi32>,
    %add3A_222 = arith.constant 1 : i32
    %add3A_223 = vector.broadcast %add3A_222 : i32 to vector<16xi32>
    %add3A_224 = arith.addi %add3A_220, %add3A_223 : vector<16xi32>
    %rem3A_225 = arith.constant 2048 : i32
    %rem3A_226 = vector.broadcast %rem3A_225 : i32 to vector<16xi32>
    %rem3A_227 = arith.remsi %add3A_224, %rem3A_226 : vector<16xi32>
    %gather3A_228 = tpu.vector_load_idx %arg11[%rem3A_227] : memref<2048xi32, #tpu.memory_space<vmem>>[vector<16xi32>], vector<16xi32>,
    %mul3A_229 = arith.constant 512 : i32
    %mul3A_230 = vector.broadcast %mul3A_229 : i32 to vector<16xi32>
    %mul3A_231 = arith.muli %gather3A_221, %mul3A_230 : vector<16xi32>
    %add3A_232 = arith.addi %mul3A_231, %gather3A_228 : vector<16xi32>
    %swap3A_233 = arith.constant 64 : index
    %swap3A_234 = tpu.vector_load %arg13[%swap3A_233] {strides = array<i32>} : memref<128xi32, #tpu.memory_space<vmem>>, vector<16xi32>,
    tpu.vector_store %arg13[%swap3A_233], %add3A_232 {strides = array<i32>} : memref<128xi32, #tpu.memory_space<vmem>>, vector<16xi32>,
    %gather3A_235 = tpu.vector_load_idx %arg12[%gather3A_221] : memref<4096xf32, #tpu.memory_space<vmem>>[vector<16xi32>], vector<16xf32>,
    %swap3A_236 = arith.constant 64 : index
    %swap3A_237 = tpu.vector_load %arg14[%swap3A_236] {strides = array<i32>} : memref<128xf32, #tpu.memory_space<vmem>>, vector<16xf32>,
    tpu.vector_store %arg14[%swap3A_236], %gather3A_235 {strides = array<i32>} : memref<128xf32, #tpu.memory_space<vmem>>, vector<16xf32>,
    %add3A_238 = arith.constant 512 : i32
    %add3A_239 = vector.broadcast %add3A_238 : i32 to vector<16xi32>
    %add3A_240 = arith.addi %gather3A_221, %add3A_239 : vector<16xi32>
    %gather3A_241 = tpu.vector_load_idx %arg12[%add3A_240] : memref<4096xf32, #tpu.memory_space<vmem>>[vector<16xi32>], vector<16xf32>,
    %swap3A_242 = arith.constant 64 : index
    %swap3A_243 = tpu.vector_load %arg15[%swap3A_242] {strides = array<i32>} : memref<128xf32, #tpu.memory_space<vmem>>, vector<16xf32>,
    tpu.vector_store %arg15[%swap3A_242], %gather3A_241 {strides = array<i32>} : memref<128xf32, #tpu.memory_space<vmem>>, vector<16xf32>,
    %add3A_244 = arith.constant 1024 : i32
    %add3A_245 = vector.broadcast %add3A_244 : i32 to vector<16xi32>
    %add3A_246 = arith.addi %gather3A_221, %add3A_245 : vector<16xi32>
    %gather3A_247 = tpu.vector_load_idx %arg12[%add3A_246] : memref<4096xf32, #tpu.memory_space<vmem>>[vector<16xi32>], vector<16xf32>,
    %swap3A_248 = arith.constant 64 : index
    %swap3A_249 = tpu.vector_load %arg16[%swap3A_248] {strides = array<i32>} : memref<128xf32, #tpu.memory_space<vmem>>, vector<16xf32>,
    tpu.vector_store %arg16[%swap3A_248], %gather3A_247 {strides = array<i32>} : memref<128xf32, #tpu.memory_space<vmem>>, vector<16xf32>,
    %add3A_250 = arith.constant 1536 : i32
    %add3A_251 = vector.broadcast %add3A_250 : i32 to vector<16xi32>
    %add3A_252 = arith.addi %gather3A_221, %add3A_251 : vector<16xi32>
    %gather3A_253 = tpu.vector_load_idx %arg12[%add3A_252] : memref<4096xf32, #tpu.memory_space<vmem>>[vector<16xi32>], vector<16xf32>,
    %swap3A_254 = arith.constant 64 : index
    %swap3A_255 = tpu.vector_load %arg17[%swap3A_254] {strides = array<i32>} : memref<128xf32, #tpu.memory_space<vmem>>, vector<16xf32>,
    tpu.vector_store %arg17[%swap3A_254], %gather3A_253 {strides = array<i32>} : memref<128xf32, #tpu.memory_space<vmem>>, vector<16xf32>,
    %add3A_256 = arith.constant 2048 : i32
    %add3A_257 = vector.broadcast %add3A_256 : i32 to vector<16xi32>
    %add3A_258 = arith.addi %gather3A_221, %add3A_257 : vector<16xi32>
    %gather3A_259 = tpu.vector_load_idx %arg12[%add3A_258] : memref<4096xf32, #tpu.memory_space<vmem>>[vector<16xi32>], vector<16xf32>,
    %swap3A_260 = arith.constant 64 : index
    %swap3A_261 = tpu.vector_load %arg18[%swap3A_260] {strides = array<i32>} : memref<128xf32, #tpu.memory_space<vmem>>, vector<16xf32>,
    tpu.vector_store %arg18[%swap3A_260], %gather3A_259 {strides = array<i32>} : memref<128xf32, #tpu.memory_space<vmem>>, vector<16xf32>,
    %add3A_262 = arith.constant 80 : i32
    %add3A_263 = arith.addi %mul3A_32, %add3A_262 : i32
    %iota3A_264 = tpu.iota {dimensions = array<i32: 0>} : vector<16xi32>
    %add3A_265 = vector.broadcast %add3A_263 : i32 to vector<16xi32>
    %add3A_266 = arith.addi %add3A_265, %iota3A_264 : vector<16xi32>
    %gather3A_267 = tpu.vector_load_idx %arg11[%add3A_266] : memref<2048xi32, #tpu.memory_space<vmem>>[vector<16xi32>], vector<16xi32>,
    %add3A_268 = arith.constant 1 : i32
    %add3A_269 = vector.broadcast %add3A_268 : i32 to vector<16xi32>
    %add3A_270 = arith.addi %add3A_266, %add3A_269 : vector<16xi32>
    %rem3A_271 = arith.constant 2048 : i32
    %rem3A_272 = vector.broadcast %rem3A_271 : i32 to vector<16xi32>
    %rem3A_273 = arith.remsi %add3A_270, %rem3A_272 : vector<16xi32>
    %gather3A_274 = tpu.vector_load_idx %arg11[%rem3A_273] : memref<2048xi32, #tpu.memory_space<vmem>>[vector<16xi32>], vector<16xi32>,
    %mul3A_275 = arith.constant 512 : i32
    %mul3A_276 = vector.broadcast %mul3A_275 : i32 to vector<16xi32>
    %mul3A_277 = arith.muli %gather3A_267, %mul3A_276 : vector<16xi32>
    %add3A_278 = arith.addi %mul3A_277, %gather3A_274 : vector<16xi32>
    %swap3A_279 = arith.constant 80 : index
    %swap3A_280 = tpu.vector_load %arg13[%swap3A_279] {strides = array<i32>} : memref<128xi32, #tpu.memory_space<vmem>>, vector<16xi32>,
    tpu.vector_store %arg13[%swap3A_279], %add3A_278 {strides = array<i32>} : memref<128xi32, #tpu.memory_space<vmem>>, vector<16xi32>,
    %gather3A_281 = tpu.vector_load_idx %arg12[%gather3A_267] : memref<4096xf32, #tpu.memory_space<vmem>>[vector<16xi32>], vector<16xf32>,
    %swap3A_282 = arith.constant 80 : index
    %swap3A_283 = tpu.vector_load %arg14[%swap3A_282] {strides = array<i32>} : memref<128xf32, #tpu.memory_space<vmem>>, vector<16xf32>,
    tpu.vector_store %arg14[%swap3A_282], %gather3A_281 {strides = array<i32>} : memref<128xf32, #tpu.memory_space<vmem>>, vector<16xf32>,
    %add3A_284 = arith.constant 512 : i32
    %add3A_285 = vector.broadcast %add3A_284 : i32 to vector<16xi32>
    %add3A_286 = arith.addi %gather3A_267, %add3A_285 : vector<16xi32>
    %gather3A_287 = tpu.vector_load_idx %arg12[%add3A_286] : memref<4096xf32, #tpu.memory_space<vmem>>[vector<16xi32>], vector<16xf32>,
    %swap3A_288 = arith.constant 80 : index
    %swap3A_289 = tpu.vector_load %arg15[%swap3A_288] {strides = array<i32>} : memref<128xf32, #tpu.memory_space<vmem>>, vector<16xf32>,
    tpu.vector_store %arg15[%swap3A_288], %gather3A_287 {strides = array<i32>} : memref<128xf32, #tpu.memory_space<vmem>>, vector<16xf32>,
    %add3A_290 = arith.constant 1024 : i32
    %add3A_291 = vector.broadcast %add3A_290 : i32 to vector<16xi32>
    %add3A_292 = arith.addi %gather3A_267, %add3A_291 : vector<16xi32>
    %gather3A_293 = tpu.vector_load_idx %arg12[%add3A_292] : memref<4096xf32, #tpu.memory_space<vmem>>[vector<16xi32>], vector<16xf32>,
    %swap3A_294 = arith.constant 80 : index
    %swap3A_295 = tpu.vector_load %arg16[%swap3A_294] {strides = array<i32>} : memref<128xf32, #tpu.memory_space<vmem>>, vector<16xf32>,
    tpu.vector_store %arg16[%swap3A_294], %gather3A_293 {strides = array<i32>} : memref<128xf32, #tpu.memory_space<vmem>>, vector<16xf32>,
    %add3A_296 = arith.constant 1536 : i32
    %add3A_297 = vector.broadcast %add3A_296 : i32 to vector<16xi32>
    %add3A_298 = arith.addi %gather3A_267, %add3A_297 : vector<16xi32>
    %gather3A_299 = tpu.vector_load_idx %arg12[%add3A_298] : memref<4096xf32, #tpu.memory_space<vmem>>[vector<16xi32>], vector<16xf32>,
    %swap3A_300 = arith.constant 80 : index
    %swap3A_301 = tpu.vector_load %arg17[%swap3A_300] {strides = array<i32>} : memref<128xf32, #tpu.memory_space<vmem>>, vector<16xf32>,
    tpu.vector_store %arg17[%swap3A_300], %gather3A_299 {strides = array<i32>} : memref<128xf32, #tpu.memory_space<vmem>>, vector<16xf32>,
    %add3A_302 = arith.constant 2048 : i32
    %add3A_303 = vector.broadcast %add3A_302 : i32 to vector<16xi32>
    %add3A_304 = arith.addi %gather3A_267, %add3A_303 : vector<16xi32>
    %gather3A_305 = tpu.vector_load_idx %arg12[%add3A_304] : memref<4096xf32, #tpu.memory_space<vmem>>[vector<16xi32>], vector<16xf32>,
    %swap3A_306 = arith.constant 80 : index
    %swap3A_307 = tpu.vector_load %arg18[%swap3A_306] {strides = array<i32>} : memref<128xf32, #tpu.memory_space<vmem>>, vector<16xf32>,
    tpu.vector_store %arg18[%swap3A_306], %gather3A_305 {strides = array<i32>} : memref<128xf32, #tpu.memory_space<vmem>>, vector<16xf32>,
    %add3A_308 = arith.constant 96 : i32
    %add3A_309 = arith.addi %mul3A_32, %add3A_308 : i32
    %iota3A_310 = tpu.iota {dimensions = array<i32: 0>} : vector<16xi32>
    %add3A_311 = vector.broadcast %add3A_309 : i32 to vector<16xi32>
    %add3A_312 = arith.addi %add3A_311, %iota3A_310 : vector<16xi32>
    %gather3A_313 = tpu.vector_load_idx %arg11[%add3A_312] : memref<2048xi32, #tpu.memory_space<vmem>>[vector<16xi32>], vector<16xi32>,
    %add3A_314 = arith.constant 1 : i32
    %add3A_315 = vector.broadcast %add3A_314 : i32 to vector<16xi32>
    %add3A_316 = arith.addi %add3A_312, %add3A_315 : vector<16xi32>
    %rem3A_317 = arith.constant 2048 : i32
    %rem3A_318 = vector.broadcast %rem3A_317 : i32 to vector<16xi32>
    %rem3A_319 = arith.remsi %add3A_316, %rem3A_318 : vector<16xi32>
    %gather3A_320 = tpu.vector_load_idx %arg11[%rem3A_319] : memref<2048xi32, #tpu.memory_space<vmem>>[vector<16xi32>], vector<16xi32>,
    %mul3A_321 = arith.constant 512 : i32
    %mul3A_322 = vector.broadcast %mul3A_321 : i32 to vector<16xi32>
    %mul3A_323 = arith.muli %gather3A_313, %mul3A_322 : vector<16xi32>
    %add3A_324 = arith.addi %mul3A_323, %gather3A_320 : vector<16xi32>
    %swap3A_325 = arith.constant 96 : index
    %swap3A_326 = tpu.vector_load %arg13[%swap3A_325] {strides = array<i32>} : memref<128xi32, #tpu.memory_space<vmem>>, vector<16xi32>,
    tpu.vector_store %arg13[%swap3A_325], %add3A_324 {strides = array<i32>} : memref<128xi32, #tpu.memory_space<vmem>>, vector<16xi32>,
    %gather3A_327 = tpu.vector_load_idx %arg12[%gather3A_313] : memref<4096xf32, #tpu.memory_space<vmem>>[vector<16xi32>], vector<16xf32>,
    %swap3A_328 = arith.constant 96 : index
    %swap3A_329 = tpu.vector_load %arg14[%swap3A_328] {strides = array<i32>} : memref<128xf32, #tpu.memory_space<vmem>>, vector<16xf32>,
    tpu.vector_store %arg14[%swap3A_328], %gather3A_327 {strides = array<i32>} : memref<128xf32, #tpu.memory_space<vmem>>, vector<16xf32>,
    %add3A_330 = arith.constant 512 : i32
    %add3A_331 = vector.broadcast %add3A_330 : i32 to vector<16xi32>
    %add3A_332 = arith.addi %gather3A_313, %add3A_331 : vector<16xi32>
    %gather3A_333 = tpu.vector_load_idx %arg12[%add3A_332] : memref<4096xf32, #tpu.memory_space<vmem>>[vector<16xi32>], vector<16xf32>,
    %swap3A_334 = arith.constant 96 : index
    %swap3A_335 = tpu.vector_load %arg15[%swap3A_334] {strides = array<i32>} : memref<128xf32, #tpu.memory_space<vmem>>, vector<16xf32>,
    tpu.vector_store %arg15[%swap3A_334], %gather3A_333 {strides = array<i32>} : memref<128xf32, #tpu.memory_space<vmem>>, vector<16xf32>,
    %add3A_336 = arith.constant 1024 : i32
    %add3A_337 = vector.broadcast %add3A_336 : i32 to vector<16xi32>
    %add3A_338 = arith.addi %gather3A_313, %add3A_337 : vector<16xi32>
    %gather3A_339 = tpu.vector_load_idx %arg12[%add3A_338] : memref<4096xf32, #tpu.memory_space<vmem>>[vector<16xi32>], vector<16xf32>,
    %swap3A_340 = arith.constant 96 : index
    %swap3A_341 = tpu.vector_load %arg16[%swap3A_340] {strides = array<i32>} : memref<128xf32, #tpu.memory_space<vmem>>, vector<16xf32>,
    tpu.vector_store %arg16[%swap3A_340], %gather3A_339 {strides = array<i32>} : memref<128xf32, #tpu.memory_space<vmem>>, vector<16xf32>,
    %add3A_342 = arith.constant 1536 : i32
    %add3A_343 = vector.broadcast %add3A_342 : i32 to vector<16xi32>
    %add3A_344 = arith.addi %gather3A_313, %add3A_343 : vector<16xi32>
    %gather3A_345 = tpu.vector_load_idx %arg12[%add3A_344] : memref<4096xf32, #tpu.memory_space<vmem>>[vector<16xi32>], vector<16xf32>,
    %swap3A_346 = arith.constant 96 : index
    %swap3A_347 = tpu.vector_load %arg17[%swap3A_346] {strides = array<i32>} : memref<128xf32, #tpu.memory_space<vmem>>, vector<16xf32>,
    tpu.vector_store %arg17[%swap3A_346], %gather3A_345 {strides = array<i32>} : memref<128xf32, #tpu.memory_space<vmem>>, vector<16xf32>,
    %add3A_348 = arith.constant 2048 : i32
    %add3A_349 = vector.broadcast %add3A_348 : i32 to vector<16xi32>
    %add3A_350 = arith.addi %gather3A_313, %add3A_349 : vector<16xi32>
    %gather3A_351 = tpu.vector_load_idx %arg12[%add3A_350] : memref<4096xf32, #tpu.memory_space<vmem>>[vector<16xi32>], vector<16xf32>,
    %swap3A_352 = arith.constant 96 : index
    %swap3A_353 = tpu.vector_load %arg18[%swap3A_352] {strides = array<i32>} : memref<128xf32, #tpu.memory_space<vmem>>, vector<16xf32>,
    tpu.vector_store %arg18[%swap3A_352], %gather3A_351 {strides = array<i32>} : memref<128xf32, #tpu.memory_space<vmem>>, vector<16xf32>,
    %add3A_354 = arith.constant 112 : i32
    %add3A_355 = arith.addi %mul3A_32, %add3A_354 : i32
    %iota3A_356 = tpu.iota {dimensions = array<i32: 0>} : vector<16xi32>
    %add3A_357 = vector.broadcast %add3A_355 : i32 to vector<16xi32>
    %add3A_358 = arith.addi %add3A_357, %iota3A_356 : vector<16xi32>
    %gather3A_359 = tpu.vector_load_idx %arg11[%add3A_358] : memref<2048xi32, #tpu.memory_space<vmem>>[vector<16xi32>], vector<16xi32>,
    %add3A_360 = arith.constant 1 : i32
    %add3A_361 = vector.broadcast %add3A_360 : i32 to vector<16xi32>
    %add3A_362 = arith.addi %add3A_358, %add3A_361 : vector<16xi32>
    %rem3A_363 = arith.constant 2048 : i32
    %rem3A_364 = vector.broadcast %rem3A_363 : i32 to vector<16xi32>
    %rem3A_365 = arith.remsi %add3A_362, %rem3A_364 : vector<16xi32>
    %gather3A_366 = tpu.vector_load_idx %arg11[%rem3A_365] : memref<2048xi32, #tpu.memory_space<vmem>>[vector<16xi32>], vector<16xi32>,
    %mul3A_367 = arith.constant 512 : i32
    %mul3A_368 = vector.broadcast %mul3A_367 : i32 to vector<16xi32>
    %mul3A_369 = arith.muli %gather3A_359, %mul3A_368 : vector<16xi32>
    %add3A_370 = arith.addi %mul3A_369, %gather3A_366 : vector<16xi32>
    %swap3A_371 = arith.constant 112 : index
    %swap3A_372 = tpu.vector_load %arg13[%swap3A_371] {strides = array<i32>} : memref<128xi32, #tpu.memory_space<vmem>>, vector<16xi32>,
    tpu.vector_store %arg13[%swap3A_371], %add3A_370 {strides = array<i32>} : memref<128xi32, #tpu.memory_space<vmem>>, vector<16xi32>,
    %gather3A_373 = tpu.vector_load_idx %arg12[%gather3A_359] : memref<4096xf32, #tpu.memory_space<vmem>>[vector<16xi32>], vector<16xf32>,
    %swap3A_374 = arith.constant 112 : index
    %swap3A_375 = tpu.vector_load %arg14[%swap3A_374] {strides = array<i32>} : memref<128xf32, #tpu.memory_space<vmem>>, vector<16xf32>,
    tpu.vector_store %arg14[%swap3A_374], %gather3A_373 {strides = array<i32>} : memref<128xf32, #tpu.memory_space<vmem>>, vector<16xf32>,
    %add3A_376 = arith.constant 512 : i32
    %add3A_377 = vector.broadcast %add3A_376 : i32 to vector<16xi32>
    %add3A_378 = arith.addi %gather3A_359, %add3A_377 : vector<16xi32>
    %gather3A_379 = tpu.vector_load_idx %arg12[%add3A_378] : memref<4096xf32, #tpu.memory_space<vmem>>[vector<16xi32>], vector<16xf32>,
    %swap3A_380 = arith.constant 112 : index
    %swap3A_381 = tpu.vector_load %arg15[%swap3A_380] {strides = array<i32>} : memref<128xf32, #tpu.memory_space<vmem>>, vector<16xf32>,
    tpu.vector_store %arg15[%swap3A_380], %gather3A_379 {strides = array<i32>} : memref<128xf32, #tpu.memory_space<vmem>>, vector<16xf32>,
    %add3A_382 = arith.constant 1024 : i32
    %add3A_383 = vector.broadcast %add3A_382 : i32 to vector<16xi32>
    %add3A_384 = arith.addi %gather3A_359, %add3A_383 : vector<16xi32>
    %gather3A_385 = tpu.vector_load_idx %arg12[%add3A_384] : memref<4096xf32, #tpu.memory_space<vmem>>[vector<16xi32>], vector<16xf32>,
    %swap3A_386 = arith.constant 112 : index
    %swap3A_387 = tpu.vector_load %arg16[%swap3A_386] {strides = array<i32>} : memref<128xf32, #tpu.memory_space<vmem>>, vector<16xf32>,
    tpu.vector_store %arg16[%swap3A_386], %gather3A_385 {strides = array<i32>} : memref<128xf32, #tpu.memory_space<vmem>>, vector<16xf32>,
    %add3A_388 = arith.constant 1536 : i32
    %add3A_389 = vector.broadcast %add3A_388 : i32 to vector<16xi32>
    %add3A_390 = arith.addi %gather3A_359, %add3A_389 : vector<16xi32>
    %gather3A_391 = tpu.vector_load_idx %arg12[%add3A_390] : memref<4096xf32, #tpu.memory_space<vmem>>[vector<16xi32>], vector<16xf32>,
    %swap3A_392 = arith.constant 112 : index
    %swap3A_393 = tpu.vector_load %arg17[%swap3A_392] {strides = array<i32>} : memref<128xf32, #tpu.memory_space<vmem>>, vector<16xf32>,
    tpu.vector_store %arg17[%swap3A_392], %gather3A_391 {strides = array<i32>} : memref<128xf32, #tpu.memory_space<vmem>>, vector<16xf32>,
    %add3A_394 = arith.constant 2048 : i32
    %add3A_395 = vector.broadcast %add3A_394 : i32 to vector<16xi32>
    %add3A_396 = arith.addi %gather3A_359, %add3A_395 : vector<16xi32>
    %gather3A_397 = tpu.vector_load_idx %arg12[%add3A_396] : memref<4096xf32, #tpu.memory_space<vmem>>[vector<16xi32>], vector<16xf32>,
    %swap3A_398 = arith.constant 112 : index
    %swap3A_399 = tpu.vector_load %arg18[%swap3A_398] {strides = array<i32>} : memref<128xf32, #tpu.memory_space<vmem>>, vector<16xf32>,
    tpu.vector_store %arg18[%swap3A_398], %gather3A_397 {strides = array<i32>} : memref<128xf32, #tpu.memory_space<vmem>>, vector<16xf32>,
    %dma_start3A = arith.constant 0 : i32
    %dma_start3A_400 = tpu.memref_slice %arg4[%dma_start3A] : memref<262144xf32, #tpu.memory_space<hbm>> -> memref<262144xf32, #tpu.memory_space<hbm>>
    tpu.enqueue_indirect_dma source(%dma_start3A_400 : memref<262144xf32, #tpu.memory_space<hbm>>) target(%arg19 : memref<128xf32, #tpu.memory_space<vmem>>) offsets(%arg13 : memref<128xi32, #tpu.memory_space<vmem>>) semaphore(%arg20 : memref<!tpu.dma_semaphore, #tpu.memory_space<semaphore_mem>>)
    %dma_wait3A = arith.constant 0 : i32
    %dma_wait3A_401 = tpu.memref_slice %arg4[%dma_wait3A] : memref<262144xf32, #tpu.memory_space<hbm>> -> memref<262144xf32, #tpu.memory_space<hbm>>
    tpu.wait_indirect_dma semaphore(%arg20 : memref<!tpu.dma_semaphore, #tpu.memory_space<semaphore_mem>>) src(%dma_wait3A_401 : memref<262144xf32, #tpu.memory_space<hbm>>) dst(%arg19 : memref<128xf32, #tpu.memory_space<vmem>>)
    %mul3A_402 = arith.constant 128 : i32
    %mul3A_403 = arith.muli %add3A, %mul3A_402 : i32
    "tpu.region"() ({
      %run_scoped3A = tpu.sem_alloc : memref<!tpu.dma_semaphore, #tpu.memory_space<semaphore_mem>>
      %dma_start3A_404 = tpu.memref_slice %arg5[%mul3A_403] : memref<4096xf32, #tpu.memory_space<hbm>> -> memref<128xf32, #tpu.memory_space<hbm>>
      %dma_start3A_405 = tpu.memref_slice %arg5[%mul3A_403] : memref<4096xf32, #tpu.memory_space<hbm>> -> memref<128xf32, #tpu.memory_space<hbm>>
      tpu.enqueue_dma source(%arg14 : memref<128xf32, #tpu.memory_space<vmem>>) target(%dma_start3A_405 : memref<128xf32, #tpu.memory_space<hbm>>) target_semaphore(%run_scoped3A : memref<!tpu.dma_semaphore, #tpu.memory_space<semaphore_mem>>)
      %dma_wait3A_406 = tpu.memref_slice %arg5[%mul3A_403] : memref<4096xf32, #tpu.memory_space<hbm>> -> memref<128xf32, #tpu.memory_space<hbm>>
      %dma_wait3A_407 = tpu.memref_slice %arg5[%mul3A_403] : memref<4096xf32, #tpu.memory_space<hbm>> -> memref<128xf32, #tpu.memory_space<hbm>>
      tpu.wait_dma2 semaphore(%run_scoped3A : memref<!tpu.dma_semaphore, #tpu.memory_space<semaphore_mem>>) src(%arg14 : memref<128xf32, #tpu.memory_space<vmem>>) dst(%dma_wait3A_407 : memref<128xf32, #tpu.memory_space<hbm>>)
      tpu.yield
    }) : () -> ()
    "tpu.region"() ({
      %run_scoped3A = tpu.sem_alloc : memref<!tpu.dma_semaphore, #tpu.memory_space<semaphore_mem>>
      %dma_start3A_404 = tpu.memref_slice %arg6[%mul3A_403] : memref<4096xf32, #tpu.memory_space<hbm>> -> memref<128xf32, #tpu.memory_space<hbm>>
      %dma_start3A_405 = tpu.memref_slice %arg6[%mul3A_403] : memref<4096xf32, #tpu.memory_space<hbm>> -> memref<128xf32, #tpu.memory_space<hbm>>
      tpu.enqueue_dma source(%arg15 : memref<128xf32, #tpu.memory_space<vmem>>) target(%dma_start3A_405 : memref<128xf32, #tpu.memory_space<hbm>>) target_semaphore(%run_scoped3A : memref<!tpu.dma_semaphore, #tpu.memory_space<semaphore_mem>>)
      %dma_wait3A_406 = tpu.memref_slice %arg6[%mul3A_403] : memref<4096xf32, #tpu.memory_space<hbm>> -> memref<128xf32, #tpu.memory_space<hbm>>
      %dma_wait3A_407 = tpu.memref_slice %arg6[%mul3A_403] : memref<4096xf32, #tpu.memory_space<hbm>> -> memref<128xf32, #tpu.memory_space<hbm>>
      tpu.wait_dma2 semaphore(%run_scoped3A : memref<!tpu.dma_semaphore, #tpu.memory_space<semaphore_mem>>) src(%arg15 : memref<128xf32, #tpu.memory_space<vmem>>) dst(%dma_wait3A_407 : memref<128xf32, #tpu.memory_space<hbm>>)
      tpu.yield
    }) : () -> ()
    "tpu.region"() ({
      %run_scoped3A = tpu.sem_alloc : memref<!tpu.dma_semaphore, #tpu.memory_space<semaphore_mem>>
      %dma_start3A_404 = tpu.memref_slice %arg7[%mul3A_403] : memref<4096xf32, #tpu.memory_space<hbm>> -> memref<128xf32, #tpu.memory_space<hbm>>
      %dma_start3A_405 = tpu.memref_slice %arg7[%mul3A_403] : memref<4096xf32, #tpu.memory_space<hbm>> -> memref<128xf32, #tpu.memory_space<hbm>>
      tpu.enqueue_dma source(%arg16 : memref<128xf32, #tpu.memory_space<vmem>>) target(%dma_start3A_405 : memref<128xf32, #tpu.memory_space<hbm>>) target_semaphore(%run_scoped3A : memref<!tpu.dma_semaphore, #tpu.memory_space<semaphore_mem>>)
      %dma_wait3A_406 = tpu.memref_slice %arg7[%mul3A_403] : memref<4096xf32, #tpu.memory_space<hbm>> -> memref<128xf32, #tpu.memory_space<hbm>>
      %dma_wait3A_407 = tpu.memref_slice %arg7[%mul3A_403] : memref<4096xf32, #tpu.memory_space<hbm>> -> memref<128xf32, #tpu.memory_space<hbm>>
      tpu.wait_dma2 semaphore(%run_scoped3A : memref<!tpu.dma_semaphore, #tpu.memory_space<semaphore_mem>>) src(%arg16 : memref<128xf32, #tpu.memory_space<vmem>>) dst(%dma_wait3A_407 : memref<128xf32, #tpu.memory_space<hbm>>)
      tpu.yield
    }) : () -> ()
    "tpu.region"() ({
      %run_scoped3A = tpu.sem_alloc : memref<!tpu.dma_semaphore, #tpu.memory_space<semaphore_mem>>
      %dma_start3A_404 = tpu.memref_slice %arg8[%mul3A_403] : memref<4096xf32, #tpu.memory_space<hbm>> -> memref<128xf32, #tpu.memory_space<hbm>>
      %dma_start3A_405 = tpu.memref_slice %arg8[%mul3A_403] : memref<4096xf32, #tpu.memory_space<hbm>> -> memref<128xf32, #tpu.memory_space<hbm>>
      tpu.enqueue_dma source(%arg17 : memref<128xf32, #tpu.memory_space<vmem>>) target(%dma_start3A_405 : memref<128xf32, #tpu.memory_space<hbm>>) target_semaphore(%run_scoped3A : memref<!tpu.dma_semaphore, #tpu.memory_space<semaphore_mem>>)
      %dma_wait3A_406 = tpu.memref_slice %arg8[%mul3A_403] : memref<4096xf32, #tpu.memory_space<hbm>> -> memref<128xf32, #tpu.memory_space<hbm>>
      %dma_wait3A_407 = tpu.memref_slice %arg8[%mul3A_403] : memref<4096xf32, #tpu.memory_space<hbm>> -> memref<128xf32, #tpu.memory_space<hbm>>
      tpu.wait_dma2 semaphore(%run_scoped3A : memref<!tpu.dma_semaphore, #tpu.memory_space<semaphore_mem>>) src(%arg17 : memref<128xf32, #tpu.memory_space<vmem>>) dst(%dma_wait3A_407 : memref<128xf32, #tpu.memory_space<hbm>>)
      tpu.yield
    }) : () -> ()
    "tpu.region"() ({
      %run_scoped3A = tpu.sem_alloc : memref<!tpu.dma_semaphore, #tpu.memory_space<semaphore_mem>>
      %dma_start3A_404 = tpu.memref_slice %arg9[%mul3A_403] : memref<4096xf32, #tpu.memory_space<hbm>> -> memref<128xf32, #tpu.memory_space<hbm>>
      %dma_start3A_405 = tpu.memref_slice %arg9[%mul3A_403] : memref<4096xf32, #tpu.memory_space<hbm>> -> memref<128xf32, #tpu.memory_space<hbm>>
      tpu.enqueue_dma source(%arg18 : memref<128xf32, #tpu.memory_space<vmem>>) target(%dma_start3A_405 : memref<128xf32, #tpu.memory_space<hbm>>) target_semaphore(%run_scoped3A : memref<!tpu.dma_semaphore, #tpu.memory_space<semaphore_mem>>)
      %dma_wait3A_406 = tpu.memref_slice %arg9[%mul3A_403] : memref<4096xf32, #tpu.memory_space<hbm>> -> memref<128xf32, #tpu.memory_space<hbm>>
      %dma_wait3A_407 = tpu.memref_slice %arg9[%mul3A_403] : memref<4096xf32, #tpu.memory_space<hbm>> -> memref<128xf32, #tpu.memory_space<hbm>>
      tpu.wait_dma2 semaphore(%run_scoped3A : memref<!tpu.dma_semaphore, #tpu.memory_space<semaphore_mem>>) src(%arg18 : memref<128xf32, #tpu.memory_space<vmem>>) dst(%dma_wait3A_407 : memref<128xf32, #tpu.memory_space<hbm>>)
      tpu.yield
    }) : () -> ()
    "tpu.region"() ({
      %run_scoped3A = tpu.sem_alloc : memref<!tpu.dma_semaphore, #tpu.memory_space<semaphore_mem>>
      %dma_start3A_404 = tpu.memref_slice %arg10[%mul3A_403] : memref<4096xf32, #tpu.memory_space<hbm>> -> memref<128xf32, #tpu.memory_space<hbm>>
      %dma_start3A_405 = tpu.memref_slice %arg10[%mul3A_403] : memref<4096xf32, #tpu.memory_space<hbm>> -> memref<128xf32, #tpu.memory_space<hbm>>
      tpu.enqueue_dma source(%arg19 : memref<128xf32, #tpu.memory_space<vmem>>) target(%dma_start3A_405 : memref<128xf32, #tpu.memory_space<hbm>>) target_semaphore(%run_scoped3A : memref<!tpu.dma_semaphore, #tpu.memory_space<semaphore_mem>>)
      %dma_wait3A_406 = tpu.memref_slice %arg10[%mul3A_403] : memref<4096xf32, #tpu.memory_space<hbm>> -> memref<128xf32, #tpu.memory_space<hbm>>
      %dma_wait3A_407 = tpu.memref_slice %arg10[%mul3A_403] : memref<4096xf32, #tpu.memory_space<hbm>> -> memref<128xf32, #tpu.memory_space<hbm>>
      tpu.wait_dma2 semaphore(%run_scoped3A : memref<!tpu.dma_semaphore, #tpu.memory_space<semaphore_mem>>) src(%arg19 : memref<128xf32, #tpu.memory_space<vmem>>) dst(%dma_wait3A_407 : memref<128xf32, #tpu.memory_space<hbm>>)
      tpu.yield
    }) : () -> ()
    return
  }
}

#map = affine_map<(d0, d1) -> (0)>
#map1 = affine_map<(d0, d1) -> (0, 0)>
module attributes {stable_mosaic.version = 14 : i64} {
  func.func @_sc_embed_body(%arg0: i32, %arg1: i32, %arg2: memref<4096xi32, #tpu.memory_space<hbm>>, %arg3: memref<50000x1024xf32, #tpu.memory_space<hbm>>, %arg4: memref<4096x1024xf32, #tpu.memory_space<hbm>>, %arg5: memref<128xi32, #tpu.memory_space<vmem>>, %arg6: memref<32x1024xf32, #tpu.memory_space<vmem>>, %arg7: memref<32x1024xf32, #tpu.memory_space<vmem>>, %arg8: memref<!tpu.dma_semaphore, #tpu.memory_space<semaphore_mem>>, %arg9: memref<!tpu.dma_semaphore, #tpu.memory_space<semaphore_mem>>, %arg10: memref<!tpu.dma_semaphore, #tpu.memory_space<semaphore_mem>>, %arg11: memref<!tpu.dma_semaphore, #tpu.memory_space<semaphore_mem>>) attributes {dimension_semantics = [#tpu.dimension_semantics<core_parallel>, #tpu.dimension_semantics<subcore_parallel>], iteration_bounds = array<i64: 2, 16>, scalar_prefetch = 0 : i64, scratch_operands = 7 : i64, tpu.core_type = #tpu.core_type<sc_vector_subcore>, window_params = [{transform_indices = #map}, {transform_indices = #map1}, {transform_indices = #map1}]} {
    %mul3A = arith.constant 2 : i32
    %mul3A_0 = arith.muli %arg1, %mul3A : i32
    %add3A = arith.addi %mul3A_0, %arg0 : i32
    %mul3A_1 = arith.constant 128 : i32
    %mul3A_2 = arith.muli %add3A, %mul3A_1 : i32
    "tpu.region"() ({
      %run_scoped3A = tpu.sem_alloc : memref<!tpu.dma_semaphore, #tpu.memory_space<semaphore_mem>>
      %dma_start3A_77 = tpu.memref_slice %arg2[%mul3A_2] : memref<4096xi32, #tpu.memory_space<hbm>> -> memref<128xi32, #tpu.memory_space<hbm>>
      %dma_start3A_78 = tpu.memref_slice %arg2[%mul3A_2] : memref<4096xi32, #tpu.memory_space<hbm>> -> memref<128xi32, #tpu.memory_space<hbm>>
      tpu.enqueue_dma source(%dma_start3A_78 : memref<128xi32, #tpu.memory_space<hbm>>) target(%arg5 : memref<128xi32, #tpu.memory_space<vmem>>) target_semaphore(%run_scoped3A : memref<!tpu.dma_semaphore, #tpu.memory_space<semaphore_mem>>)
      %dma_wait3A_79 = tpu.memref_slice %arg2[%mul3A_2] : memref<4096xi32, #tpu.memory_space<hbm>> -> memref<128xi32, #tpu.memory_space<hbm>>
      %dma_wait3A_80 = tpu.memref_slice %arg2[%mul3A_2] : memref<4096xi32, #tpu.memory_space<hbm>> -> memref<128xi32, #tpu.memory_space<hbm>>
      tpu.wait_dma2 semaphore(%run_scoped3A : memref<!tpu.dma_semaphore, #tpu.memory_space<semaphore_mem>>) src(%dma_wait3A_80 : memref<128xi32, #tpu.memory_space<hbm>>) dst(%arg5 : memref<128xi32, #tpu.memory_space<vmem>>)
      tpu.yield
    }) : () -> ()
    %dma_start3A = arith.constant 0 : i32
    %dma_start3A_3 = tpu.memref_slice %arg5[%dma_start3A] : memref<128xi32, #tpu.memory_space<vmem>> -> memref<32xi32, #tpu.memory_space<vmem>>
    %dma_start3A_4 = arith.constant 0 : i32
    %dma_start3A_5 = arith.constant 0 : i32
    %dma_start3A_6 = tpu.memref_slice %arg3[%dma_start3A_4, %dma_start3A_5] : memref<50000x1024xf32, #tpu.memory_space<hbm>> -> memref<50000x1024xf32, #tpu.memory_space<hbm>>
    tpu.enqueue_indirect_dma source(%dma_start3A_6 : memref<50000x1024xf32, #tpu.memory_space<hbm>>) target(%arg6 : memref<32x1024xf32, #tpu.memory_space<vmem>>) offsets(%dma_start3A_3 : memref<32xi32, #tpu.memory_space<vmem>>) semaphore(%arg8 : memref<!tpu.dma_semaphore, #tpu.memory_space<semaphore_mem>>)
    %dma_wait3A = arith.constant 0 : i32
    %dma_wait3A_7 = tpu.memref_slice %arg5[%dma_wait3A] : memref<128xi32, #tpu.memory_space<vmem>> -> memref<32xi32, #tpu.memory_space<vmem>>
    %dma_wait3A_8 = arith.constant 0 : i32
    %dma_wait3A_9 = arith.constant 0 : i32
    %dma_wait3A_10 = tpu.memref_slice %arg3[%dma_wait3A_8, %dma_wait3A_9] : memref<50000x1024xf32, #tpu.memory_space<hbm>> -> memref<50000x1024xf32, #tpu.memory_space<hbm>>
    tpu.wait_indirect_dma semaphore(%arg8 : memref<!tpu.dma_semaphore, #tpu.memory_space<semaphore_mem>>) src(%dma_wait3A_10 : memref<50000x1024xf32, #tpu.memory_space<hbm>>) dst(%arg6 : memref<32x1024xf32, #tpu.memory_space<vmem>>)
    %add3A_11 = arith.constant 0 : i32
    %add3A_12 = arith.addi %mul3A_2, %add3A_11 : i32
    %dma_start3A_13 = arith.constant 0 : i32
    %dma_start3A_14 = tpu.memref_slice %arg4[%add3A_12, %dma_start3A_13] : memref<4096x1024xf32, #tpu.memory_space<hbm>> -> memref<32x1024xf32, #tpu.memory_space<hbm>>
    %dma_start3A_15 = arith.constant 0 : i32
    %dma_start3A_16 = tpu.memref_slice %arg4[%add3A_12, %dma_start3A_15] : memref<4096x1024xf32, #tpu.memory_space<hbm>> -> memref<32x1024xf32, #tpu.memory_space<hbm>>
    tpu.enqueue_dma source(%arg6 : memref<32x1024xf32, #tpu.memory_space<vmem>>) target(%dma_start3A_16 : memref<32x1024xf32, #tpu.memory_space<hbm>>) target_semaphore(%arg10 : memref<!tpu.dma_semaphore, #tpu.memory_space<semaphore_mem>>)
    %dma_start3A_17 = arith.constant 32 : i32
    %dma_start3A_18 = tpu.memref_slice %arg5[%dma_start3A_17] : memref<128xi32, #tpu.memory_space<vmem>> -> memref<32xi32, #tpu.memory_space<vmem>>
    %dma_start3A_19 = arith.constant 0 : i32
    %dma_start3A_20 = arith.constant 0 : i32
    %dma_start3A_21 = tpu.memref_slice %arg3[%dma_start3A_19, %dma_start3A_20] : memref<50000x1024xf32, #tpu.memory_space<hbm>> -> memref<50000x1024xf32, #tpu.memory_space<hbm>>
    tpu.enqueue_indirect_dma source(%dma_start3A_21 : memref<50000x1024xf32, #tpu.memory_space<hbm>>) target(%arg7 : memref<32x1024xf32, #tpu.memory_space<vmem>>) offsets(%dma_start3A_18 : memref<32xi32, #tpu.memory_space<vmem>>) semaphore(%arg9 : memref<!tpu.dma_semaphore, #tpu.memory_space<semaphore_mem>>)
    %dma_wait3A_22 = arith.constant 32 : i32
    %dma_wait3A_23 = tpu.memref_slice %arg5[%dma_wait3A_22] : memref<128xi32, #tpu.memory_space<vmem>> -> memref<32xi32, #tpu.memory_space<vmem>>
    %dma_wait3A_24 = arith.constant 0 : i32
    %dma_wait3A_25 = arith.constant 0 : i32
    %dma_wait3A_26 = tpu.memref_slice %arg3[%dma_wait3A_24, %dma_wait3A_25] : memref<50000x1024xf32, #tpu.memory_space<hbm>> -> memref<50000x1024xf32, #tpu.memory_space<hbm>>
    tpu.wait_indirect_dma semaphore(%arg9 : memref<!tpu.dma_semaphore, #tpu.memory_space<semaphore_mem>>) src(%dma_wait3A_26 : memref<50000x1024xf32, #tpu.memory_space<hbm>>) dst(%arg7 : memref<32x1024xf32, #tpu.memory_space<vmem>>)
    %add3A_27 = arith.constant 32 : i32
    %add3A_28 = arith.addi %mul3A_2, %add3A_27 : i32
    %dma_start3A_29 = arith.constant 0 : i32
    %dma_start3A_30 = tpu.memref_slice %arg4[%add3A_28, %dma_start3A_29] : memref<4096x1024xf32, #tpu.memory_space<hbm>> -> memref<32x1024xf32, #tpu.memory_space<hbm>>
    %dma_start3A_31 = arith.constant 0 : i32
    %dma_start3A_32 = tpu.memref_slice %arg4[%add3A_28, %dma_start3A_31] : memref<4096x1024xf32, #tpu.memory_space<hbm>> -> memref<32x1024xf32, #tpu.memory_space<hbm>>
    tpu.enqueue_dma source(%arg7 : memref<32x1024xf32, #tpu.memory_space<vmem>>) target(%dma_start3A_32 : memref<32x1024xf32, #tpu.memory_space<hbm>>) target_semaphore(%arg11 : memref<!tpu.dma_semaphore, #tpu.memory_space<semaphore_mem>>)
    %dma_wait3A_33 = arith.constant 0 : i32
    %dma_wait3A_34 = tpu.memref_slice %arg4[%add3A_12, %dma_wait3A_33] : memref<4096x1024xf32, #tpu.memory_space<hbm>> -> memref<32x1024xf32, #tpu.memory_space<hbm>>
    %dma_wait3A_35 = arith.constant 0 : i32
    %dma_wait3A_36 = tpu.memref_slice %arg4[%add3A_12, %dma_wait3A_35] : memref<4096x1024xf32, #tpu.memory_space<hbm>> -> memref<32x1024xf32, #tpu.memory_space<hbm>>
    tpu.wait_dma2 semaphore(%arg10 : memref<!tpu.dma_semaphore, #tpu.memory_space<semaphore_mem>>) src(%arg6 : memref<32x1024xf32, #tpu.memory_space<vmem>>) dst(%dma_wait3A_36 : memref<32x1024xf32, #tpu.memory_space<hbm>>)
    %dma_start3A_37 = arith.constant 64 : i32
    %dma_start3A_38 = tpu.memref_slice %arg5[%dma_start3A_37] : memref<128xi32, #tpu.memory_space<vmem>> -> memref<32xi32, #tpu.memory_space<vmem>>
    %dma_start3A_39 = arith.constant 0 : i32
    %dma_start3A_40 = arith.constant 0 : i32
    %dma_start3A_41 = tpu.memref_slice %arg3[%dma_start3A_39, %dma_start3A_40] : memref<50000x1024xf32, #tpu.memory_space<hbm>> -> memref<50000x1024xf32, #tpu.memory_space<hbm>>
    tpu.enqueue_indirect_dma source(%dma_start3A_41 : memref<50000x1024xf32, #tpu.memory_space<hbm>>) target(%arg6 : memref<32x1024xf32, #tpu.memory_space<vmem>>) offsets(%dma_start3A_38 : memref<32xi32, #tpu.memory_space<vmem>>) semaphore(%arg8 : memref<!tpu.dma_semaphore, #tpu.memory_space<semaphore_mem>>)
    %dma_wait3A_42 = arith.constant 64 : i32
    %dma_wait3A_43 = tpu.memref_slice %arg5[%dma_wait3A_42] : memref<128xi32, #tpu.memory_space<vmem>> -> memref<32xi32, #tpu.memory_space<vmem>>
    %dma_wait3A_44 = arith.constant 0 : i32
    %dma_wait3A_45 = arith.constant 0 : i32
    %dma_wait3A_46 = tpu.memref_slice %arg3[%dma_wait3A_44, %dma_wait3A_45] : memref<50000x1024xf32, #tpu.memory_space<hbm>> -> memref<50000x1024xf32, #tpu.memory_space<hbm>>
    tpu.wait_indirect_dma semaphore(%arg8 : memref<!tpu.dma_semaphore, #tpu.memory_space<semaphore_mem>>) src(%dma_wait3A_46 : memref<50000x1024xf32, #tpu.memory_space<hbm>>) dst(%arg6 : memref<32x1024xf32, #tpu.memory_space<vmem>>)
    %add3A_47 = arith.constant 64 : i32
    %add3A_48 = arith.addi %mul3A_2, %add3A_47 : i32
    %dma_start3A_49 = arith.constant 0 : i32
    %dma_start3A_50 = tpu.memref_slice %arg4[%add3A_48, %dma_start3A_49] : memref<4096x1024xf32, #tpu.memory_space<hbm>> -> memref<32x1024xf32, #tpu.memory_space<hbm>>
    %dma_start3A_51 = arith.constant 0 : i32
    %dma_start3A_52 = tpu.memref_slice %arg4[%add3A_48, %dma_start3A_51] : memref<4096x1024xf32, #tpu.memory_space<hbm>> -> memref<32x1024xf32, #tpu.memory_space<hbm>>
    tpu.enqueue_dma source(%arg6 : memref<32x1024xf32, #tpu.memory_space<vmem>>) target(%dma_start3A_52 : memref<32x1024xf32, #tpu.memory_space<hbm>>) target_semaphore(%arg10 : memref<!tpu.dma_semaphore, #tpu.memory_space<semaphore_mem>>)
    %dma_wait3A_53 = arith.constant 0 : i32
    %dma_wait3A_54 = tpu.memref_slice %arg4[%add3A_28, %dma_wait3A_53] : memref<4096x1024xf32, #tpu.memory_space<hbm>> -> memref<32x1024xf32, #tpu.memory_space<hbm>>
    %dma_wait3A_55 = arith.constant 0 : i32
    %dma_wait3A_56 = tpu.memref_slice %arg4[%add3A_28, %dma_wait3A_55] : memref<4096x1024xf32, #tpu.memory_space<hbm>> -> memref<32x1024xf32, #tpu.memory_space<hbm>>
    tpu.wait_dma2 semaphore(%arg11 : memref<!tpu.dma_semaphore, #tpu.memory_space<semaphore_mem>>) src(%arg7 : memref<32x1024xf32, #tpu.memory_space<vmem>>) dst(%dma_wait3A_56 : memref<32x1024xf32, #tpu.memory_space<hbm>>)
    %dma_start3A_57 = arith.constant 96 : i32
    %dma_start3A_58 = tpu.memref_slice %arg5[%dma_start3A_57] : memref<128xi32, #tpu.memory_space<vmem>> -> memref<32xi32, #tpu.memory_space<vmem>>
    %dma_start3A_59 = arith.constant 0 : i32
    %dma_start3A_60 = arith.constant 0 : i32
    %dma_start3A_61 = tpu.memref_slice %arg3[%dma_start3A_59, %dma_start3A_60] : memref<50000x1024xf32, #tpu.memory_space<hbm>> -> memref<50000x1024xf32, #tpu.memory_space<hbm>>
    tpu.enqueue_indirect_dma source(%dma_start3A_61 : memref<50000x1024xf32, #tpu.memory_space<hbm>>) target(%arg7 : memref<32x1024xf32, #tpu.memory_space<vmem>>) offsets(%dma_start3A_58 : memref<32xi32, #tpu.memory_space<vmem>>) semaphore(%arg9 : memref<!tpu.dma_semaphore, #tpu.memory_space<semaphore_mem>>)
    %dma_wait3A_62 = arith.constant 96 : i32
    %dma_wait3A_63 = tpu.memref_slice %arg5[%dma_wait3A_62] : memref<128xi32, #tpu.memory_space<vmem>> -> memref<32xi32, #tpu.memory_space<vmem>>
    %dma_wait3A_64 = arith.constant 0 : i32
    %dma_wait3A_65 = arith.constant 0 : i32
    %dma_wait3A_66 = tpu.memref_slice %arg3[%dma_wait3A_64, %dma_wait3A_65] : memref<50000x1024xf32, #tpu.memory_space<hbm>> -> memref<50000x1024xf32, #tpu.memory_space<hbm>>
    tpu.wait_indirect_dma semaphore(%arg9 : memref<!tpu.dma_semaphore, #tpu.memory_space<semaphore_mem>>) src(%dma_wait3A_66 : memref<50000x1024xf32, #tpu.memory_space<hbm>>) dst(%arg7 : memref<32x1024xf32, #tpu.memory_space<vmem>>)
    %add3A_67 = arith.constant 96 : i32
    %add3A_68 = arith.addi %mul3A_2, %add3A_67 : i32
    %dma_start3A_69 = arith.constant 0 : i32
    %dma_start3A_70 = tpu.memref_slice %arg4[%add3A_68, %dma_start3A_69] : memref<4096x1024xf32, #tpu.memory_space<hbm>> -> memref<32x1024xf32, #tpu.memory_space<hbm>>
    %dma_start3A_71 = arith.constant 0 : i32
    %dma_start3A_72 = tpu.memref_slice %arg4[%add3A_68, %dma_start3A_71] : memref<4096x1024xf32, #tpu.memory_space<hbm>> -> memref<32x1024xf32, #tpu.memory_space<hbm>>
    tpu.enqueue_dma source(%arg7 : memref<32x1024xf32, #tpu.memory_space<vmem>>) target(%dma_start3A_72 : memref<32x1024xf32, #tpu.memory_space<hbm>>) target_semaphore(%arg11 : memref<!tpu.dma_semaphore, #tpu.memory_space<semaphore_mem>>)
    %dma_wait3A_73 = arith.constant 0 : i32
    %dma_wait3A_74 = tpu.memref_slice %arg4[%add3A_68, %dma_wait3A_73] : memref<4096x1024xf32, #tpu.memory_space<hbm>> -> memref<32x1024xf32, #tpu.memory_space<hbm>>
    %dma_wait3A_75 = arith.constant 0 : i32
    %dma_wait3A_76 = tpu.memref_slice %arg4[%add3A_68, %dma_wait3A_75] : memref<4096x1024xf32, #tpu.memory_space<hbm>> -> memref<32x1024xf32, #tpu.memory_space<hbm>>
    tpu.wait_dma2 semaphore(%arg11 : memref<!tpu.dma_semaphore, #tpu.memory_space<semaphore_mem>>) src(%arg7 : memref<32x1024xf32, #tpu.memory_space<vmem>>) dst(%dma_wait3A_76 : memref<32x1024xf32, #tpu.memory_space<hbm>>)
    return
  }
}

#map = affine_map<(d0, d1) -> (0)>
#map1 = affine_map<(d0, d1) -> (0, 0)>
module attributes {stable_mosaic.version = 14 : i64} {
  func.func @_sc_embed_body(%arg0: i32, %arg1: i32, %arg2: memref<4096xi32, #tpu.memory_space<hbm>>, %arg3: memref<50000x1024xf32, #tpu.memory_space<hbm>>, %arg4: memref<4096x1024xf32, #tpu.memory_space<hbm>>, %arg5: memref<128xi32, #tpu.memory_space<vmem>>, %arg6: memref<32x1024xf32, #tpu.memory_space<vmem>>, %arg7: memref<32x1024xf32, #tpu.memory_space<vmem>>, %arg8: memref<!tpu.dma_semaphore, #tpu.memory_space<semaphore_mem>>, %arg9: memref<!tpu.dma_semaphore, #tpu.memory_space<semaphore_mem>>, %arg10: memref<!tpu.dma_semaphore, #tpu.memory_space<semaphore_mem>>, %arg11: memref<!tpu.dma_semaphore, #tpu.memory_space<semaphore_mem>>) attributes {dimension_semantics = [#tpu.dimension_semantics<core_parallel>, #tpu.dimension_semantics<subcore_parallel>], iteration_bounds = array<i64: 2, 16>, scalar_prefetch = 0 : i64, scratch_operands = 7 : i64, tpu.core_type = #tpu.core_type<sc_vector_subcore>, window_params = [{transform_indices = #map}, {transform_indices = #map1}, {transform_indices = #map1}]} {
    %mul3A = arith.constant 2 : i32
    %mul3A_0 = arith.muli %arg1, %mul3A : i32
    %add3A = arith.addi %mul3A_0, %arg0 : i32
    %mul3A_1 = arith.constant 128 : i32
    %mul3A_2 = arith.muli %add3A, %mul3A_1 : i32
    "tpu.region"() ({
      %run_scoped3A = tpu.sem_alloc : memref<!tpu.dma_semaphore, #tpu.memory_space<semaphore_mem>>
      %dma_start3A_77 = tpu.memref_slice %arg2[%mul3A_2] : memref<4096xi32, #tpu.memory_space<hbm>> -> memref<128xi32, #tpu.memory_space<hbm>>
      %dma_start3A_78 = tpu.memref_slice %arg2[%mul3A_2] : memref<4096xi32, #tpu.memory_space<hbm>> -> memref<128xi32, #tpu.memory_space<hbm>>
      tpu.enqueue_dma source(%dma_start3A_78 : memref<128xi32, #tpu.memory_space<hbm>>) target(%arg5 : memref<128xi32, #tpu.memory_space<vmem>>) target_semaphore(%run_scoped3A : memref<!tpu.dma_semaphore, #tpu.memory_space<semaphore_mem>>)
      %dma_wait3A_79 = tpu.memref_slice %arg2[%mul3A_2] : memref<4096xi32, #tpu.memory_space<hbm>> -> memref<128xi32, #tpu.memory_space<hbm>>
      %dma_wait3A_80 = tpu.memref_slice %arg2[%mul3A_2] : memref<4096xi32, #tpu.memory_space<hbm>> -> memref<128xi32, #tpu.memory_space<hbm>>
      tpu.wait_dma2 semaphore(%run_scoped3A : memref<!tpu.dma_semaphore, #tpu.memory_space<semaphore_mem>>) src(%dma_wait3A_80 : memref<128xi32, #tpu.memory_space<hbm>>) dst(%arg5 : memref<128xi32, #tpu.memory_space<vmem>>)
      tpu.yield
    }) : () -> ()
    %dma_start3A = arith.constant 0 : i32
    %dma_start3A_3 = tpu.memref_slice %arg5[%dma_start3A] : memref<128xi32, #tpu.memory_space<vmem>> -> memref<32xi32, #tpu.memory_space<vmem>>
    %dma_start3A_4 = arith.constant 0 : i32
    %dma_start3A_5 = arith.constant 0 : i32
    %dma_start3A_6 = tpu.memref_slice %arg3[%dma_start3A_4, %dma_start3A_5] : memref<50000x1024xf32, #tpu.memory_space<hbm>> -> memref<50000x1024xf32, #tpu.memory_space<hbm>>
    tpu.enqueue_indirect_dma source(%dma_start3A_6 : memref<50000x1024xf32, #tpu.memory_space<hbm>>) target(%arg6 : memref<32x1024xf32, #tpu.memory_space<vmem>>) offsets(%dma_start3A_3 : memref<32xi32, #tpu.memory_space<vmem>>) semaphore(%arg8 : memref<!tpu.dma_semaphore, #tpu.memory_space<semaphore_mem>>)
    %dma_wait3A = arith.constant 0 : i32
    %dma_wait3A_7 = tpu.memref_slice %arg5[%dma_wait3A] : memref<128xi32, #tpu.memory_space<vmem>> -> memref<32xi32, #tpu.memory_space<vmem>>
    %dma_wait3A_8 = arith.constant 0 : i32
    %dma_wait3A_9 = arith.constant 0 : i32
    %dma_wait3A_10 = tpu.memref_slice %arg3[%dma_wait3A_8, %dma_wait3A_9] : memref<50000x1024xf32, #tpu.memory_space<hbm>> -> memref<50000x1024xf32, #tpu.memory_space<hbm>>
    tpu.wait_indirect_dma semaphore(%arg8 : memref<!tpu.dma_semaphore, #tpu.memory_space<semaphore_mem>>) src(%dma_wait3A_10 : memref<50000x1024xf32, #tpu.memory_space<hbm>>) dst(%arg6 : memref<32x1024xf32, #tpu.memory_space<vmem>>)
    %add3A_11 = arith.constant 0 : i32
    %add3A_12 = arith.addi %mul3A_2, %add3A_11 : i32
    %dma_start3A_13 = arith.constant 0 : i32
    %dma_start3A_14 = tpu.memref_slice %arg4[%add3A_12, %dma_start3A_13] : memref<4096x1024xf32, #tpu.memory_space<hbm>> -> memref<32x1024xf32, #tpu.memory_space<hbm>>
    %dma_start3A_15 = arith.constant 0 : i32
    %dma_start3A_16 = tpu.memref_slice %arg4[%add3A_12, %dma_start3A_15] : memref<4096x1024xf32, #tpu.memory_space<hbm>> -> memref<32x1024xf32, #tpu.memory_space<hbm>>
    tpu.enqueue_dma source(%arg6 : memref<32x1024xf32, #tpu.memory_space<vmem>>) target(%dma_start3A_16 : memref<32x1024xf32, #tpu.memory_space<hbm>>) target_semaphore(%arg10 : memref<!tpu.dma_semaphore, #tpu.memory_space<semaphore_mem>>)
    %dma_start3A_17 = arith.constant 32 : i32
    %dma_start3A_18 = tpu.memref_slice %arg5[%dma_start3A_17] : memref<128xi32, #tpu.memory_space<vmem>> -> memref<32xi32, #tpu.memory_space<vmem>>
    %dma_start3A_19 = arith.constant 0 : i32
    %dma_start3A_20 = arith.constant 0 : i32
    %dma_start3A_21 = tpu.memref_slice %arg3[%dma_start3A_19, %dma_start3A_20] : memref<50000x1024xf32, #tpu.memory_space<hbm>> -> memref<50000x1024xf32, #tpu.memory_space<hbm>>
    tpu.enqueue_indirect_dma source(%dma_start3A_21 : memref<50000x1024xf32, #tpu.memory_space<hbm>>) target(%arg7 : memref<32x1024xf32, #tpu.memory_space<vmem>>) offsets(%dma_start3A_18 : memref<32xi32, #tpu.memory_space<vmem>>) semaphore(%arg9 : memref<!tpu.dma_semaphore, #tpu.memory_space<semaphore_mem>>)
    %dma_wait3A_22 = arith.constant 32 : i32
    %dma_wait3A_23 = tpu.memref_slice %arg5[%dma_wait3A_22] : memref<128xi32, #tpu.memory_space<vmem>> -> memref<32xi32, #tpu.memory_space<vmem>>
    %dma_wait3A_24 = arith.constant 0 : i32
    %dma_wait3A_25 = arith.constant 0 : i32
    %dma_wait3A_26 = tpu.memref_slice %arg3[%dma_wait3A_24, %dma_wait3A_25] : memref<50000x1024xf32, #tpu.memory_space<hbm>> -> memref<50000x1024xf32, #tpu.memory_space<hbm>>
    tpu.wait_indirect_dma semaphore(%arg9 : memref<!tpu.dma_semaphore, #tpu.memory_space<semaphore_mem>>) src(%dma_wait3A_26 : memref<50000x1024xf32, #tpu.memory_space<hbm>>) dst(%arg7 : memref<32x1024xf32, #tpu.memory_space<vmem>>)
    %add3A_27 = arith.constant 32 : i32
    %add3A_28 = arith.addi %mul3A_2, %add3A_27 : i32
    %dma_start3A_29 = arith.constant 0 : i32
    %dma_start3A_30 = tpu.memref_slice %arg4[%add3A_28, %dma_start3A_29] : memref<4096x1024xf32, #tpu.memory_space<hbm>> -> memref<32x1024xf32, #tpu.memory_space<hbm>>
    %dma_start3A_31 = arith.constant 0 : i32
    %dma_start3A_32 = tpu.memref_slice %arg4[%add3A_28, %dma_start3A_31] : memref<4096x1024xf32, #tpu.memory_space<hbm>> -> memref<32x1024xf32, #tpu.memory_space<hbm>>
    tpu.enqueue_dma source(%arg7 : memref<32x1024xf32, #tpu.memory_space<vmem>>) target(%dma_start3A_32 : memref<32x1024xf32, #tpu.memory_space<hbm>>) target_semaphore(%arg11 : memref<!tpu.dma_semaphore, #tpu.memory_space<semaphore_mem>>)
    %dma_wait3A_33 = arith.constant 0 : i32
    %dma_wait3A_34 = tpu.memref_slice %arg4[%add3A_12, %dma_wait3A_33] : memref<4096x1024xf32, #tpu.memory_space<hbm>> -> memref<32x1024xf32, #tpu.memory_space<hbm>>
    %dma_wait3A_35 = arith.constant 0 : i32
    %dma_wait3A_36 = tpu.memref_slice %arg4[%add3A_12, %dma_wait3A_35] : memref<4096x1024xf32, #tpu.memory_space<hbm>> -> memref<32x1024xf32, #tpu.memory_space<hbm>>
    tpu.wait_dma2 semaphore(%arg10 : memref<!tpu.dma_semaphore, #tpu.memory_space<semaphore_mem>>) src(%arg6 : memref<32x1024xf32, #tpu.memory_space<vmem>>) dst(%dma_wait3A_36 : memref<32x1024xf32, #tpu.memory_space<hbm>>)
    %dma_start3A_37 = arith.constant 64 : i32
    %dma_start3A_38 = tpu.memref_slice %arg5[%dma_start3A_37] : memref<128xi32, #tpu.memory_space<vmem>> -> memref<32xi32, #tpu.memory_space<vmem>>
    %dma_start3A_39 = arith.constant 0 : i32
    %dma_start3A_40 = arith.constant 0 : i32
    %dma_start3A_41 = tpu.memref_slice %arg3[%dma_start3A_39, %dma_start3A_40] : memref<50000x1024xf32, #tpu.memory_space<hbm>> -> memref<50000x1024xf32, #tpu.memory_space<hbm>>
    tpu.enqueue_indirect_dma source(%dma_start3A_41 : memref<50000x1024xf32, #tpu.memory_space<hbm>>) target(%arg6 : memref<32x1024xf32, #tpu.memory_space<vmem>>) offsets(%dma_start3A_38 : memref<32xi32, #tpu.memory_space<vmem>>) semaphore(%arg8 : memref<!tpu.dma_semaphore, #tpu.memory_space<semaphore_mem>>)
    %dma_wait3A_42 = arith.constant 64 : i32
    %dma_wait3A_43 = tpu.memref_slice %arg5[%dma_wait3A_42] : memref<128xi32, #tpu.memory_space<vmem>> -> memref<32xi32, #tpu.memory_space<vmem>>
    %dma_wait3A_44 = arith.constant 0 : i32
    %dma_wait3A_45 = arith.constant 0 : i32
    %dma_wait3A_46 = tpu.memref_slice %arg3[%dma_wait3A_44, %dma_wait3A_45] : memref<50000x1024xf32, #tpu.memory_space<hbm>> -> memref<50000x1024xf32, #tpu.memory_space<hbm>>
    tpu.wait_indirect_dma semaphore(%arg8 : memref<!tpu.dma_semaphore, #tpu.memory_space<semaphore_mem>>) src(%dma_wait3A_46 : memref<50000x1024xf32, #tpu.memory_space<hbm>>) dst(%arg6 : memref<32x1024xf32, #tpu.memory_space<vmem>>)
    %add3A_47 = arith.constant 64 : i32
    %add3A_48 = arith.addi %mul3A_2, %add3A_47 : i32
    %dma_start3A_49 = arith.constant 0 : i32
    %dma_start3A_50 = tpu.memref_slice %arg4[%add3A_48, %dma_start3A_49] : memref<4096x1024xf32, #tpu.memory_space<hbm>> -> memref<32x1024xf32, #tpu.memory_space<hbm>>
    %dma_start3A_51 = arith.constant 0 : i32
    %dma_start3A_52 = tpu.memref_slice %arg4[%add3A_48, %dma_start3A_51] : memref<4096x1024xf32, #tpu.memory_space<hbm>> -> memref<32x1024xf32, #tpu.memory_space<hbm>>
    tpu.enqueue_dma source(%arg6 : memref<32x1024xf32, #tpu.memory_space<vmem>>) target(%dma_start3A_52 : memref<32x1024xf32, #tpu.memory_space<hbm>>) target_semaphore(%arg10 : memref<!tpu.dma_semaphore, #tpu.memory_space<semaphore_mem>>)
    %dma_wait3A_53 = arith.constant 0 : i32
    %dma_wait3A_54 = tpu.memref_slice %arg4[%add3A_28, %dma_wait3A_53] : memref<4096x1024xf32, #tpu.memory_space<hbm>> -> memref<32x1024xf32, #tpu.memory_space<hbm>>
    %dma_wait3A_55 = arith.constant 0 : i32
    %dma_wait3A_56 = tpu.memref_slice %arg4[%add3A_28, %dma_wait3A_55] : memref<4096x1024xf32, #tpu.memory_space<hbm>> -> memref<32x1024xf32, #tpu.memory_space<hbm>>
    tpu.wait_dma2 semaphore(%arg11 : memref<!tpu.dma_semaphore, #tpu.memory_space<semaphore_mem>>) src(%arg7 : memref<32x1024xf32, #tpu.memory_space<vmem>>) dst(%dma_wait3A_56 : memref<32x1024xf32, #tpu.memory_space<hbm>>)
    %dma_start3A_57 = arith.constant 96 : i32
    %dma_start3A_58 = tpu.memref_slice %arg5[%dma_start3A_57] : memref<128xi32, #tpu.memory_space<vmem>> -> memref<32xi32, #tpu.memory_space<vmem>>
    %dma_start3A_59 = arith.constant 0 : i32
    %dma_start3A_60 = arith.constant 0 : i32
    %dma_start3A_61 = tpu.memref_slice %arg3[%dma_start3A_59, %dma_start3A_60] : memref<50000x1024xf32, #tpu.memory_space<hbm>> -> memref<50000x1024xf32, #tpu.memory_space<hbm>>
    tpu.enqueue_indirect_dma source(%dma_start3A_61 : memref<50000x1024xf32, #tpu.memory_space<hbm>>) target(%arg7 : memref<32x1024xf32, #tpu.memory_space<vmem>>) offsets(%dma_start3A_58 : memref<32xi32, #tpu.memory_space<vmem>>) semaphore(%arg9 : memref<!tpu.dma_semaphore, #tpu.memory_space<semaphore_mem>>)
    %dma_wait3A_62 = arith.constant 96 : i32
    %dma_wait3A_63 = tpu.memref_slice %arg5[%dma_wait3A_62] : memref<128xi32, #tpu.memory_space<vmem>> -> memref<32xi32, #tpu.memory_space<vmem>>
    %dma_wait3A_64 = arith.constant 0 : i32
    %dma_wait3A_65 = arith.constant 0 : i32
    %dma_wait3A_66 = tpu.memref_slice %arg3[%dma_wait3A_64, %dma_wait3A_65] : memref<50000x1024xf32, #tpu.memory_space<hbm>> -> memref<50000x1024xf32, #tpu.memory_space<hbm>>
    tpu.wait_indirect_dma semaphore(%arg9 : memref<!tpu.dma_semaphore, #tpu.memory_space<semaphore_mem>>) src(%dma_wait3A_66 : memref<50000x1024xf32, #tpu.memory_space<hbm>>) dst(%arg7 : memref<32x1024xf32, #tpu.memory_space<vmem>>)
    %add3A_67 = arith.constant 96 : i32
    %add3A_68 = arith.addi %mul3A_2, %add3A_67 : i32
    %dma_start3A_69 = arith.constant 0 : i32
    %dma_start3A_70 = tpu.memref_slice %arg4[%add3A_68, %dma_start3A_69] : memref<4096x1024xf32, #tpu.memory_space<hbm>> -> memref<32x1024xf32, #tpu.memory_space<hbm>>
    %dma_start3A_71 = arith.constant 0 : i32
    %dma_start3A_72 = tpu.memref_slice %arg4[%add3A_68, %dma_start3A_71] : memref<4096x1024xf32, #tpu.memory_space<hbm>> -> memref<32x1024xf32, #tpu.memory_space<hbm>>
    tpu.enqueue_dma source(%arg7 : memref<32x1024xf32, #tpu.memory_space<vmem>>) target(%dma_start3A_72 : memref<32x1024xf32, #tpu.memory_space<hbm>>) target_semaphore(%arg11 : memref<!tpu.dma_semaphore, #tpu.memory_space<semaphore_mem>>)
    %dma_wait3A_73 = arith.constant 0 : i32
    %dma_wait3A_74 = tpu.memref_slice %arg4[%add3A_68, %dma_wait3A_73] : memref<4096x1024xf32, #tpu.memory_space<hbm>> -> memref<32x1024xf32, #tpu.memory_space<hbm>>
    %dma_wait3A_75 = arith.constant 0 : i32
    %dma_wait3A_76 = tpu.memref_slice %arg4[%add3A_68, %dma_wait3A_75] : memref<4096x1024xf32, #tpu.memory_space<hbm>> -> memref<32x1024xf32, #tpu.memory_space<hbm>>
    tpu.wait_dma2 semaphore(%arg11 : memref<!tpu.dma_semaphore, #tpu.memory_space<semaphore_mem>>) src(%arg7 : memref<32x1024xf32, #tpu.memory_space<vmem>>) dst(%dma_wait3A_76 : memref<32x1024xf32, #tpu.memory_space<hbm>>)
    return
  }
}

#map = affine_map<(d0, d1) -> (0)>
module attributes {stable_mosaic.version = 14 : i64} {
  func.func @_sc_tab_body(%arg0: i32, %arg1: i32, %arg2: memref<4096xi32, #tpu.memory_space<hbm>>, %arg3: memref<4096xf32, #tpu.memory_space<hbm>>, %arg4: memref<262144xf32, #tpu.memory_space<hbm>>, %arg5: memref<4096xf32, #tpu.memory_space<hbm>>, %arg6: memref<4096xf32, #tpu.memory_space<hbm>>, %arg7: memref<4096xf32, #tpu.memory_space<hbm>>, %arg8: memref<4096xf32, #tpu.memory_space<hbm>>, %arg9: memref<4096xf32, #tpu.memory_space<hbm>>, %arg10: memref<4096xf32, #tpu.memory_space<hbm>>, %arg11: memref<2048xi32, #tpu.memory_space<vmem>>, %arg12: memref<4096xf32, #tpu.memory_space<vmem>>, %arg13: memref<128xi32, #tpu.memory_space<vmem>>, %arg14: memref<128xf32, #tpu.memory_space<vmem>>, %arg15: memref<128xf32, #tpu.memory_space<vmem>>, %arg16: memref<128xf32, #tpu.memory_space<vmem>>, %arg17: memref<128xf32, #tpu.memory_space<vmem>>, %arg18: memref<128xf32, #tpu.memory_space<vmem>>, %arg19: memref<128xf32, #tpu.memory_space<vmem>>, %arg20: memref<!tpu.dma_semaphore, #tpu.memory_space<semaphore_mem>>) attributes {dimension_semantics = [#tpu.dimension_semantics<core_parallel>, #tpu.dimension_semantics<subcore_parallel>], iteration_bounds = array<i64: 2, 16>, scalar_prefetch = 0 : i64, scratch_operands = 10 : i64, tpu.core_type = #tpu.core_type<sc_vector_subcore>, window_params = [{transform_indices = #map}, {transform_indices = #map}, {transform_indices = #map}, {transform_indices = #map}, {transform_indices = #map}, {transform_indices = #map}, {transform_indices = #map}, {transform_indices = #map}, {transform_indices = #map}]} {
    %mul3A = arith.constant 2 : i32
    %mul3A_0 = arith.muli %arg1, %mul3A : i32
    %add3A = arith.addi %mul3A_0, %arg0 : i32
    %jit3A = arith.constant 16 : i32
    %div3A = arith.divsi %add3A, %jit3A : i32
    %sign3A = arith.constant 0 : i32
    %sign3A_1 = arith.cmpi sgt, %add3A, %sign3A : i32
    %sign3A_2 = arith.extui %sign3A_1 : i1 to i32
    %sign3A_3 = arith.constant 0 : i32
    %sign3A_4 = arith.cmpi slt, %add3A, %sign3A_3 : i32
    %sign3A_5 = arith.extui %sign3A_4 : i1 to i32
    %sign3A_6 = arith.subi %sign3A_2, %sign3A_5 : i32
    %sign3A_7 = arith.constant 0 : i32
    %sign3A_8 = arith.cmpi sgt, %jit3A, %sign3A_7 : i32
    %sign3A_9 = arith.extui %sign3A_8 : i1 to i32
    %sign3A_10 = arith.constant 0 : i32
    %sign3A_11 = arith.cmpi slt, %jit3A, %sign3A_10 : i32
    %sign3A_12 = arith.extui %sign3A_11 : i1 to i32
    %sign3A_13 = arith.subi %sign3A_9, %sign3A_12 : i32
    %ne3A = arith.cmpi ne, %sign3A_6, %sign3A_13 : i32
    %rem3A = arith.remsi %add3A, %jit3A : i32
    %ne3A_14 = arith.constant 0 : i32
    %ne3A_15 = arith.cmpi ne, %rem3A, %ne3A_14 : i32
    %and3A = arith.andi %ne3A, %ne3A_15 : i1
    %sub3A = arith.constant 1 : i32
    %sub3A_16 = arith.subi %div3A, %sub3A : i32
    %select_n3A = arith.select %and3A, %sub3A_16, %div3A : i32
    %jit3A_17 = arith.constant 16 : i32
    %eq3A = arith.constant 0 : i32
    %eq3A_18 = arith.cmpi eq, %jit3A_17, %eq3A : i32
    %jit3A_19 = arith.constant 1 : i32
    %select_n3A_20 = arith.select %eq3A_18, %jit3A_19, %jit3A_17 : i32
    %rem3A_21 = arith.remsi %add3A, %select_n3A_20 : i32
    %ne3A_22 = arith.constant 0 : i32
    %ne3A_23 = arith.cmpi ne, %rem3A_21, %ne3A_22 : i32
    %lt3A = arith.constant 0 : i32
    %lt3A_24 = arith.cmpi slt, %rem3A_21, %lt3A : i32
    %lt3A_25 = arith.constant 0 : i32
    %lt3A_26 = arith.cmpi slt, %select_n3A_20, %lt3A_25 : i32
    %ne3A_27 = arith.xori %lt3A_24, %lt3A_26 : i1
    %and3A_28 = arith.andi %ne3A_27, %ne3A_23 : i1
    %add3A_29 = arith.addi %rem3A_21, %select_n3A_20 : i32
    %select_n3A_30 = arith.select %and3A_28, %add3A_29, %rem3A_21 : i32
    %mul3A_31 = arith.constant 128 : i32
    %mul3A_32 = arith.muli %select_n3A_30, %mul3A_31 : i32
    %mul3A_33 = arith.constant 2048 : i32
    %mul3A_34 = arith.muli %select_n3A, %mul3A_33 : i32
    "tpu.region"() ({
      %run_scoped3A = tpu.sem_alloc : memref<!tpu.dma_semaphore, #tpu.memory_space<semaphore_mem>>
      %dma_start3A_404 = tpu.memref_slice %arg2[%mul3A_34] : memref<4096xi32, #tpu.memory_space<hbm>> -> memref<2048xi32, #tpu.memory_space<hbm>>
      %dma_start3A_405 = tpu.memref_slice %arg2[%mul3A_34] : memref<4096xi32, #tpu.memory_space<hbm>> -> memref<2048xi32, #tpu.memory_space<hbm>>
      tpu.enqueue_dma source(%dma_start3A_405 : memref<2048xi32, #tpu.memory_space<hbm>>) target(%arg11 : memref<2048xi32, #tpu.memory_space<vmem>>) target_semaphore(%run_scoped3A : memref<!tpu.dma_semaphore, #tpu.memory_space<semaphore_mem>>)
      %dma_wait3A_406 = tpu.memref_slice %arg2[%mul3A_34] : memref<4096xi32, #tpu.memory_space<hbm>> -> memref<2048xi32, #tpu.memory_space<hbm>>
      %dma_wait3A_407 = tpu.memref_slice %arg2[%mul3A_34] : memref<4096xi32, #tpu.memory_space<hbm>> -> memref<2048xi32, #tpu.memory_space<hbm>>
      tpu.wait_dma2 semaphore(%run_scoped3A : memref<!tpu.dma_semaphore, #tpu.memory_space<semaphore_mem>>) src(%dma_wait3A_407 : memref<2048xi32, #tpu.memory_space<hbm>>) dst(%arg11 : memref<2048xi32, #tpu.memory_space<vmem>>)
      tpu.yield
    }) : () -> ()
    "tpu.region"() ({
      %run_scoped3A = tpu.sem_alloc : memref<!tpu.dma_semaphore, #tpu.memory_space<semaphore_mem>>
      tpu.enqueue_dma source(%arg3 : memref<4096xf32, #tpu.memory_space<hbm>>) target(%arg12 : memref<4096xf32, #tpu.memory_space<vmem>>) target_semaphore(%run_scoped3A : memref<!tpu.dma_semaphore, #tpu.memory_space<semaphore_mem>>)
      tpu.wait_dma2 semaphore(%run_scoped3A : memref<!tpu.dma_semaphore, #tpu.memory_space<semaphore_mem>>) src(%arg3 : memref<4096xf32, #tpu.memory_space<hbm>>) dst(%arg12 : memref<4096xf32, #tpu.memory_space<vmem>>)
      tpu.yield
    }) : () -> ()
    %add3A_35 = arith.constant 0 : i32
    %add3A_36 = arith.addi %mul3A_32, %add3A_35 : i32
    %iota3A = tpu.iota {dimensions = array<i32: 0>} : vector<16xi32>
    %add3A_37 = vector.broadcast %add3A_36 : i32 to vector<16xi32>
    %add3A_38 = arith.addi %add3A_37, %iota3A : vector<16xi32>
    %gather3A = tpu.vector_load_idx %arg11[%add3A_38] : memref<2048xi32, #tpu.memory_space<vmem>>[vector<16xi32>], vector<16xi32>,
    %add3A_39 = arith.constant 1 : i32
    %add3A_40 = vector.broadcast %add3A_39 : i32 to vector<16xi32>
    %add3A_41 = arith.addi %add3A_38, %add3A_40 : vector<16xi32>
    %rem3A_42 = arith.constant 2048 : i32
    %rem3A_43 = vector.broadcast %rem3A_42 : i32 to vector<16xi32>
    %rem3A_44 = arith.remsi %add3A_41, %rem3A_43 : vector<16xi32>
    %gather3A_45 = tpu.vector_load_idx %arg11[%rem3A_44] : memref<2048xi32, #tpu.memory_space<vmem>>[vector<16xi32>], vector<16xi32>,
    %mul3A_46 = arith.constant 512 : i32
    %mul3A_47 = vector.broadcast %mul3A_46 : i32 to vector<16xi32>
    %mul3A_48 = arith.muli %gather3A, %mul3A_47 : vector<16xi32>
    %add3A_49 = arith.addi %mul3A_48, %gather3A_45 : vector<16xi32>
    %swap3A = arith.constant 0 : index
    %swap3A_50 = tpu.vector_load %arg13[%swap3A] {strides = array<i32>} : memref<128xi32, #tpu.memory_space<vmem>>, vector<16xi32>,
    tpu.vector_store %arg13[%swap3A], %add3A_49 {strides = array<i32>} : memref<128xi32, #tpu.memory_space<vmem>>, vector<16xi32>,
    %gather3A_51 = tpu.vector_load_idx %arg12[%gather3A] : memref<4096xf32, #tpu.memory_space<vmem>>[vector<16xi32>], vector<16xf32>,
    %swap3A_52 = arith.constant 0 : index
    %swap3A_53 = tpu.vector_load %arg14[%swap3A_52] {strides = array<i32>} : memref<128xf32, #tpu.memory_space<vmem>>, vector<16xf32>,
    tpu.vector_store %arg14[%swap3A_52], %gather3A_51 {strides = array<i32>} : memref<128xf32, #tpu.memory_space<vmem>>, vector<16xf32>,
    %add3A_54 = arith.constant 512 : i32
    %add3A_55 = vector.broadcast %add3A_54 : i32 to vector<16xi32>
    %add3A_56 = arith.addi %gather3A, %add3A_55 : vector<16xi32>
    %gather3A_57 = tpu.vector_load_idx %arg12[%add3A_56] : memref<4096xf32, #tpu.memory_space<vmem>>[vector<16xi32>], vector<16xf32>,
    %swap3A_58 = arith.constant 0 : index
    %swap3A_59 = tpu.vector_load %arg15[%swap3A_58] {strides = array<i32>} : memref<128xf32, #tpu.memory_space<vmem>>, vector<16xf32>,
    tpu.vector_store %arg15[%swap3A_58], %gather3A_57 {strides = array<i32>} : memref<128xf32, #tpu.memory_space<vmem>>, vector<16xf32>,
    %add3A_60 = arith.constant 1024 : i32
    %add3A_61 = vector.broadcast %add3A_60 : i32 to vector<16xi32>
    %add3A_62 = arith.addi %gather3A, %add3A_61 : vector<16xi32>
    %gather3A_63 = tpu.vector_load_idx %arg12[%add3A_62] : memref<4096xf32, #tpu.memory_space<vmem>>[vector<16xi32>], vector<16xf32>,
    %swap3A_64 = arith.constant 0 : index
    %swap3A_65 = tpu.vector_load %arg16[%swap3A_64] {strides = array<i32>} : memref<128xf32, #tpu.memory_space<vmem>>, vector<16xf32>,
    tpu.vector_store %arg16[%swap3A_64], %gather3A_63 {strides = array<i32>} : memref<128xf32, #tpu.memory_space<vmem>>, vector<16xf32>,
    %add3A_66 = arith.constant 1536 : i32
    %add3A_67 = vector.broadcast %add3A_66 : i32 to vector<16xi32>
    %add3A_68 = arith.addi %gather3A, %add3A_67 : vector<16xi32>
    %gather3A_69 = tpu.vector_load_idx %arg12[%add3A_68] : memref<4096xf32, #tpu.memory_space<vmem>>[vector<16xi32>], vector<16xf32>,
    %swap3A_70 = arith.constant 0 : index
    %swap3A_71 = tpu.vector_load %arg17[%swap3A_70] {strides = array<i32>} : memref<128xf32, #tpu.memory_space<vmem>>, vector<16xf32>,
    tpu.vector_store %arg17[%swap3A_70], %gather3A_69 {strides = array<i32>} : memref<128xf32, #tpu.memory_space<vmem>>, vector<16xf32>,
    %add3A_72 = arith.constant 2048 : i32
    %add3A_73 = vector.broadcast %add3A_72 : i32 to vector<16xi32>
    %add3A_74 = arith.addi %gather3A, %add3A_73 : vector<16xi32>
    %gather3A_75 = tpu.vector_load_idx %arg12[%add3A_74] : memref<4096xf32, #tpu.memory_space<vmem>>[vector<16xi32>], vector<16xf32>,
    %swap3A_76 = arith.constant 0 : index
    %swap3A_77 = tpu.vector_load %arg18[%swap3A_76] {strides = array<i32>} : memref<128xf32, #tpu.memory_space<vmem>>, vector<16xf32>,
    tpu.vector_store %arg18[%swap3A_76], %gather3A_75 {strides = array<i32>} : memref<128xf32, #tpu.memory_space<vmem>>, vector<16xf32>,
    %add3A_78 = arith.constant 16 : i32
    %add3A_79 = arith.addi %mul3A_32, %add3A_78 : i32
    %iota3A_80 = tpu.iota {dimensions = array<i32: 0>} : vector<16xi32>
    %add3A_81 = vector.broadcast %add3A_79 : i32 to vector<16xi32>
    %add3A_82 = arith.addi %add3A_81, %iota3A_80 : vector<16xi32>
    %gather3A_83 = tpu.vector_load_idx %arg11[%add3A_82] : memref<2048xi32, #tpu.memory_space<vmem>>[vector<16xi32>], vector<16xi32>,
    %add3A_84 = arith.constant 1 : i32
    %add3A_85 = vector.broadcast %add3A_84 : i32 to vector<16xi32>
    %add3A_86 = arith.addi %add3A_82, %add3A_85 : vector<16xi32>
    %rem3A_87 = arith.constant 2048 : i32
    %rem3A_88 = vector.broadcast %rem3A_87 : i32 to vector<16xi32>
    %rem3A_89 = arith.remsi %add3A_86, %rem3A_88 : vector<16xi32>
    %gather3A_90 = tpu.vector_load_idx %arg11[%rem3A_89] : memref<2048xi32, #tpu.memory_space<vmem>>[vector<16xi32>], vector<16xi32>,
    %mul3A_91 = arith.constant 512 : i32
    %mul3A_92 = vector.broadcast %mul3A_91 : i32 to vector<16xi32>
    %mul3A_93 = arith.muli %gather3A_83, %mul3A_92 : vector<16xi32>
    %add3A_94 = arith.addi %mul3A_93, %gather3A_90 : vector<16xi32>
    %swap3A_95 = arith.constant 16 : index
    %swap3A_96 = tpu.vector_load %arg13[%swap3A_95] {strides = array<i32>} : memref<128xi32, #tpu.memory_space<vmem>>, vector<16xi32>,
    tpu.vector_store %arg13[%swap3A_95], %add3A_94 {strides = array<i32>} : memref<128xi32, #tpu.memory_space<vmem>>, vector<16xi32>,
    %gather3A_97 = tpu.vector_load_idx %arg12[%gather3A_83] : memref<4096xf32, #tpu.memory_space<vmem>>[vector<16xi32>], vector<16xf32>,
    %swap3A_98 = arith.constant 16 : index
    %swap3A_99 = tpu.vector_load %arg14[%swap3A_98] {strides = array<i32>} : memref<128xf32, #tpu.memory_space<vmem>>, vector<16xf32>,
    tpu.vector_store %arg14[%swap3A_98], %gather3A_97 {strides = array<i32>} : memref<128xf32, #tpu.memory_space<vmem>>, vector<16xf32>,
    %add3A_100 = arith.constant 512 : i32
    %add3A_101 = vector.broadcast %add3A_100 : i32 to vector<16xi32>
    %add3A_102 = arith.addi %gather3A_83, %add3A_101 : vector<16xi32>
    %gather3A_103 = tpu.vector_load_idx %arg12[%add3A_102] : memref<4096xf32, #tpu.memory_space<vmem>>[vector<16xi32>], vector<16xf32>,
    %swap3A_104 = arith.constant 16 : index
    %swap3A_105 = tpu.vector_load %arg15[%swap3A_104] {strides = array<i32>} : memref<128xf32, #tpu.memory_space<vmem>>, vector<16xf32>,
    tpu.vector_store %arg15[%swap3A_104], %gather3A_103 {strides = array<i32>} : memref<128xf32, #tpu.memory_space<vmem>>, vector<16xf32>,
    %add3A_106 = arith.constant 1024 : i32
    %add3A_107 = vector.broadcast %add3A_106 : i32 to vector<16xi32>
    %add3A_108 = arith.addi %gather3A_83, %add3A_107 : vector<16xi32>
    %gather3A_109 = tpu.vector_load_idx %arg12[%add3A_108] : memref<4096xf32, #tpu.memory_space<vmem>>[vector<16xi32>], vector<16xf32>,
    %swap3A_110 = arith.constant 16 : index
    %swap3A_111 = tpu.vector_load %arg16[%swap3A_110] {strides = array<i32>} : memref<128xf32, #tpu.memory_space<vmem>>, vector<16xf32>,
    tpu.vector_store %arg16[%swap3A_110], %gather3A_109 {strides = array<i32>} : memref<128xf32, #tpu.memory_space<vmem>>, vector<16xf32>,
    %add3A_112 = arith.constant 1536 : i32
    %add3A_113 = vector.broadcast %add3A_112 : i32 to vector<16xi32>
    %add3A_114 = arith.addi %gather3A_83, %add3A_113 : vector<16xi32>
    %gather3A_115 = tpu.vector_load_idx %arg12[%add3A_114] : memref<4096xf32, #tpu.memory_space<vmem>>[vector<16xi32>], vector<16xf32>,
    %swap3A_116 = arith.constant 16 : index
    %swap3A_117 = tpu.vector_load %arg17[%swap3A_116] {strides = array<i32>} : memref<128xf32, #tpu.memory_space<vmem>>, vector<16xf32>,
    tpu.vector_store %arg17[%swap3A_116], %gather3A_115 {strides = array<i32>} : memref<128xf32, #tpu.memory_space<vmem>>, vector<16xf32>,
    %add3A_118 = arith.constant 2048 : i32
    %add3A_119 = vector.broadcast %add3A_118 : i32 to vector<16xi32>
    %add3A_120 = arith.addi %gather3A_83, %add3A_119 : vector<16xi32>
    %gather3A_121 = tpu.vector_load_idx %arg12[%add3A_120] : memref<4096xf32, #tpu.memory_space<vmem>>[vector<16xi32>], vector<16xf32>,
    %swap3A_122 = arith.constant 16 : index
    %swap3A_123 = tpu.vector_load %arg18[%swap3A_122] {strides = array<i32>} : memref<128xf32, #tpu.memory_space<vmem>>, vector<16xf32>,
    tpu.vector_store %arg18[%swap3A_122], %gather3A_121 {strides = array<i32>} : memref<128xf32, #tpu.memory_space<vmem>>, vector<16xf32>,
    %add3A_124 = arith.constant 32 : i32
    %add3A_125 = arith.addi %mul3A_32, %add3A_124 : i32
    %iota3A_126 = tpu.iota {dimensions = array<i32: 0>} : vector<16xi32>
    %add3A_127 = vector.broadcast %add3A_125 : i32 to vector<16xi32>
    %add3A_128 = arith.addi %add3A_127, %iota3A_126 : vector<16xi32>
    %gather3A_129 = tpu.vector_load_idx %arg11[%add3A_128] : memref<2048xi32, #tpu.memory_space<vmem>>[vector<16xi32>], vector<16xi32>,
    %add3A_130 = arith.constant 1 : i32
    %add3A_131 = vector.broadcast %add3A_130 : i32 to vector<16xi32>
    %add3A_132 = arith.addi %add3A_128, %add3A_131 : vector<16xi32>
    %rem3A_133 = arith.constant 2048 : i32
    %rem3A_134 = vector.broadcast %rem3A_133 : i32 to vector<16xi32>
    %rem3A_135 = arith.remsi %add3A_132, %rem3A_134 : vector<16xi32>
    %gather3A_136 = tpu.vector_load_idx %arg11[%rem3A_135] : memref<2048xi32, #tpu.memory_space<vmem>>[vector<16xi32>], vector<16xi32>,
    %mul3A_137 = arith.constant 512 : i32
    %mul3A_138 = vector.broadcast %mul3A_137 : i32 to vector<16xi32>
    %mul3A_139 = arith.muli %gather3A_129, %mul3A_138 : vector<16xi32>
    %add3A_140 = arith.addi %mul3A_139, %gather3A_136 : vector<16xi32>
    %swap3A_141 = arith.constant 32 : index
    %swap3A_142 = tpu.vector_load %arg13[%swap3A_141] {strides = array<i32>} : memref<128xi32, #tpu.memory_space<vmem>>, vector<16xi32>,
    tpu.vector_store %arg13[%swap3A_141], %add3A_140 {strides = array<i32>} : memref<128xi32, #tpu.memory_space<vmem>>, vector<16xi32>,
    %gather3A_143 = tpu.vector_load_idx %arg12[%gather3A_129] : memref<4096xf32, #tpu.memory_space<vmem>>[vector<16xi32>], vector<16xf32>,
    %swap3A_144 = arith.constant 32 : index
    %swap3A_145 = tpu.vector_load %arg14[%swap3A_144] {strides = array<i32>} : memref<128xf32, #tpu.memory_space<vmem>>, vector<16xf32>,
    tpu.vector_store %arg14[%swap3A_144], %gather3A_143 {strides = array<i32>} : memref<128xf32, #tpu.memory_space<vmem>>, vector<16xf32>,
    %add3A_146 = arith.constant 512 : i32
    %add3A_147 = vector.broadcast %add3A_146 : i32 to vector<16xi32>
    %add3A_148 = arith.addi %gather3A_129, %add3A_147 : vector<16xi32>
    %gather3A_149 = tpu.vector_load_idx %arg12[%add3A_148] : memref<4096xf32, #tpu.memory_space<vmem>>[vector<16xi32>], vector<16xf32>,
    %swap3A_150 = arith.constant 32 : index
    %swap3A_151 = tpu.vector_load %arg15[%swap3A_150] {strides = array<i32>} : memref<128xf32, #tpu.memory_space<vmem>>, vector<16xf32>,
    tpu.vector_store %arg15[%swap3A_150], %gather3A_149 {strides = array<i32>} : memref<128xf32, #tpu.memory_space<vmem>>, vector<16xf32>,
    %add3A_152 = arith.constant 1024 : i32
    %add3A_153 = vector.broadcast %add3A_152 : i32 to vector<16xi32>
    %add3A_154 = arith.addi %gather3A_129, %add3A_153 : vector<16xi32>
    %gather3A_155 = tpu.vector_load_idx %arg12[%add3A_154] : memref<4096xf32, #tpu.memory_space<vmem>>[vector<16xi32>], vector<16xf32>,
    %swap3A_156 = arith.constant 32 : index
    %swap3A_157 = tpu.vector_load %arg16[%swap3A_156] {strides = array<i32>} : memref<128xf32, #tpu.memory_space<vmem>>, vector<16xf32>,
    tpu.vector_store %arg16[%swap3A_156], %gather3A_155 {strides = array<i32>} : memref<128xf32, #tpu.memory_space<vmem>>, vector<16xf32>,
    %add3A_158 = arith.constant 1536 : i32
    %add3A_159 = vector.broadcast %add3A_158 : i32 to vector<16xi32>
    %add3A_160 = arith.addi %gather3A_129, %add3A_159 : vector<16xi32>
    %gather3A_161 = tpu.vector_load_idx %arg12[%add3A_160] : memref<4096xf32, #tpu.memory_space<vmem>>[vector<16xi32>], vector<16xf32>,
    %swap3A_162 = arith.constant 32 : index
    %swap3A_163 = tpu.vector_load %arg17[%swap3A_162] {strides = array<i32>} : memref<128xf32, #tpu.memory_space<vmem>>, vector<16xf32>,
    tpu.vector_store %arg17[%swap3A_162], %gather3A_161 {strides = array<i32>} : memref<128xf32, #tpu.memory_space<vmem>>, vector<16xf32>,
    %add3A_164 = arith.constant 2048 : i32
    %add3A_165 = vector.broadcast %add3A_164 : i32 to vector<16xi32>
    %add3A_166 = arith.addi %gather3A_129, %add3A_165 : vector<16xi32>
    %gather3A_167 = tpu.vector_load_idx %arg12[%add3A_166] : memref<4096xf32, #tpu.memory_space<vmem>>[vector<16xi32>], vector<16xf32>,
    %swap3A_168 = arith.constant 32 : index
    %swap3A_169 = tpu.vector_load %arg18[%swap3A_168] {strides = array<i32>} : memref<128xf32, #tpu.memory_space<vmem>>, vector<16xf32>,
    tpu.vector_store %arg18[%swap3A_168], %gather3A_167 {strides = array<i32>} : memref<128xf32, #tpu.memory_space<vmem>>, vector<16xf32>,
    %add3A_170 = arith.constant 48 : i32
    %add3A_171 = arith.addi %mul3A_32, %add3A_170 : i32
    %iota3A_172 = tpu.iota {dimensions = array<i32: 0>} : vector<16xi32>
    %add3A_173 = vector.broadcast %add3A_171 : i32 to vector<16xi32>
    %add3A_174 = arith.addi %add3A_173, %iota3A_172 : vector<16xi32>
    %gather3A_175 = tpu.vector_load_idx %arg11[%add3A_174] : memref<2048xi32, #tpu.memory_space<vmem>>[vector<16xi32>], vector<16xi32>,
    %add3A_176 = arith.constant 1 : i32
    %add3A_177 = vector.broadcast %add3A_176 : i32 to vector<16xi32>
    %add3A_178 = arith.addi %add3A_174, %add3A_177 : vector<16xi32>
    %rem3A_179 = arith.constant 2048 : i32
    %rem3A_180 = vector.broadcast %rem3A_179 : i32 to vector<16xi32>
    %rem3A_181 = arith.remsi %add3A_178, %rem3A_180 : vector<16xi32>
    %gather3A_182 = tpu.vector_load_idx %arg11[%rem3A_181] : memref<2048xi32, #tpu.memory_space<vmem>>[vector<16xi32>], vector<16xi32>,
    %mul3A_183 = arith.constant 512 : i32
    %mul3A_184 = vector.broadcast %mul3A_183 : i32 to vector<16xi32>
    %mul3A_185 = arith.muli %gather3A_175, %mul3A_184 : vector<16xi32>
    %add3A_186 = arith.addi %mul3A_185, %gather3A_182 : vector<16xi32>
    %swap3A_187 = arith.constant 48 : index
    %swap3A_188 = tpu.vector_load %arg13[%swap3A_187] {strides = array<i32>} : memref<128xi32, #tpu.memory_space<vmem>>, vector<16xi32>,
    tpu.vector_store %arg13[%swap3A_187], %add3A_186 {strides = array<i32>} : memref<128xi32, #tpu.memory_space<vmem>>, vector<16xi32>,
    %gather3A_189 = tpu.vector_load_idx %arg12[%gather3A_175] : memref<4096xf32, #tpu.memory_space<vmem>>[vector<16xi32>], vector<16xf32>,
    %swap3A_190 = arith.constant 48 : index
    %swap3A_191 = tpu.vector_load %arg14[%swap3A_190] {strides = array<i32>} : memref<128xf32, #tpu.memory_space<vmem>>, vector<16xf32>,
    tpu.vector_store %arg14[%swap3A_190], %gather3A_189 {strides = array<i32>} : memref<128xf32, #tpu.memory_space<vmem>>, vector<16xf32>,
    %add3A_192 = arith.constant 512 : i32
    %add3A_193 = vector.broadcast %add3A_192 : i32 to vector<16xi32>
    %add3A_194 = arith.addi %gather3A_175, %add3A_193 : vector<16xi32>
    %gather3A_195 = tpu.vector_load_idx %arg12[%add3A_194] : memref<4096xf32, #tpu.memory_space<vmem>>[vector<16xi32>], vector<16xf32>,
    %swap3A_196 = arith.constant 48 : index
    %swap3A_197 = tpu.vector_load %arg15[%swap3A_196] {strides = array<i32>} : memref<128xf32, #tpu.memory_space<vmem>>, vector<16xf32>,
    tpu.vector_store %arg15[%swap3A_196], %gather3A_195 {strides = array<i32>} : memref<128xf32, #tpu.memory_space<vmem>>, vector<16xf32>,
    %add3A_198 = arith.constant 1024 : i32
    %add3A_199 = vector.broadcast %add3A_198 : i32 to vector<16xi32>
    %add3A_200 = arith.addi %gather3A_175, %add3A_199 : vector<16xi32>
    %gather3A_201 = tpu.vector_load_idx %arg12[%add3A_200] : memref<4096xf32, #tpu.memory_space<vmem>>[vector<16xi32>], vector<16xf32>,
    %swap3A_202 = arith.constant 48 : index
    %swap3A_203 = tpu.vector_load %arg16[%swap3A_202] {strides = array<i32>} : memref<128xf32, #tpu.memory_space<vmem>>, vector<16xf32>,
    tpu.vector_store %arg16[%swap3A_202], %gather3A_201 {strides = array<i32>} : memref<128xf32, #tpu.memory_space<vmem>>, vector<16xf32>,
    %add3A_204 = arith.constant 1536 : i32
    %add3A_205 = vector.broadcast %add3A_204 : i32 to vector<16xi32>
    %add3A_206 = arith.addi %gather3A_175, %add3A_205 : vector<16xi32>
    %gather3A_207 = tpu.vector_load_idx %arg12[%add3A_206] : memref<4096xf32, #tpu.memory_space<vmem>>[vector<16xi32>], vector<16xf32>,
    %swap3A_208 = arith.constant 48 : index
    %swap3A_209 = tpu.vector_load %arg17[%swap3A_208] {strides = array<i32>} : memref<128xf32, #tpu.memory_space<vmem>>, vector<16xf32>,
    tpu.vector_store %arg17[%swap3A_208], %gather3A_207 {strides = array<i32>} : memref<128xf32, #tpu.memory_space<vmem>>, vector<16xf32>,
    %add3A_210 = arith.constant 2048 : i32
    %add3A_211 = vector.broadcast %add3A_210 : i32 to vector<16xi32>
    %add3A_212 = arith.addi %gather3A_175, %add3A_211 : vector<16xi32>
    %gather3A_213 = tpu.vector_load_idx %arg12[%add3A_212] : memref<4096xf32, #tpu.memory_space<vmem>>[vector<16xi32>], vector<16xf32>,
    %swap3A_214 = arith.constant 48 : index
    %swap3A_215 = tpu.vector_load %arg18[%swap3A_214] {strides = array<i32>} : memref<128xf32, #tpu.memory_space<vmem>>, vector<16xf32>,
    tpu.vector_store %arg18[%swap3A_214], %gather3A_213 {strides = array<i32>} : memref<128xf32, #tpu.memory_space<vmem>>, vector<16xf32>,
    %add3A_216 = arith.constant 64 : i32
    %add3A_217 = arith.addi %mul3A_32, %add3A_216 : i32
    %iota3A_218 = tpu.iota {dimensions = array<i32: 0>} : vector<16xi32>
    %add3A_219 = vector.broadcast %add3A_217 : i32 to vector<16xi32>
    %add3A_220 = arith.addi %add3A_219, %iota3A_218 : vector<16xi32>
    %gather3A_221 = tpu.vector_load_idx %arg11[%add3A_220] : memref<2048xi32, #tpu.memory_space<vmem>>[vector<16xi32>], vector<16xi32>,
    %add3A_222 = arith.constant 1 : i32
    %add3A_223 = vector.broadcast %add3A_222 : i32 to vector<16xi32>
    %add3A_224 = arith.addi %add3A_220, %add3A_223 : vector<16xi32>
    %rem3A_225 = arith.constant 2048 : i32
    %rem3A_226 = vector.broadcast %rem3A_225 : i32 to vector<16xi32>
    %rem3A_227 = arith.remsi %add3A_224, %rem3A_226 : vector<16xi32>
    %gather3A_228 = tpu.vector_load_idx %arg11[%rem3A_227] : memref<2048xi32, #tpu.memory_space<vmem>>[vector<16xi32>], vector<16xi32>,
    %mul3A_229 = arith.constant 512 : i32
    %mul3A_230 = vector.broadcast %mul3A_229 : i32 to vector<16xi32>
    %mul3A_231 = arith.muli %gather3A_221, %mul3A_230 : vector<16xi32>
    %add3A_232 = arith.addi %mul3A_231, %gather3A_228 : vector<16xi32>
    %swap3A_233 = arith.constant 64 : index
    %swap3A_234 = tpu.vector_load %arg13[%swap3A_233] {strides = array<i32>} : memref<128xi32, #tpu.memory_space<vmem>>, vector<16xi32>,
    tpu.vector_store %arg13[%swap3A_233], %add3A_232 {strides = array<i32>} : memref<128xi32, #tpu.memory_space<vmem>>, vector<16xi32>,
    %gather3A_235 = tpu.vector_load_idx %arg12[%gather3A_221] : memref<4096xf32, #tpu.memory_space<vmem>>[vector<16xi32>], vector<16xf32>,
    %swap3A_236 = arith.constant 64 : index
    %swap3A_237 = tpu.vector_load %arg14[%swap3A_236] {strides = array<i32>} : memref<128xf32, #tpu.memory_space<vmem>>, vector<16xf32>,
    tpu.vector_store %arg14[%swap3A_236], %gather3A_235 {strides = array<i32>} : memref<128xf32, #tpu.memory_space<vmem>>, vector<16xf32>,
    %add3A_238 = arith.constant 512 : i32
    %add3A_239 = vector.broadcast %add3A_238 : i32 to vector<16xi32>
    %add3A_240 = arith.addi %gather3A_221, %add3A_239 : vector<16xi32>
    %gather3A_241 = tpu.vector_load_idx %arg12[%add3A_240] : memref<4096xf32, #tpu.memory_space<vmem>>[vector<16xi32>], vector<16xf32>,
    %swap3A_242 = arith.constant 64 : index
    %swap3A_243 = tpu.vector_load %arg15[%swap3A_242] {strides = array<i32>} : memref<128xf32, #tpu.memory_space<vmem>>, vector<16xf32>,
    tpu.vector_store %arg15[%swap3A_242], %gather3A_241 {strides = array<i32>} : memref<128xf32, #tpu.memory_space<vmem>>, vector<16xf32>,
    %add3A_244 = arith.constant 1024 : i32
    %add3A_245 = vector.broadcast %add3A_244 : i32 to vector<16xi32>
    %add3A_246 = arith.addi %gather3A_221, %add3A_245 : vector<16xi32>
    %gather3A_247 = tpu.vector_load_idx %arg12[%add3A_246] : memref<4096xf32, #tpu.memory_space<vmem>>[vector<16xi32>], vector<16xf32>,
    %swap3A_248 = arith.constant 64 : index
    %swap3A_249 = tpu.vector_load %arg16[%swap3A_248] {strides = array<i32>} : memref<128xf32, #tpu.memory_space<vmem>>, vector<16xf32>,
    tpu.vector_store %arg16[%swap3A_248], %gather3A_247 {strides = array<i32>} : memref<128xf32, #tpu.memory_space<vmem>>, vector<16xf32>,
    %add3A_250 = arith.constant 1536 : i32
    %add3A_251 = vector.broadcast %add3A_250 : i32 to vector<16xi32>
    %add3A_252 = arith.addi %gather3A_221, %add3A_251 : vector<16xi32>
    %gather3A_253 = tpu.vector_load_idx %arg12[%add3A_252] : memref<4096xf32, #tpu.memory_space<vmem>>[vector<16xi32>], vector<16xf32>,
    %swap3A_254 = arith.constant 64 : index
    %swap3A_255 = tpu.vector_load %arg17[%swap3A_254] {strides = array<i32>} : memref<128xf32, #tpu.memory_space<vmem>>, vector<16xf32>,
    tpu.vector_store %arg17[%swap3A_254], %gather3A_253 {strides = array<i32>} : memref<128xf32, #tpu.memory_space<vmem>>, vector<16xf32>,
    %add3A_256 = arith.constant 2048 : i32
    %add3A_257 = vector.broadcast %add3A_256 : i32 to vector<16xi32>
    %add3A_258 = arith.addi %gather3A_221, %add3A_257 : vector<16xi32>
    %gather3A_259 = tpu.vector_load_idx %arg12[%add3A_258] : memref<4096xf32, #tpu.memory_space<vmem>>[vector<16xi32>], vector<16xf32>,
    %swap3A_260 = arith.constant 64 : index
    %swap3A_261 = tpu.vector_load %arg18[%swap3A_260] {strides = array<i32>} : memref<128xf32, #tpu.memory_space<vmem>>, vector<16xf32>,
    tpu.vector_store %arg18[%swap3A_260], %gather3A_259 {strides = array<i32>} : memref<128xf32, #tpu.memory_space<vmem>>, vector<16xf32>,
    %add3A_262 = arith.constant 80 : i32
    %add3A_263 = arith.addi %mul3A_32, %add3A_262 : i32
    %iota3A_264 = tpu.iota {dimensions = array<i32: 0>} : vector<16xi32>
    %add3A_265 = vector.broadcast %add3A_263 : i32 to vector<16xi32>
    %add3A_266 = arith.addi %add3A_265, %iota3A_264 : vector<16xi32>
    %gather3A_267 = tpu.vector_load_idx %arg11[%add3A_266] : memref<2048xi32, #tpu.memory_space<vmem>>[vector<16xi32>], vector<16xi32>,
    %add3A_268 = arith.constant 1 : i32
    %add3A_269 = vector.broadcast %add3A_268 : i32 to vector<16xi32>
    %add3A_270 = arith.addi %add3A_266, %add3A_269 : vector<16xi32>
    %rem3A_271 = arith.constant 2048 : i32
    %rem3A_272 = vector.broadcast %rem3A_271 : i32 to vector<16xi32>
    %rem3A_273 = arith.remsi %add3A_270, %rem3A_272 : vector<16xi32>
    %gather3A_274 = tpu.vector_load_idx %arg11[%rem3A_273] : memref<2048xi32, #tpu.memory_space<vmem>>[vector<16xi32>], vector<16xi32>,
    %mul3A_275 = arith.constant 512 : i32
    %mul3A_276 = vector.broadcast %mul3A_275 : i32 to vector<16xi32>
    %mul3A_277 = arith.muli %gather3A_267, %mul3A_276 : vector<16xi32>
    %add3A_278 = arith.addi %mul3A_277, %gather3A_274 : vector<16xi32>
    %swap3A_279 = arith.constant 80 : index
    %swap3A_280 = tpu.vector_load %arg13[%swap3A_279] {strides = array<i32>} : memref<128xi32, #tpu.memory_space<vmem>>, vector<16xi32>,
    tpu.vector_store %arg13[%swap3A_279], %add3A_278 {strides = array<i32>} : memref<128xi32, #tpu.memory_space<vmem>>, vector<16xi32>,
    %gather3A_281 = tpu.vector_load_idx %arg12[%gather3A_267] : memref<4096xf32, #tpu.memory_space<vmem>>[vector<16xi32>], vector<16xf32>,
    %swap3A_282 = arith.constant 80 : index
    %swap3A_283 = tpu.vector_load %arg14[%swap3A_282] {strides = array<i32>} : memref<128xf32, #tpu.memory_space<vmem>>, vector<16xf32>,
    tpu.vector_store %arg14[%swap3A_282], %gather3A_281 {strides = array<i32>} : memref<128xf32, #tpu.memory_space<vmem>>, vector<16xf32>,
    %add3A_284 = arith.constant 512 : i32
    %add3A_285 = vector.broadcast %add3A_284 : i32 to vector<16xi32>
    %add3A_286 = arith.addi %gather3A_267, %add3A_285 : vector<16xi32>
    %gather3A_287 = tpu.vector_load_idx %arg12[%add3A_286] : memref<4096xf32, #tpu.memory_space<vmem>>[vector<16xi32>], vector<16xf32>,
    %swap3A_288 = arith.constant 80 : index
    %swap3A_289 = tpu.vector_load %arg15[%swap3A_288] {strides = array<i32>} : memref<128xf32, #tpu.memory_space<vmem>>, vector<16xf32>,
    tpu.vector_store %arg15[%swap3A_288], %gather3A_287 {strides = array<i32>} : memref<128xf32, #tpu.memory_space<vmem>>, vector<16xf32>,
    %add3A_290 = arith.constant 1024 : i32
    %add3A_291 = vector.broadcast %add3A_290 : i32 to vector<16xi32>
    %add3A_292 = arith.addi %gather3A_267, %add3A_291 : vector<16xi32>
    %gather3A_293 = tpu.vector_load_idx %arg12[%add3A_292] : memref<4096xf32, #tpu.memory_space<vmem>>[vector<16xi32>], vector<16xf32>,
    %swap3A_294 = arith.constant 80 : index
    %swap3A_295 = tpu.vector_load %arg16[%swap3A_294] {strides = array<i32>} : memref<128xf32, #tpu.memory_space<vmem>>, vector<16xf32>,
    tpu.vector_store %arg16[%swap3A_294], %gather3A_293 {strides = array<i32>} : memref<128xf32, #tpu.memory_space<vmem>>, vector<16xf32>,
    %add3A_296 = arith.constant 1536 : i32
    %add3A_297 = vector.broadcast %add3A_296 : i32 to vector<16xi32>
    %add3A_298 = arith.addi %gather3A_267, %add3A_297 : vector<16xi32>
    %gather3A_299 = tpu.vector_load_idx %arg12[%add3A_298] : memref<4096xf32, #tpu.memory_space<vmem>>[vector<16xi32>], vector<16xf32>,
    %swap3A_300 = arith.constant 80 : index
    %swap3A_301 = tpu.vector_load %arg17[%swap3A_300] {strides = array<i32>} : memref<128xf32, #tpu.memory_space<vmem>>, vector<16xf32>,
    tpu.vector_store %arg17[%swap3A_300], %gather3A_299 {strides = array<i32>} : memref<128xf32, #tpu.memory_space<vmem>>, vector<16xf32>,
    %add3A_302 = arith.constant 2048 : i32
    %add3A_303 = vector.broadcast %add3A_302 : i32 to vector<16xi32>
    %add3A_304 = arith.addi %gather3A_267, %add3A_303 : vector<16xi32>
    %gather3A_305 = tpu.vector_load_idx %arg12[%add3A_304] : memref<4096xf32, #tpu.memory_space<vmem>>[vector<16xi32>], vector<16xf32>,
    %swap3A_306 = arith.constant 80 : index
    %swap3A_307 = tpu.vector_load %arg18[%swap3A_306] {strides = array<i32>} : memref<128xf32, #tpu.memory_space<vmem>>, vector<16xf32>,
    tpu.vector_store %arg18[%swap3A_306], %gather3A_305 {strides = array<i32>} : memref<128xf32, #tpu.memory_space<vmem>>, vector<16xf32>,
    %add3A_308 = arith.constant 96 : i32
    %add3A_309 = arith.addi %mul3A_32, %add3A_308 : i32
    %iota3A_310 = tpu.iota {dimensions = array<i32: 0>} : vector<16xi32>
    %add3A_311 = vector.broadcast %add3A_309 : i32 to vector<16xi32>
    %add3A_312 = arith.addi %add3A_311, %iota3A_310 : vector<16xi32>
    %gather3A_313 = tpu.vector_load_idx %arg11[%add3A_312] : memref<2048xi32, #tpu.memory_space<vmem>>[vector<16xi32>], vector<16xi32>,
    %add3A_314 = arith.constant 1 : i32
    %add3A_315 = vector.broadcast %add3A_314 : i32 to vector<16xi32>
    %add3A_316 = arith.addi %add3A_312, %add3A_315 : vector<16xi32>
    %rem3A_317 = arith.constant 2048 : i32
    %rem3A_318 = vector.broadcast %rem3A_317 : i32 to vector<16xi32>
    %rem3A_319 = arith.remsi %add3A_316, %rem3A_318 : vector<16xi32>
    %gather3A_320 = tpu.vector_load_idx %arg11[%rem3A_319] : memref<2048xi32, #tpu.memory_space<vmem>>[vector<16xi32>], vector<16xi32>,
    %mul3A_321 = arith.constant 512 : i32
    %mul3A_322 = vector.broadcast %mul3A_321 : i32 to vector<16xi32>
    %mul3A_323 = arith.muli %gather3A_313, %mul3A_322 : vector<16xi32>
    %add3A_324 = arith.addi %mul3A_323, %gather3A_320 : vector<16xi32>
    %swap3A_325 = arith.constant 96 : index
    %swap3A_326 = tpu.vector_load %arg13[%swap3A_325] {strides = array<i32>} : memref<128xi32, #tpu.memory_space<vmem>>, vector<16xi32>,
    tpu.vector_store %arg13[%swap3A_325], %add3A_324 {strides = array<i32>} : memref<128xi32, #tpu.memory_space<vmem>>, vector<16xi32>,
    %gather3A_327 = tpu.vector_load_idx %arg12[%gather3A_313] : memref<4096xf32, #tpu.memory_space<vmem>>[vector<16xi32>], vector<16xf32>,
    %swap3A_328 = arith.constant 96 : index
    %swap3A_329 = tpu.vector_load %arg14[%swap3A_328] {strides = array<i32>} : memref<128xf32, #tpu.memory_space<vmem>>, vector<16xf32>,
    tpu.vector_store %arg14[%swap3A_328], %gather3A_327 {strides = array<i32>} : memref<128xf32, #tpu.memory_space<vmem>>, vector<16xf32>,
    %add3A_330 = arith.constant 512 : i32
    %add3A_331 = vector.broadcast %add3A_330 : i32 to vector<16xi32>
    %add3A_332 = arith.addi %gather3A_313, %add3A_331 : vector<16xi32>
    %gather3A_333 = tpu.vector_load_idx %arg12[%add3A_332] : memref<4096xf32, #tpu.memory_space<vmem>>[vector<16xi32>], vector<16xf32>,
    %swap3A_334 = arith.constant 96 : index
    %swap3A_335 = tpu.vector_load %arg15[%swap3A_334] {strides = array<i32>} : memref<128xf32, #tpu.memory_space<vmem>>, vector<16xf32>,
    tpu.vector_store %arg15[%swap3A_334], %gather3A_333 {strides = array<i32>} : memref<128xf32, #tpu.memory_space<vmem>>, vector<16xf32>,
    %add3A_336 = arith.constant 1024 : i32
    %add3A_337 = vector.broadcast %add3A_336 : i32 to vector<16xi32>
    %add3A_338 = arith.addi %gather3A_313, %add3A_337 : vector<16xi32>
    %gather3A_339 = tpu.vector_load_idx %arg12[%add3A_338] : memref<4096xf32, #tpu.memory_space<vmem>>[vector<16xi32>], vector<16xf32>,
    %swap3A_340 = arith.constant 96 : index
    %swap3A_341 = tpu.vector_load %arg16[%swap3A_340] {strides = array<i32>} : memref<128xf32, #tpu.memory_space<vmem>>, vector<16xf32>,
    tpu.vector_store %arg16[%swap3A_340], %gather3A_339 {strides = array<i32>} : memref<128xf32, #tpu.memory_space<vmem>>, vector<16xf32>,
    %add3A_342 = arith.constant 1536 : i32
    %add3A_343 = vector.broadcast %add3A_342 : i32 to vector<16xi32>
    %add3A_344 = arith.addi %gather3A_313, %add3A_343 : vector<16xi32>
    %gather3A_345 = tpu.vector_load_idx %arg12[%add3A_344] : memref<4096xf32, #tpu.memory_space<vmem>>[vector<16xi32>], vector<16xf32>,
    %swap3A_346 = arith.constant 96 : index
    %swap3A_347 = tpu.vector_load %arg17[%swap3A_346] {strides = array<i32>} : memref<128xf32, #tpu.memory_space<vmem>>, vector<16xf32>,
    tpu.vector_store %arg17[%swap3A_346], %gather3A_345 {strides = array<i32>} : memref<128xf32, #tpu.memory_space<vmem>>, vector<16xf32>,
    %add3A_348 = arith.constant 2048 : i32
    %add3A_349 = vector.broadcast %add3A_348 : i32 to vector<16xi32>
    %add3A_350 = arith.addi %gather3A_313, %add3A_349 : vector<16xi32>
    %gather3A_351 = tpu.vector_load_idx %arg12[%add3A_350] : memref<4096xf32, #tpu.memory_space<vmem>>[vector<16xi32>], vector<16xf32>,
    %swap3A_352 = arith.constant 96 : index
    %swap3A_353 = tpu.vector_load %arg18[%swap3A_352] {strides = array<i32>} : memref<128xf32, #tpu.memory_space<vmem>>, vector<16xf32>,
    tpu.vector_store %arg18[%swap3A_352], %gather3A_351 {strides = array<i32>} : memref<128xf32, #tpu.memory_space<vmem>>, vector<16xf32>,
    %add3A_354 = arith.constant 112 : i32
    %add3A_355 = arith.addi %mul3A_32, %add3A_354 : i32
    %iota3A_356 = tpu.iota {dimensions = array<i32: 0>} : vector<16xi32>
    %add3A_357 = vector.broadcast %add3A_355 : i32 to vector<16xi32>
    %add3A_358 = arith.addi %add3A_357, %iota3A_356 : vector<16xi32>
    %gather3A_359 = tpu.vector_load_idx %arg11[%add3A_358] : memref<2048xi32, #tpu.memory_space<vmem>>[vector<16xi32>], vector<16xi32>,
    %add3A_360 = arith.constant 1 : i32
    %add3A_361 = vector.broadcast %add3A_360 : i32 to vector<16xi32>
    %add3A_362 = arith.addi %add3A_358, %add3A_361 : vector<16xi32>
    %rem3A_363 = arith.constant 2048 : i32
    %rem3A_364 = vector.broadcast %rem3A_363 : i32 to vector<16xi32>
    %rem3A_365 = arith.remsi %add3A_362, %rem3A_364 : vector<16xi32>
    %gather3A_366 = tpu.vector_load_idx %arg11[%rem3A_365] : memref<2048xi32, #tpu.memory_space<vmem>>[vector<16xi32>], vector<16xi32>,
    %mul3A_367 = arith.constant 512 : i32
    %mul3A_368 = vector.broadcast %mul3A_367 : i32 to vector<16xi32>
    %mul3A_369 = arith.muli %gather3A_359, %mul3A_368 : vector<16xi32>
    %add3A_370 = arith.addi %mul3A_369, %gather3A_366 : vector<16xi32>
    %swap3A_371 = arith.constant 112 : index
    %swap3A_372 = tpu.vector_load %arg13[%swap3A_371] {strides = array<i32>} : memref<128xi32, #tpu.memory_space<vmem>>, vector<16xi32>,
    tpu.vector_store %arg13[%swap3A_371], %add3A_370 {strides = array<i32>} : memref<128xi32, #tpu.memory_space<vmem>>, vector<16xi32>,
    %gather3A_373 = tpu.vector_load_idx %arg12[%gather3A_359] : memref<4096xf32, #tpu.memory_space<vmem>>[vector<16xi32>], vector<16xf32>,
    %swap3A_374 = arith.constant 112 : index
    %swap3A_375 = tpu.vector_load %arg14[%swap3A_374] {strides = array<i32>} : memref<128xf32, #tpu.memory_space<vmem>>, vector<16xf32>,
    tpu.vector_store %arg14[%swap3A_374], %gather3A_373 {strides = array<i32>} : memref<128xf32, #tpu.memory_space<vmem>>, vector<16xf32>,
    %add3A_376 = arith.constant 512 : i32
    %add3A_377 = vector.broadcast %add3A_376 : i32 to vector<16xi32>
    %add3A_378 = arith.addi %gather3A_359, %add3A_377 : vector<16xi32>
    %gather3A_379 = tpu.vector_load_idx %arg12[%add3A_378] : memref<4096xf32, #tpu.memory_space<vmem>>[vector<16xi32>], vector<16xf32>,
    %swap3A_380 = arith.constant 112 : index
    %swap3A_381 = tpu.vector_load %arg15[%swap3A_380] {strides = array<i32>} : memref<128xf32, #tpu.memory_space<vmem>>, vector<16xf32>,
    tpu.vector_store %arg15[%swap3A_380], %gather3A_379 {strides = array<i32>} : memref<128xf32, #tpu.memory_space<vmem>>, vector<16xf32>,
    %add3A_382 = arith.constant 1024 : i32
    %add3A_383 = vector.broadcast %add3A_382 : i32 to vector<16xi32>
    %add3A_384 = arith.addi %gather3A_359, %add3A_383 : vector<16xi32>
    %gather3A_385 = tpu.vector_load_idx %arg12[%add3A_384] : memref<4096xf32, #tpu.memory_space<vmem>>[vector<16xi32>], vector<16xf32>,
    %swap3A_386 = arith.constant 112 : index
    %swap3A_387 = tpu.vector_load %arg16[%swap3A_386] {strides = array<i32>} : memref<128xf32, #tpu.memory_space<vmem>>, vector<16xf32>,
    tpu.vector_store %arg16[%swap3A_386], %gather3A_385 {strides = array<i32>} : memref<128xf32, #tpu.memory_space<vmem>>, vector<16xf32>,
    %add3A_388 = arith.constant 1536 : i32
    %add3A_389 = vector.broadcast %add3A_388 : i32 to vector<16xi32>
    %add3A_390 = arith.addi %gather3A_359, %add3A_389 : vector<16xi32>
    %gather3A_391 = tpu.vector_load_idx %arg12[%add3A_390] : memref<4096xf32, #tpu.memory_space<vmem>>[vector<16xi32>], vector<16xf32>,
    %swap3A_392 = arith.constant 112 : index
    %swap3A_393 = tpu.vector_load %arg17[%swap3A_392] {strides = array<i32>} : memref<128xf32, #tpu.memory_space<vmem>>, vector<16xf32>,
    tpu.vector_store %arg17[%swap3A_392], %gather3A_391 {strides = array<i32>} : memref<128xf32, #tpu.memory_space<vmem>>, vector<16xf32>,
    %add3A_394 = arith.constant 2048 : i32
    %add3A_395 = vector.broadcast %add3A_394 : i32 to vector<16xi32>
    %add3A_396 = arith.addi %gather3A_359, %add3A_395 : vector<16xi32>
    %gather3A_397 = tpu.vector_load_idx %arg12[%add3A_396] : memref<4096xf32, #tpu.memory_space<vmem>>[vector<16xi32>], vector<16xf32>,
    %swap3A_398 = arith.constant 112 : index
    %swap3A_399 = tpu.vector_load %arg18[%swap3A_398] {strides = array<i32>} : memref<128xf32, #tpu.memory_space<vmem>>, vector<16xf32>,
    tpu.vector_store %arg18[%swap3A_398], %gather3A_397 {strides = array<i32>} : memref<128xf32, #tpu.memory_space<vmem>>, vector<16xf32>,
    %dma_start3A = arith.constant 0 : i32
    %dma_start3A_400 = tpu.memref_slice %arg4[%dma_start3A] : memref<262144xf32, #tpu.memory_space<hbm>> -> memref<262144xf32, #tpu.memory_space<hbm>>
    tpu.enqueue_indirect_dma source(%dma_start3A_400 : memref<262144xf32, #tpu.memory_space<hbm>>) target(%arg19 : memref<128xf32, #tpu.memory_space<vmem>>) offsets(%arg13 : memref<128xi32, #tpu.memory_space<vmem>>) semaphore(%arg20 : memref<!tpu.dma_semaphore, #tpu.memory_space<semaphore_mem>>)
    %dma_wait3A = arith.constant 0 : i32
    %dma_wait3A_401 = tpu.memref_slice %arg4[%dma_wait3A] : memref<262144xf32, #tpu.memory_space<hbm>> -> memref<262144xf32, #tpu.memory_space<hbm>>
    tpu.wait_indirect_dma semaphore(%arg20 : memref<!tpu.dma_semaphore, #tpu.memory_space<semaphore_mem>>) src(%dma_wait3A_401 : memref<262144xf32, #tpu.memory_space<hbm>>) dst(%arg19 : memref<128xf32, #tpu.memory_space<vmem>>)
    %mul3A_402 = arith.constant 128 : i32
    %mul3A_403 = arith.muli %add3A, %mul3A_402 : i32
    "tpu.region"() ({
      %run_scoped3A = tpu.sem_alloc : memref<!tpu.dma_semaphore, #tpu.memory_space<semaphore_mem>>
      %dma_start3A_404 = tpu.memref_slice %arg5[%mul3A_403] : memref<4096xf32, #tpu.memory_space<hbm>> -> memref<128xf32, #tpu.memory_space<hbm>>
      %dma_start3A_405 = tpu.memref_slice %arg5[%mul3A_403] : memref<4096xf32, #tpu.memory_space<hbm>> -> memref<128xf32, #tpu.memory_space<hbm>>
      tpu.enqueue_dma source(%arg14 : memref<128xf32, #tpu.memory_space<vmem>>) target(%dma_start3A_405 : memref<128xf32, #tpu.memory_space<hbm>>) target_semaphore(%run_scoped3A : memref<!tpu.dma_semaphore, #tpu.memory_space<semaphore_mem>>)
      %dma_wait3A_406 = tpu.memref_slice %arg5[%mul3A_403] : memref<4096xf32, #tpu.memory_space<hbm>> -> memref<128xf32, #tpu.memory_space<hbm>>
      %dma_wait3A_407 = tpu.memref_slice %arg5[%mul3A_403] : memref<4096xf32, #tpu.memory_space<hbm>> -> memref<128xf32, #tpu.memory_space<hbm>>
      tpu.wait_dma2 semaphore(%run_scoped3A : memref<!tpu.dma_semaphore, #tpu.memory_space<semaphore_mem>>) src(%arg14 : memref<128xf32, #tpu.memory_space<vmem>>) dst(%dma_wait3A_407 : memref<128xf32, #tpu.memory_space<hbm>>)
      tpu.yield
    }) : () -> ()
    "tpu.region"() ({
      %run_scoped3A = tpu.sem_alloc : memref<!tpu.dma_semaphore, #tpu.memory_space<semaphore_mem>>
      %dma_start3A_404 = tpu.memref_slice %arg6[%mul3A_403] : memref<4096xf32, #tpu.memory_space<hbm>> -> memref<128xf32, #tpu.memory_space<hbm>>
      %dma_start3A_405 = tpu.memref_slice %arg6[%mul3A_403] : memref<4096xf32, #tpu.memory_space<hbm>> -> memref<128xf32, #tpu.memory_space<hbm>>
      tpu.enqueue_dma source(%arg15 : memref<128xf32, #tpu.memory_space<vmem>>) target(%dma_start3A_405 : memref<128xf32, #tpu.memory_space<hbm>>) target_semaphore(%run_scoped3A : memref<!tpu.dma_semaphore, #tpu.memory_space<semaphore_mem>>)
      %dma_wait3A_406 = tpu.memref_slice %arg6[%mul3A_403] : memref<4096xf32, #tpu.memory_space<hbm>> -> memref<128xf32, #tpu.memory_space<hbm>>
      %dma_wait3A_407 = tpu.memref_slice %arg6[%mul3A_403] : memref<4096xf32, #tpu.memory_space<hbm>> -> memref<128xf32, #tpu.memory_space<hbm>>
      tpu.wait_dma2 semaphore(%run_scoped3A : memref<!tpu.dma_semaphore, #tpu.memory_space<semaphore_mem>>) src(%arg15 : memref<128xf32, #tpu.memory_space<vmem>>) dst(%dma_wait3A_407 : memref<128xf32, #tpu.memory_space<hbm>>)
      tpu.yield
    }) : () -> ()
    "tpu.region"() ({
      %run_scoped3A = tpu.sem_alloc : memref<!tpu.dma_semaphore, #tpu.memory_space<semaphore_mem>>
      %dma_start3A_404 = tpu.memref_slice %arg7[%mul3A_403] : memref<4096xf32, #tpu.memory_space<hbm>> -> memref<128xf32, #tpu.memory_space<hbm>>
      %dma_start3A_405 = tpu.memref_slice %arg7[%mul3A_403] : memref<4096xf32, #tpu.memory_space<hbm>> -> memref<128xf32, #tpu.memory_space<hbm>>
      tpu.enqueue_dma source(%arg16 : memref<128xf32, #tpu.memory_space<vmem>>) target(%dma_start3A_405 : memref<128xf32, #tpu.memory_space<hbm>>) target_semaphore(%run_scoped3A : memref<!tpu.dma_semaphore, #tpu.memory_space<semaphore_mem>>)
      %dma_wait3A_406 = tpu.memref_slice %arg7[%mul3A_403] : memref<4096xf32, #tpu.memory_space<hbm>> -> memref<128xf32, #tpu.memory_space<hbm>>
      %dma_wait3A_407 = tpu.memref_slice %arg7[%mul3A_403] : memref<4096xf32, #tpu.memory_space<hbm>> -> memref<128xf32, #tpu.memory_space<hbm>>
      tpu.wait_dma2 semaphore(%run_scoped3A : memref<!tpu.dma_semaphore, #tpu.memory_space<semaphore_mem>>) src(%arg16 : memref<128xf32, #tpu.memory_space<vmem>>) dst(%dma_wait3A_407 : memref<128xf32, #tpu.memory_space<hbm>>)
      tpu.yield
    }) : () -> ()
    "tpu.region"() ({
      %run_scoped3A = tpu.sem_alloc : memref<!tpu.dma_semaphore, #tpu.memory_space<semaphore_mem>>
      %dma_start3A_404 = tpu.memref_slice %arg8[%mul3A_403] : memref<4096xf32, #tpu.memory_space<hbm>> -> memref<128xf32, #tpu.memory_space<hbm>>
      %dma_start3A_405 = tpu.memref_slice %arg8[%mul3A_403] : memref<4096xf32, #tpu.memory_space<hbm>> -> memref<128xf32, #tpu.memory_space<hbm>>
      tpu.enqueue_dma source(%arg17 : memref<128xf32, #tpu.memory_space<vmem>>) target(%dma_start3A_405 : memref<128xf32, #tpu.memory_space<hbm>>) target_semaphore(%run_scoped3A : memref<!tpu.dma_semaphore, #tpu.memory_space<semaphore_mem>>)
      %dma_wait3A_406 = tpu.memref_slice %arg8[%mul3A_403] : memref<4096xf32, #tpu.memory_space<hbm>> -> memref<128xf32, #tpu.memory_space<hbm>>
      %dma_wait3A_407 = tpu.memref_slice %arg8[%mul3A_403] : memref<4096xf32, #tpu.memory_space<hbm>> -> memref<128xf32, #tpu.memory_space<hbm>>
      tpu.wait_dma2 semaphore(%run_scoped3A : memref<!tpu.dma_semaphore, #tpu.memory_space<semaphore_mem>>) src(%arg17 : memref<128xf32, #tpu.memory_space<vmem>>) dst(%dma_wait3A_407 : memref<128xf32, #tpu.memory_space<hbm>>)
      tpu.yield
    }) : () -> ()
    "tpu.region"() ({
      %run_scoped3A = tpu.sem_alloc : memref<!tpu.dma_semaphore, #tpu.memory_space<semaphore_mem>>
      %dma_start3A_404 = tpu.memref_slice %arg9[%mul3A_403] : memref<4096xf32, #tpu.memory_space<hbm>> -> memref<128xf32, #tpu.memory_space<hbm>>
      %dma_start3A_405 = tpu.memref_slice %arg9[%mul3A_403] : memref<4096xf32, #tpu.memory_space<hbm>> -> memref<128xf32, #tpu.memory_space<hbm>>
      tpu.enqueue_dma source(%arg18 : memref<128xf32, #tpu.memory_space<vmem>>) target(%dma_start3A_405 : memref<128xf32, #tpu.memory_space<hbm>>) target_semaphore(%run_scoped3A : memref<!tpu.dma_semaphore, #tpu.memory_space<semaphore_mem>>)
      %dma_wait3A_406 = tpu.memref_slice %arg9[%mul3A_403] : memref<4096xf32, #tpu.memory_space<hbm>> -> memref<128xf32, #tpu.memory_space<hbm>>
      %dma_wait3A_407 = tpu.memref_slice %arg9[%mul3A_403] : memref<4096xf32, #tpu.memory_space<hbm>> -> memref<128xf32, #tpu.memory_space<hbm>>
      tpu.wait_dma2 semaphore(%run_scoped3A : memref<!tpu.dma_semaphore, #tpu.memory_space<semaphore_mem>>) src(%arg18 : memref<128xf32, #tpu.memory_space<vmem>>) dst(%dma_wait3A_407 : memref<128xf32, #tpu.memory_space<hbm>>)
      tpu.yield
    }) : () -> ()
    "tpu.region"() ({
      %run_scoped3A = tpu.sem_alloc : memref<!tpu.dma_semaphore, #tpu.memory_space<semaphore_mem>>
      %dma_start3A_404 = tpu.memref_slice %arg10[%mul3A_403] : memref<4096xf32, #tpu.memory_space<hbm>> -> memref<128xf32, #tpu.memory_space<hbm>>
      %dma_start3A_405 = tpu.memref_slice %arg10[%mul3A_403] : memref<4096xf32, #tpu.memory_space<hbm>> -> memref<128xf32, #tpu.memory_space<hbm>>
      tpu.enqueue_dma source(%arg19 : memref<128xf32, #tpu.memory_space<vmem>>) target(%dma_start3A_405 : memref<128xf32, #tpu.memory_space<hbm>>) target_semaphore(%run_scoped3A : memref<!tpu.dma_semaphore, #tpu.memory_space<semaphore_mem>>)
      %dma_wait3A_406 = tpu.memref_slice %arg10[%mul3A_403] : memref<4096xf32, #tpu.memory_space<hbm>> -> memref<128xf32, #tpu.memory_space<hbm>>
      %dma_wait3A_407 = tpu.memref_slice %arg10[%mul3A_403] : memref<4096xf32, #tpu.memory_space<hbm>> -> memref<128xf32, #tpu.memory_space<hbm>>
      tpu.wait_dma2 semaphore(%run_scoped3A : memref<!tpu.dma_semaphore, #tpu.memory_space<semaphore_mem>>) src(%arg19 : memref<128xf32, #tpu.memory_space<vmem>>) dst(%dma_wait3A_407 : memref<128xf32, #tpu.memory_space<hbm>>)
      tpu.yield
    }) : () -> ()
    return
  }
}

module attributes {stable_mosaic.version = 14 : i64} {
  func.func @_final_body(%arg0: memref<4096xf32, #tpu.memory_space<vmem>>, %arg1: memref<4096xf32, #tpu.memory_space<vmem>>, %arg2: memref<4096xf32, #tpu.memory_space<vmem>>, %arg3: memref<4096xf32, #tpu.memory_space<vmem>>, %arg4: memref<4096xf32, #tpu.memory_space<vmem>>, %arg5: memref<4096xf32, #tpu.memory_space<vmem>>, %arg6: memref<4096xf32, #tpu.memory_space<vmem>>, %arg7: memref<4096xf32, #tpu.memory_space<vmem>>, %arg8: memref<4096xf32, #tpu.memory_space<vmem>>, %arg9: memref<4096xf32, #tpu.memory_space<vmem>>, %arg10: memref<4096xf32, #tpu.memory_space<vmem>>, %arg11: memref<4096xf32, #tpu.memory_space<vmem>>, %arg12: memref<4096xf32, #tpu.memory_space<vmem>>, %arg13: memref<4096xf32, #tpu.memory_space<vmem>>, %arg14: memref<4096xi32, #tpu.memory_space<vmem>>, %arg15: memref<4096xi32, #tpu.memory_space<vmem>>, %arg16: memref<1x512xf32, #tpu.memory_space<vmem>>, %arg17: memref<1x512xf32, #tpu.memory_space<vmem>>, %arg18: memref<1x1xf32, #tpu.memory_space<vmem>>, %arg19: memref<1x1xf32, #tpu.memory_space<vmem>>, %arg20: memref<1x1xf32, #tpu.memory_space<vmem>>, %arg21: memref<1x1xf32, #tpu.memory_space<vmem>>, %arg22: memref<1x1xf32, #tpu.memory_space<vmem>>, %arg23: memref<1x1xf32, #tpu.memory_space<vmem>>, %arg24: memref<4x2048xf32, #tpu.memory_space<vmem>>, %arg25: memref<4x2048xi32, #tpu.memory_space<vmem>>, %arg26: memref<1x4xf32, #tpu.memory_space<vmem>>, %arg27: memref<1x1xf32, #tpu.memory_space<vmem>>, %arg28: memref<1x1xf32, #tpu.memory_space<vmem>>) attributes {dimension_semantics = [], scalar_prefetch = 0 : i64, scratch_operands = 0 : i64, tpu.core_type = #tpu.core_type<tc>} {
    %get3A = arith.constant 0 : index
    %get3A_0 = arith.constant 0 : index
    %get3A_1 = vector.load %arg20[%get3A, %get3A_0] : memref<1x1xf32, #tpu.memory_space<vmem>>, vector<1x1xf32>
    %get3A_2 = vector.extract %get3A_1[0, 0] : f32 from vector<1x1xf32>
    %exp3A = math.exp %get3A_2 : f32
    %get3A_3 = arith.constant 0 : index
    %get3A_4 = arith.constant 0 : index
    %get3A_5 = vector.load %arg21[%get3A_3, %get3A_4] : memref<1x1xf32, #tpu.memory_space<vmem>>, vector<1x1xf32>
    %get3A_6 = vector.extract %get3A_5[0, 0] : f32 from vector<1x1xf32>
    %exp3A_7 = math.exp %get3A_6 : f32
    %get3A_8 = arith.constant 0 : index
    %get3A_9 = arith.constant 0 : index
    %get3A_10 = vector.load %arg22[%get3A_8, %get3A_9] : memref<1x1xf32, #tpu.memory_space<vmem>>, vector<1x1xf32>
    %get3A_11 = vector.extract %get3A_10[0, 0] : f32 from vector<1x1xf32>
    %exp3A_12 = math.exp %get3A_11 : f32
    %get3A_13 = arith.constant 0 : index
    %get3A_14 = arith.constant 0 : index
    %get3A_15 = vector.load %arg23[%get3A_13, %get3A_14] : memref<1x1xf32, #tpu.memory_space<vmem>>, vector<1x1xf32>
    %get3A_16 = vector.extract %get3A_15[0, 0] : f32 from vector<1x1xf32>
    %exp3A_17 = math.exp %get3A_16 : f32
    %get3A_18 = arith.constant 0 : index
    %get3A_19 = arith.constant 0 : index
    %get3A_20 = vector.load %arg23[%get3A_18, %get3A_19] : memref<1x1xf32, #tpu.memory_space<vmem>>, vector<1x1xf32>
    %get3A_21 = vector.extract %get3A_20[0, 0] : f32 from vector<1x1xf32>
    %neg3A = arith.constant 0.000000e+00 : f32
    %neg3A_22 = arith.subf %neg3A, %get3A_21 : f32
    %exp3A_23 = math.exp %neg3A_22 : f32
    %get3A_24 = arith.constant 0 : index
    %get3A_25 = vector.load %arg0[%get3A_24] : memref<4096xf32, #tpu.memory_space<vmem>>, vector<4096xf32>
    %get3A_26 = arith.constant 0 : index
    %get3A_27 = vector.load %arg1[%get3A_26] : memref<4096xf32, #tpu.memory_space<vmem>>, vector<4096xf32>
    %concatenate3A = tpu.concatenate %get3A_25, %get3A_27 in 0 : vector<4096xf32>, vector<4096xf32> -> vector<8192xf32>
    %get3A_28 = arith.constant 0 : index
    %get3A_29 = vector.load %arg2[%get3A_28] : memref<4096xf32, #tpu.memory_space<vmem>>, vector<4096xf32>
    %get3A_30 = arith.constant 0 : index
    %get3A_31 = vector.load %arg3[%get3A_30] : memref<4096xf32, #tpu.memory_space<vmem>>, vector<4096xf32>
    %concatenate3A_32 = tpu.concatenate %get3A_29, %get3A_31 in 0 : vector<4096xf32>, vector<4096xf32> -> vector<8192xf32>
    %get3A_33 = arith.constant 0 : index
    %get3A_34 = vector.load %arg4[%get3A_33] : memref<4096xf32, #tpu.memory_space<vmem>>, vector<4096xf32>
    %get3A_35 = arith.constant 0 : index
    %get3A_36 = vector.load %arg5[%get3A_35] : memref<4096xf32, #tpu.memory_space<vmem>>, vector<4096xf32>
    %concatenate3A_37 = tpu.concatenate %get3A_34, %get3A_36 in 0 : vector<4096xf32>, vector<4096xf32> -> vector<8192xf32>
    %get3A_38 = arith.constant 0 : index
    %get3A_39 = vector.load %arg6[%get3A_38] : memref<4096xf32, #tpu.memory_space<vmem>>, vector<4096xf32>
    %get3A_40 = arith.constant 0 : index
    %get3A_41 = vector.load %arg7[%get3A_40] : memref<4096xf32, #tpu.memory_space<vmem>>, vector<4096xf32>
    %concatenate3A_42 = tpu.concatenate %get3A_39, %get3A_41 in 0 : vector<4096xf32>, vector<4096xf32> -> vector<8192xf32>
    %get3A_43 = arith.constant 0 : index
    %get3A_44 = vector.load %arg8[%get3A_43] : memref<4096xf32, #tpu.memory_space<vmem>>, vector<4096xf32>
    %get3A_45 = arith.constant 0 : index
    %get3A_46 = vector.load %arg9[%get3A_45] : memref<4096xf32, #tpu.memory_space<vmem>>, vector<4096xf32>
    %concatenate3A_47 = tpu.concatenate %get3A_44, %get3A_46 in 0 : vector<4096xf32>, vector<4096xf32> -> vector<8192xf32>
    %get3A_48 = arith.constant 0 : index
    %get3A_49 = vector.load %arg10[%get3A_48] : memref<4096xf32, #tpu.memory_space<vmem>>, vector<4096xf32>
    %get3A_50 = arith.constant 0 : index
    %get3A_51 = vector.load %arg11[%get3A_50] : memref<4096xf32, #tpu.memory_space<vmem>>, vector<4096xf32>
    %concatenate3A_52 = tpu.concatenate %get3A_49, %get3A_51 in 0 : vector<4096xf32>, vector<4096xf32> -> vector<8192xf32>
    %get3A_53 = arith.constant 0 : index
    %get3A_54 = vector.load %arg12[%get3A_53] : memref<4096xf32, #tpu.memory_space<vmem>>, vector<4096xf32>
    %get3A_55 = arith.constant 0 : index
    %get3A_56 = vector.load %arg13[%get3A_55] : memref<4096xf32, #tpu.memory_space<vmem>>, vector<4096xf32>
    %concatenate3A_57 = tpu.concatenate %get3A_54, %get3A_56 in 0 : vector<4096xf32>, vector<4096xf32> -> vector<8192xf32>
    %iota3A = tpu.iota {dimensions = array<i32: 1>} : vector<1x8192xi32>
    %iota3A_58 = vector.shape_cast %iota3A : vector<1x8192xi32> to vector<8192xi32>
    %rem3A = arith.constant 2048 : i32
    %rem3A_59 = vector.broadcast %rem3A : i32 to vector<8192xi32>
    %rem3A_60 = arith.remsi %iota3A_58, %rem3A_59 : vector<8192xi32>
    %eq3A = arith.constant 0 : i32
    %eq3A_61 = vector.broadcast %eq3A : i32 to vector<8192xi32>
    %eq3A_62 = arith.cmpi eq, %rem3A_60, %eq3A_61 : vector<8192xi32>
    %slice3A = vector.extract_strided_slice %concatenate3A_52 {offsets = [2047], sizes = [6145], strides = [1]} : vector<8192xf32> to vector<6145xf32>
    %slice3A_63 = vector.extract_strided_slice %concatenate3A_52 {offsets = [0], sizes = [2047], strides = [1]} : vector<8192xf32> to vector<2047xf32>
    %concatenate3A_64 = tpu.concatenate %slice3A, %slice3A_63 in 0 : vector<6145xf32>, vector<2047xf32> -> vector<8192xf32>
    %slice3A_65 = vector.extract_strided_slice %concatenate3A_52 {offsets = [8191], sizes = [1], strides = [1]} : vector<8192xf32> to vector<1xf32>
    %slice3A_66 = vector.extract_strided_slice %concatenate3A_52 {offsets = [0], sizes = [8191], strides = [1]} : vector<8192xf32> to vector<8191xf32>
    %concatenate3A_67 = tpu.concatenate %slice3A_65, %slice3A_66 in 0 : vector<1xf32>, vector<8191xf32> -> vector<8192xf32>
    %select_n3A = arith.select %eq3A_62, %concatenate3A_64, %concatenate3A_67 : vector<8192xi1>, vector<8192xf32>
    %mul3A = vector.broadcast %exp3A_17 : f32 to vector<8192xf32>
    %mul3A_68 = arith.mulf %mul3A, %concatenate3A_52 : vector<8192xf32>
    %mul3A_69 = vector.broadcast %exp3A_23 : f32 to vector<8192xf32>
    %mul3A_70 = arith.mulf %mul3A_69, %select_n3A : vector<8192xf32>
    %add3A = arith.addf %mul3A_68, %mul3A_70 : vector<8192xf32>
    %mul3A_71 = arith.constant -5.000000e-01 : f32
    %mul3A_72 = vector.broadcast %mul3A_71 : f32 to vector<8192xf32>
    %mul3A_73 = arith.mulf %mul3A_72, %add3A : vector<8192xf32>
    %mul3A_74 = arith.constant -5.000000e-01 : f32
    %mul3A_75 = arith.mulf %mul3A_74, %exp3A : f32
    %mul3A_76 = vector.broadcast %mul3A_75 : f32 to vector<8192xf32>
    %mul3A_77 = arith.mulf %mul3A_76, %concatenate3A : vector<8192xf32>
    %neg3A_78 = arith.constant 0.000000e+00 : f32
    %neg3A_79 = arith.subf %neg3A_78, %exp3A_7 : f32
    %div3A = arith.constant 2.400000e+01 : f32
    %div3A_80 = arith.divf %neg3A_79, %div3A : f32
    %mul3A_81 = vector.broadcast %div3A_80 : f32 to vector<8192xf32>
    %mul3A_82 = arith.mulf %mul3A_81, %concatenate3A_32 : vector<8192xf32>
    %neg3A_83 = arith.constant 0.000000e+00 : f32
    %neg3A_84 = arith.subf %neg3A_83, %exp3A_12 : f32
    %div3A_85 = arith.constant 7.200000e+02 : f32
    %div3A_86 = arith.divf %neg3A_84, %div3A_85 : f32
    %mul3A_87 = vector.broadcast %div3A_86 : f32 to vector<8192xf32>
    %mul3A_88 = arith.mulf %mul3A_87, %concatenate3A_37 : vector<8192xf32>
    %slice3A_89 = vector.extract_strided_slice %concatenate3A {offsets = [1], sizes = [8191], strides = [1]} : vector<8192xf32> to vector<8191xf32>
    %slice3A_90 = vector.extract_strided_slice %concatenate3A {offsets = [0], sizes = [1], strides = [1]} : vector<8192xf32> to vector<1xf32>
    %concatenate3A_91 = tpu.concatenate %slice3A_89, %slice3A_90 in 0 : vector<8191xf32>, vector<1xf32> -> vector<8192xf32>
    %add3A_92 = arith.addf %concatenate3A, %concatenate3A_91 : vector<8192xf32>
    %mul3A_93 = arith.constant 5.000000e-01 : f32
    %mul3A_94 = vector.broadcast %mul3A_93 : f32 to vector<8192xf32>
    %mul3A_95 = arith.mulf %mul3A_94, %add3A_92 : vector<8192xf32>
    %sub3A = arith.subf %mul3A_95, %concatenate3A_52 : vector<8192xf32>
    %add3A_96 = arith.addf %mul3A_77, %mul3A_82 : vector<8192xf32>
    %add3A_97 = arith.addf %add3A_96, %mul3A_88 : vector<8192xf32>
    %add3A_98 = arith.addf %add3A_97, %mul3A_73 : vector<8192xf32>
    %lt3A = arith.constant 2047 : i32
    %lt3A_99 = vector.broadcast %lt3A : i32 to vector<8192xi32>
    %lt3A_100 = arith.cmpi slt, %rem3A_60, %lt3A_99 : vector<8192xi32>
    %jit3A = arith.constant 0.000000e+00 : f32
    %broadcast_in_dim3A = vector.broadcast %jit3A : f32 to vector<8192xf32>
    %select_n3A_101 = arith.select %lt3A_100, %sub3A, %broadcast_in_dim3A : vector<8192xi1>, vector<8192xf32>
    %add3A_102 = arith.addf %add3A_98, %select_n3A_101 : vector<8192xf32>
    %reshape3A = vector.shape_cast %add3A_102 : vector<8192xf32> to vector<4x2048xf32>
    %swap3A = arith.constant 0 : index
    %swap3A_103 = arith.constant 0 : index
    %swap3A_104 = vector.load %arg24[%swap3A, %swap3A_103] : memref<4x2048xf32, #tpu.memory_space<vmem>>, vector<4x2048xf32>
    tpu.vector_store %arg24[%swap3A, %swap3A_103], %reshape3A {strides = array<i32>} : memref<4x2048xf32, #tpu.memory_space<vmem>>, vector<4x2048xf32>,
    %get3A_105 = arith.constant 0 : index
    %get3A_106 = vector.load %arg14[%get3A_105] : memref<4096xi32, #tpu.memory_space<vmem>>, vector<4096xi32>
    %get3A_107 = arith.constant 0 : index
    %get3A_108 = vector.load %arg15[%get3A_107] : memref<4096xi32, #tpu.memory_space<vmem>>, vector<4096xi32>
    %concatenate3A_109 = tpu.concatenate %get3A_106, %get3A_108 in 0 : vector<4096xi32>, vector<4096xi32> -> vector<8192xi32>
    %reshape3A_110 = vector.shape_cast %concatenate3A_109 : vector<8192xi32> to vector<4x2048xi32>
    %swap3A_111 = arith.constant 0 : index
    %swap3A_112 = arith.constant 0 : index
    %swap3A_113 = vector.load %arg25[%swap3A_111, %swap3A_112] : memref<4x2048xi32, #tpu.memory_space<vmem>>, vector<4x2048xi32>
    tpu.vector_store %arg25[%swap3A_111, %swap3A_112], %reshape3A_110 {strides = array<i32>} : memref<4x2048xi32, #tpu.memory_space<vmem>>, vector<4x2048xi32>,
    %slice3A_114 = vector.extract_strided_slice %add3A_102 {offsets = [0], sizes = [2048], strides = [1]} : vector<8192xf32> to vector<2048xf32>
    %reduce_sum3A = vector.shape_cast %slice3A_114 : vector<2048xf32> to vector<1x2048xf32>
    %reduce_sum3A_115 = arith.constant dense<0.000000e+00> : vector<1xf32>
    %reduce_sum3A_116 = vector.multi_reduction <add>, %reduce_sum3A, %reduce_sum3A_115 [1] : vector<1x2048xf32> to vector<1xf32>
    %reduce_sum3A_117 = vector.shape_cast %reduce_sum3A_116 : vector<1xf32> to vector<1x1xf32>
    %reduce_sum3A_118 = vector.extract %reduce_sum3A_117[0, 0] : f32 from vector<1x1xf32>
    %slice3A_119 = vector.extract_strided_slice %add3A_102 {offsets = [2048], sizes = [2048], strides = [1]} : vector<8192xf32> to vector<2048xf32>
    %reduce_sum3A_120 = vector.shape_cast %slice3A_119 : vector<2048xf32> to vector<1x2048xf32>
    %reduce_sum3A_121 = arith.constant dense<0.000000e+00> : vector<1xf32>
    %reduce_sum3A_122 = vector.multi_reduction <add>, %reduce_sum3A_120, %reduce_sum3A_121 [1] : vector<1x2048xf32> to vector<1xf32>
    %reduce_sum3A_123 = vector.shape_cast %reduce_sum3A_122 : vector<1xf32> to vector<1x1xf32>
    %reduce_sum3A_124 = vector.extract %reduce_sum3A_123[0, 0] : f32 from vector<1x1xf32>
    %slice3A_125 = vector.extract_strided_slice %add3A_102 {offsets = [4096], sizes = [2048], strides = [1]} : vector<8192xf32> to vector<2048xf32>
    %reduce_sum3A_126 = vector.shape_cast %slice3A_125 : vector<2048xf32> to vector<1x2048xf32>
    %reduce_sum3A_127 = arith.constant dense<0.000000e+00> : vector<1xf32>
    %reduce_sum3A_128 = vector.multi_reduction <add>, %reduce_sum3A_126, %reduce_sum3A_127 [1] : vector<1x2048xf32> to vector<1xf32>
    %reduce_sum3A_129 = vector.shape_cast %reduce_sum3A_128 : vector<1xf32> to vector<1x1xf32>
    %reduce_sum3A_130 = vector.extract %reduce_sum3A_129[0, 0] : f32 from vector<1x1xf32>
    %slice3A_131 = vector.extract_strided_slice %add3A_102 {offsets = [6144], sizes = [2048], strides = [1]} : vector<8192xf32> to vector<2048xf32>
    %reduce_sum3A_132 = vector.shape_cast %slice3A_131 : vector<2048xf32> to vector<1x2048xf32>
    %reduce_sum3A_133 = arith.constant dense<0.000000e+00> : vector<1xf32>
    %reduce_sum3A_134 = vector.multi_reduction <add>, %reduce_sum3A_132, %reduce_sum3A_133 [1] : vector<1x2048xf32> to vector<1xf32>
    %reduce_sum3A_135 = vector.shape_cast %reduce_sum3A_134 : vector<1xf32> to vector<1x1xf32>
    %reduce_sum3A_136 = vector.extract %reduce_sum3A_135[0, 0] : f32 from vector<1x1xf32>
    %stack3A = vector.broadcast %reduce_sum3A_118 : f32 to vector<1xf32>
    %stack3A_137 = vector.broadcast %reduce_sum3A_124 : f32 to vector<1xf32>
    %stack3A_138 = vector.broadcast %reduce_sum3A_130 : f32 to vector<1xf32>
    %stack3A_139 = vector.broadcast %reduce_sum3A_136 : f32 to vector<1xf32>
    %stack3A_140 = tpu.concatenate %stack3A, %stack3A_137, %stack3A_138, %stack3A_139 in 0 : vector<1xf32>, vector<1xf32>, vector<1xf32>, vector<1xf32> -> vector<4xf32>
    %reshape3A_141 = vector.shape_cast %stack3A_140 : vector<4xf32> to vector<1x4xf32>
    %swap3A_142 = arith.constant 0 : index
    %swap3A_143 = arith.constant 0 : index
    %swap3A_144 = vector.load %arg26[%swap3A_142, %swap3A_143] : memref<1x4xf32, #tpu.memory_space<vmem>>, vector<1x4xf32>
    tpu.vector_store %arg26[%swap3A_142, %swap3A_143], %reshape3A_141 {strides = array<i32>} : memref<1x4xf32, #tpu.memory_space<vmem>>, vector<1x4xf32>,
    %get3A_145 = arith.constant 0 : index
    %get3A_146 = arith.constant 0 : index
    %get3A_147 = vector.load %arg18[%get3A_145, %get3A_146] : memref<1x1xf32, #tpu.memory_space<vmem>>, vector<1x1xf32>
    %get3A_148 = vector.extract %get3A_147[0, 0] : f32 from vector<1x1xf32>
    %add3A_149 = arith.constant 0.000000e+00 : f32
    %add3A_150 = arith.addf %add3A_149, %get3A_148 : f32
    %get3A_151 = arith.constant 0 : index
    %get3A_152 = arith.constant 0 : index
    %get3A_153 = vector.load %arg19[%get3A_151, %get3A_152] : memref<1x1xf32, #tpu.memory_space<vmem>>, vector<1x1xf32>
    %get3A_154 = vector.extract %get3A_153[0, 0] : f32 from vector<1x1xf32>
    %add3A_155 = arith.addf %add3A_150, %get3A_154 : f32
    %mul3A_156 = arith.mulf %concatenate3A_57, %concatenate3A_47 : vector<8192xf32>
    %reduce_sum3A_157 = vector.shape_cast %mul3A_156 : vector<8192xf32> to vector<1x8192xf32>
    %reduce_sum3A_158 = arith.constant dense<0.000000e+00> : vector<1xf32>
    %reduce_sum3A_159 = vector.multi_reduction <add>, %reduce_sum3A_157, %reduce_sum3A_158 [1] : vector<1x8192xf32> to vector<1xf32>
    %reduce_sum3A_160 = vector.shape_cast %reduce_sum3A_159 : vector<1xf32> to vector<1x1xf32>
    %reduce_sum3A_161 = vector.extract %reduce_sum3A_160[0, 0] : f32 from vector<1x1xf32>
    %mul3A_162 = arith.constant 2.000000e+00 : f32
    %mul3A_163 = arith.mulf %mul3A_162, %reduce_sum3A_161 : f32
    %sub3A_164 = arith.subf %add3A_155, %mul3A_163 : f32
    %reduce_sum3A_165 = vector.shape_cast %concatenate3A_42 : vector<8192xf32> to vector<1x8192xf32>
    %reduce_sum3A_166 = arith.constant dense<0.000000e+00> : vector<1xf32>
    %reduce_sum3A_167 = vector.multi_reduction <add>, %reduce_sum3A_165, %reduce_sum3A_166 [1] : vector<1x8192xf32> to vector<1xf32>
    %reduce_sum3A_168 = vector.shape_cast %reduce_sum3A_167 : vector<1xf32> to vector<1x1xf32>
    %reduce_sum3A_169 = vector.extract %reduce_sum3A_168[0, 0] : f32 from vector<1x1xf32>
    %add3A_170 = arith.addf %sub3A_164, %reduce_sum3A_169 : f32
    %mul3A_171 = arith.constant 1.1920929E-7 : f32
    %mul3A_172 = arith.mulf %add3A_170, %mul3A_171 : f32
    %reshape3A_173 = vector.broadcast %mul3A_172 : f32 to vector<1x1xf32>
    %swap3A_174 = arith.constant 0 : index
    %swap3A_175 = arith.constant 0 : index
    %swap3A_176 = vector.load %arg27[%swap3A_174, %swap3A_175] : memref<1x1xf32, #tpu.memory_space<vmem>>, vector<1x1xf32>
    tpu.vector_store %arg27[%swap3A_174, %swap3A_175], %reshape3A_173 {strides = array<i32>} : memref<1x1xf32, #tpu.memory_space<vmem>>, vector<1x1xf32>,
    %get3A_177 = arith.constant 0 : index
    %get3A_178 = arith.constant 0 : index
    %get3A_179 = vector.load %arg16[%get3A_177, %get3A_178] : memref<1x512xf32, #tpu.memory_space<vmem>>, vector<1x512xf32>
    %add3A_180 = arith.constant 0.000000e+00 : f32
    %add3A_181 = vector.broadcast %add3A_180 : f32 to vector<1x512xf32>
    %add3A_182 = arith.addf %add3A_181, %get3A_179 : vector<1x512xf32>
    %get3A_183 = arith.constant 0 : index
    %get3A_184 = arith.constant 0 : index
    %get3A_185 = vector.load %arg17[%get3A_183, %get3A_184] : memref<1x512xf32, #tpu.memory_space<vmem>>, vector<1x512xf32>
    %add3A_186 = arith.addf %add3A_182, %get3A_185 : vector<1x512xf32>
    %mul3A_187 = arith.constant 1.22070313E-4 : f32
    %mul3A_188 = vector.broadcast %mul3A_187 : f32 to vector<1x512xf32>
    %mul3A_189 = arith.mulf %add3A_186, %mul3A_188 : vector<1x512xf32>
    %add3A_190 = arith.constant 1.000000e-10 : f32
    %add3A_191 = vector.broadcast %add3A_190 : f32 to vector<1x512xf32>
    %add3A_192 = arith.addf %mul3A_189, %add3A_191 : vector<1x512xf32>
    %log3A = math.log %add3A_192 : vector<1x512xf32>
    %mul3A_193 = arith.mulf %mul3A_189, %log3A : vector<1x512xf32>
    %reduce_sum3A_194 = vector.shape_cast %mul3A_193 : vector<1x512xf32> to vector<1x1x512xf32>
    %reduce_sum3A_195 = arith.constant dense<0.000000e+00> : vector<1xf32>
    %reduce_sum3A_196 = vector.multi_reduction <add>, %reduce_sum3A_194, %reduce_sum3A_195 [1, 2] : vector<1x1x512xf32> to vector<1xf32>
    %reduce_sum3A_197 = vector.shape_cast %reduce_sum3A_196 : vector<1xf32> to vector<1x1x1xf32>
    %reduce_sum3A_198 = vector.extract %reduce_sum3A_197[0, 0, 0] : f32 from vector<1x1x1xf32>
    %neg3A_199 = arith.constant 0.000000e+00 : f32
    %neg3A_200 = arith.subf %neg3A_199, %reduce_sum3A_198 : f32
    %exp3A_201 = math.exp %neg3A_200 : f32
    %reshape3A_202 = vector.broadcast %exp3A_201 : f32 to vector<1x1xf32>
    %swap3A_203 = arith.constant 0 : index
    %swap3A_204 = arith.constant 0 : index
    %swap3A_205 = vector.load %arg28[%swap3A_203, %swap3A_204] : memref<1x1xf32, #tpu.memory_space<vmem>>, vector<1x1xf32>
    tpu.vector_store %arg28[%swap3A_203, %swap3A_204], %reshape3A_202 {strides = array<i32>} : memref<1x1xf32, #tpu.memory_space<vmem>>, vector<1x1xf32>,
    return
  }
}

module attributes {stable_mosaic.version = 14 : i64} {
  func.func @_prologue_body(%arg0: memref<512x1024xf32, #tpu.memory_space<vmem>>, %arg1: memref<512x1024xbf16, #tpu.memory_space<vmem>>, %arg2: memref<8x512xf32, #tpu.memory_space<vmem>>, %arg3: memref<512x512xf32, #tpu.memory_space<vmem>>) attributes {dimension_semantics = [], scalar_prefetch = 0 : i64, scratch_operands = 0 : i64, tpu.core_type = #tpu.core_type<tc>} {
    %get3A = arith.constant 0 : index
    %get3A_0 = arith.constant 0 : index
    %get3A_1 = vector.load %arg0[%get3A, %get3A_0] : memref<512x1024xf32, #tpu.memory_space<vmem>>, vector<512x1024xf32>
    %mul3A = arith.mulf %get3A_1, %get3A_1 : vector<512x1024xf32>
    %reduce_sum3A = arith.constant dense<0.000000e+00> : vector<512xf32>
    %reduce_sum3A_2 = vector.multi_reduction <add>, %mul3A, %reduce_sum3A [1] : vector<512x1024xf32> to vector<512xf32>
    %broadcast_in_dim3A = vector.shape_cast %reduce_sum3A_2 : vector<512xf32> to vector<512x1xf32>
    %sqrt3A = math.sqrt %broadcast_in_dim3A : vector<512x1xf32>
    %max3A = arith.constant 9.99999996E-13 : f32
    %max3A_3 = vector.broadcast %max3A : f32 to vector<512x1xf32>
    %max3A_4 = arith.maximumf %sqrt3A, %max3A_3 : vector<512x1xf32>
    %div3A = vector.broadcast %max3A_4 : vector<512x1xf32> to vector<512x1024xf32>
    %div3A_5 = arith.divf %get3A_1, %div3A : vector<512x1024xf32>
    %convert_element_type3A = arith.truncf %div3A_5 : vector<512x1024xf32> to vector<512x1024xbf16>
    %swap3A = arith.constant 0 : index
    %swap3A_6 = arith.constant 0 : index
    %swap3A_7 = vector.load %arg1[%swap3A, %swap3A_6] : memref<512x1024xbf16, #tpu.memory_space<vmem>>, vector<512x1024xbf16>
    tpu.vector_store %arg1[%swap3A, %swap3A_6], %convert_element_type3A {strides = array<i32>} : memref<512x1024xbf16, #tpu.memory_space<vmem>>, vector<512x1024xbf16>,
    %add3A = arith.constant 9.99999997E-7 : f32
    %add3A_8 = vector.broadcast %add3A : f32 to vector<512x1xf32>
    %add3A_9 = arith.addf %sqrt3A, %add3A_8 : vector<512x1xf32>
    %div3A_10 = vector.broadcast %add3A_9 : vector<512x1xf32> to vector<512x1024xf32>
    %div3A_11 = arith.divf %get3A_1, %div3A_10 : vector<512x1024xf32>
    %mul3A_12 = arith.mulf %div3A_11, %div3A_11 : vector<512x1024xf32>
    %reduce_sum3A_13 = arith.constant dense<0.000000e+00> : vector<512xf32>
    %reduce_sum3A_14 = vector.multi_reduction <add>, %mul3A_12, %reduce_sum3A_13 [1] : vector<512x1024xf32> to vector<512xf32>
    %broadcast_in_dim3A_15 = vector.shape_cast %reduce_sum3A_14 : vector<512xf32> to vector<512x1xf32>
    %mul3A_16 = arith.mulf %mul3A_12, %mul3A_12 : vector<512x1024xf32>
    %reduce_sum3A_17 = arith.constant dense<0.000000e+00> : vector<512xf32>
    %reduce_sum3A_18 = vector.multi_reduction <add>, %mul3A_16, %reduce_sum3A_17 [1] : vector<512x1024xf32> to vector<512xf32>
    %broadcast_in_dim3A_19 = vector.shape_cast %reduce_sum3A_18 : vector<512xf32> to vector<512x1xf32>
    %mul3A_20 = arith.mulf %mul3A_12, %mul3A_12 : vector<512x1024xf32>
    %mul3A_21 = arith.mulf %mul3A_20, %mul3A_12 : vector<512x1024xf32>
    %reduce_sum3A_22 = arith.constant dense<0.000000e+00> : vector<512xf32>
    %reduce_sum3A_23 = vector.multi_reduction <add>, %mul3A_21, %reduce_sum3A_22 [1] : vector<512x1024xf32> to vector<512xf32>
    %broadcast_in_dim3A_24 = vector.shape_cast %reduce_sum3A_23 : vector<512xf32> to vector<512x1xf32>
    %broadcast_in_dim3A_25 = arith.constant 0.000000e+00 : f32
    %broadcast_in_dim3A_26 = vector.broadcast %broadcast_in_dim3A_25 : f32 to vector<512x1xf32>
    %transpose3A = tpu.transpose %broadcast_in_dim3A_15, [1, 0] : vector<512x1xf32> -> vector<1x512xf32>
    %transpose3A_27 = tpu.transpose %broadcast_in_dim3A_19, [1, 0] : vector<512x1xf32> -> vector<1x512xf32>
    %transpose3A_28 = tpu.transpose %broadcast_in_dim3A_24, [1, 0] : vector<512x1xf32> -> vector<1x512xf32>
    %transpose3A_29 = tpu.transpose %broadcast_in_dim3A, [1, 0] : vector<512x1xf32> -> vector<1x512xf32>
    %transpose3A_30 = tpu.transpose %max3A_4, [1, 0] : vector<512x1xf32> -> vector<1x512xf32>
    %transpose3A_31 = tpu.transpose %broadcast_in_dim3A_26, [1, 0] : vector<512x1xf32> -> vector<1x512xf32>
    %transpose3A_32 = tpu.transpose %broadcast_in_dim3A_26, [1, 0] : vector<512x1xf32> -> vector<1x512xf32>
    %transpose3A_33 = tpu.transpose %broadcast_in_dim3A_26, [1, 0] : vector<512x1xf32> -> vector<1x512xf32>
    %concatenate3A = tpu.concatenate %transpose3A, %transpose3A_27, %transpose3A_28, %transpose3A_29, %transpose3A_30, %transpose3A_31, %transpose3A_32, %transpose3A_33 in 0 : vector<1x512xf32>, vector<1x512xf32>, vector<1x512xf32>, vector<1x512xf32>, vector<1x512xf32>, vector<1x512xf32>, vector<1x512xf32>, vector<1x512xf32> -> vector<8x512xf32>
    %swap3A_34 = arith.constant 0 : index
    %swap3A_35 = arith.constant 0 : index
    %swap3A_36 = vector.load %arg2[%swap3A_34, %swap3A_35] : memref<8x512xf32, #tpu.memory_space<vmem>>, vector<8x512xf32>
    tpu.vector_store %arg2[%swap3A_34, %swap3A_35], %concatenate3A {strides = array<i32>} : memref<8x512xf32, #tpu.memory_space<vmem>>, vector<8x512xf32>,
    %dot_general3A = arith.constant dense<0.000000e+00> : vector<512x512xf32>
    %dot_general3A_37 = tpu.matmul %div3A_11, %div3A_11, %dot_general3A {dimension_numbers = #tpu.dot_dimension_numbers<[1], [1], [0], [0], [0, 0, 1, 0], [], []>, precision = #tpu.contract_precision<fp32>, transpose_lhs_hint = false} : vector<512x1024xf32>, vector<512x1024xf32>, vector<512x512xf32> -> vector<512x512xf32>
    %swap3A_38 = arith.constant 0 : index
    %swap3A_39 = arith.constant 0 : index
    %swap3A_40 = vector.load %arg3[%swap3A_38, %swap3A_39] : memref<512x512xf32, #tpu.memory_space<vmem>>, vector<512x512xf32>
    tpu.vector_store %arg3[%swap3A_38, %swap3A_39], %dot_general3A_37 {strides = array<i32>} : memref<512x512xf32, #tpu.memory_space<vmem>>, vector<512x512xf32>,
    return
  }
}

module attributes {stable_mosaic.version = 14 : i64} {
  func.func @_main_body(%arg0: i32, %arg1: memref<1024x1024xf32, #tpu.memory_space<vmem>>, %arg2: memref<512x1024xbf16, #tpu.memory_space<vmem>>, %arg3: memref<1024xi32, #tpu.memory_space<vmem>>, %arg4: memref<1024xf32, #tpu.memory_space<vmem>>, %arg5: memref<1x512xf32, #tpu.memory_space<vmem>>, %arg6: memref<1x1xf32, #tpu.memory_space<vmem>>) attributes {dimension_semantics = [#tpu.dimension_semantics<arbitrary>], iteration_bounds = array<i64: 4>, scalar_prefetch = 0 : i64, scratch_operands = 0 : i64, tpu.core_type = #tpu.core_type<tc>, window_params = [{transform_indices = @transform_0, window_bounds = array<i64: 1024, 1024>}, {pipeline_mode = #tpu.pipeline_mode<synchronous>, transform_indices = @transform_1, window_bounds = array<i64: 512, 1024>}, {transform_indices = @transform_2, window_bounds = array<i64: 1024>}, {transform_indices = @transform_3, window_bounds = array<i64: 1024>}, {pipeline_mode = #tpu.pipeline_mode<synchronous>, transform_indices = @transform_4, window_bounds = array<i64: 1, 512>}, {pipeline_mode = #tpu.pipeline_mode<synchronous>, transform_indices = @transform_5, window_bounds = array<i64: 1, 1>}]} {
    %get3A = arith.constant 0 : index
    %get3A_0 = arith.constant 0 : index
    %get3A_1 = vector.load %arg1[%get3A, %get3A_0] : memref<1024x1024xf32, #tpu.memory_space<vmem>>, vector<1024x1024xf32>
    %mul3A = arith.mulf %get3A_1, %get3A_1 : vector<1024x1024xf32>
    %reduce_sum3A = arith.constant dense<0.000000e+00> : vector<1024xf32>
    %reduce_sum3A_2 = vector.multi_reduction <add>, %mul3A, %reduce_sum3A [1] : vector<1024x1024xf32> to vector<1024xf32>
    %broadcast_in_dim3A = vector.shape_cast %reduce_sum3A_2 : vector<1024xf32> to vector<1024x1xf32>
    %sqrt3A = math.sqrt %broadcast_in_dim3A : vector<1024x1xf32>
    %max3A = arith.constant 9.99999996E-13 : f32
    %max3A_3 = vector.broadcast %max3A : f32 to vector<1024x1xf32>
    %max3A_4 = arith.maximumf %sqrt3A, %max3A_3 : vector<1024x1xf32>
    %div3A = vector.broadcast %max3A_4 : vector<1024x1xf32> to vector<1024x1024xf32>
    %div3A_5 = arith.divf %get3A_1, %div3A : vector<1024x1024xf32>
    %convert_element_type3A = arith.truncf %div3A_5 : vector<1024x1024xf32> to vector<1024x1024xbf16>
    %get3A_6 = arith.constant 0 : index
    %get3A_7 = arith.constant 0 : index
    %get3A_8 = vector.load %arg2[%get3A_6, %get3A_7] : memref<512x1024xbf16, #tpu.memory_space<vmem>>, vector<512x1024xbf16>
    %dot_general3A = arith.constant dense<0.000000e+00> : vector<1024x512xf32>
    %dot_general3A_9 = tpu.matmul %convert_element_type3A, %get3A_8, %dot_general3A {dimension_numbers = #tpu.dot_dimension_numbers<[1], [1], [0], [0], [0, 0, 1, 0], [], []>, transpose_lhs_hint = false} : vector<1024x1024xbf16>, vector<512x1024xbf16>, vector<1024x512xf32> -> vector<1024x512xf32>
    %reduce_max3A = arith.constant dense<0xFF800000> : vector<1024xf32>
    %reduce_max3A_10 = vector.multi_reduction <maximumf>, %dot_general3A_9, %reduce_max3A [1] : vector<1024x512xf32> to vector<1024xf32>
    %broadcast_in_dim3A_11 = vector.shape_cast %reduce_max3A_10 : vector<1024xf32> to vector<1024x1xf32>
    %iota3A = tpu.iota {dimensions = array<i32: 1>} : vector<1024x512xi32>
    %eq3A = vector.broadcast %broadcast_in_dim3A_11 : vector<1024x1xf32> to vector<1024x512xf32>
    %eq3A_12 = arith.cmpf oeq, %dot_general3A_9, %eq3A : vector<1024x512xf32>
    %jit3A = arith.constant 512 : i32
    %broadcast_in_dim3A_13 = vector.broadcast %jit3A : i32 to vector<1024x512xi32>
    %select_n3A = arith.select %eq3A_12, %iota3A, %broadcast_in_dim3A_13 : vector<1024x512xi1>, vector<1024x512xi32>
    %reduce_min3A = arith.constant dense<2147483647> : vector<1024xi32>
    %reduce_min3A_14 = vector.multi_reduction <minsi>, %select_n3A, %reduce_min3A [1] : vector<1024x512xi32> to vector<1024xi32>
    %swap3A = arith.constant 0 : index
    %swap3A_15 = vector.load %arg3[%swap3A] : memref<1024xi32, #tpu.memory_space<vmem>>, vector<1024xi32>
    tpu.vector_store %arg3[%swap3A], %reduce_min3A_14 {strides = array<i32>} : memref<1024xi32, #tpu.memory_space<vmem>>, vector<1024xi32>,
    %mul3A_16 = arith.mulf %broadcast_in_dim3A_11, %max3A_4 : vector<1024x1xf32>
    %squeeze3A = vector.shape_cast %mul3A_16 : vector<1024x1xf32> to vector<1024xf32>
    %swap3A_17 = arith.constant 0 : index
    %swap3A_18 = vector.load %arg4[%swap3A_17] : memref<1024xf32, #tpu.memory_space<vmem>>, vector<1024xf32>
    tpu.vector_store %arg4[%swap3A_17], %squeeze3A {strides = array<i32>} : memref<1024xf32, #tpu.memory_space<vmem>>, vector<1024xf32>,
    %sub3A = vector.broadcast %broadcast_in_dim3A_11 : vector<1024x1xf32> to vector<1024x512xf32>
    %sub3A_19 = arith.subf %dot_general3A_9, %sub3A : vector<1024x512xf32>
    %exp3A = math.exp %sub3A_19 : vector<1024x512xf32>
    %convert_element_type3A_20 = arith.truncf %exp3A : vector<1024x512xf32> to vector<1024x512xbf16>
    %broadcast_in_dim3A_21 = arith.constant 1.000000e+00 : bf16
    %broadcast_in_dim3A_22 = vector.broadcast %broadcast_in_dim3A_21 : bf16 to vector<512x128xbf16>
    %dot_general3A_23 = arith.constant dense<0.000000e+00> : vector<1024x128xf32>
    %dot_general3A_24 = tpu.matmul %convert_element_type3A_20, %broadcast_in_dim3A_22, %dot_general3A_23 {dimension_numbers = #tpu.dot_dimension_numbers<[1], [0], [0], [1], [0, 0, 1, 1], [], []>, transpose_lhs_hint = false} : vector<1024x512xbf16>, vector<512x128xbf16>, vector<1024x128xf32> -> vector<1024x128xf32>
    %slice3A = vector.extract_strided_slice %dot_general3A_24 {offsets = [0, 0], sizes = [1024, 1], strides = [1, 1]} : vector<1024x128xf32> to vector<1024x1xf32>
    %div3A_25 = arith.constant 1.000000e+00 : f32
    %div3A_26 = vector.broadcast %div3A_25 : f32 to vector<1024x1xf32>
    %div3A_27 = arith.divf %div3A_26, %slice3A : vector<1024x1xf32>
    %mul3A_28 = vector.broadcast %div3A_27 : vector<1024x1xf32> to vector<1024x512xf32>
    %mul3A_29 = arith.mulf %exp3A, %mul3A_28 : vector<1024x512xf32>
    %eq3A_30 = arith.constant 0 : i32
    %eq3A_31 = arith.cmpi eq, %arg0, %eq3A_30 : i32
    %convert_element_type3A_32 = arith.extui %eq3A_31 : i1 to i32
    %cond3A = arith.constant 0 : i32
    %cond3A_33 = arith.cmpi ne, %convert_element_type3A_32, %cond3A : i32
    scf.if %cond3A_33 {
      %broadcast_in_dim3A_55 = arith.constant 0.000000e+00 : f32
      %broadcast_in_dim3A_56 = vector.broadcast %broadcast_in_dim3A_55 : f32 to vector<1x512xf32>
      %swap3A_57 = arith.constant 0 : index
      %swap3A_58 = arith.constant 0 : index
      %swap3A_59 = vector.load %arg5[%swap3A_57, %swap3A_58] : memref<1x512xf32, #tpu.memory_space<vmem>>, vector<1x512xf32>
      tpu.vector_store %arg5[%swap3A_57, %swap3A_58], %broadcast_in_dim3A_56 {strides = array<i32>} : memref<1x512xf32, #tpu.memory_space<vmem>>, vector<1x512xf32>,
      %broadcast_in_dim3A_60 = arith.constant 0.000000e+00 : f32
      %broadcast_in_dim3A_61 = vector.broadcast %broadcast_in_dim3A_60 : f32 to vector<1x1xf32>
      %swap3A_62 = arith.constant 0 : index
      %swap3A_63 = arith.constant 0 : index
      %swap3A_64 = vector.load %arg6[%swap3A_62, %swap3A_63] : memref<1x1xf32, #tpu.memory_space<vmem>>, vector<1x1xf32>
      tpu.vector_store %arg6[%swap3A_62, %swap3A_63], %broadcast_in_dim3A_61 {strides = array<i32>} : memref<1x1xf32, #tpu.memory_space<vmem>>, vector<1x1xf32>,
    } else {
    }
    %get3A_34 = arith.constant 0 : index
    %get3A_35 = arith.constant 0 : index
    %get3A_36 = vector.load %arg5[%get3A_34, %get3A_35] : memref<1x512xf32, #tpu.memory_space<vmem>>, vector<1x512xf32>
    %reduce_sum3A_37 = arith.constant dense<0.000000e+00> : vector<512xf32>
    %reduce_sum3A_38 = vector.multi_reduction <add>, %mul3A_29, %reduce_sum3A_37 [0] : vector<1024x512xf32> to vector<512xf32>
    %broadcast_in_dim3A_39 = vector.shape_cast %reduce_sum3A_38 : vector<512xf32> to vector<1x512xf32>
    %add3A = arith.addf %get3A_36, %broadcast_in_dim3A_39 : vector<1x512xf32>
    %swap3A_40 = arith.constant 0 : index
    %swap3A_41 = arith.constant 0 : index
    %swap3A_42 = vector.load %arg5[%swap3A_40, %swap3A_41] : memref<1x512xf32, #tpu.memory_space<vmem>>, vector<1x512xf32>
    tpu.vector_store %arg5[%swap3A_40, %swap3A_41], %add3A {strides = array<i32>} : memref<1x512xf32, #tpu.memory_space<vmem>>, vector<1x512xf32>,
    %get3A_43 = arith.constant 0 : index
    %get3A_44 = arith.constant 0 : index
    %get3A_45 = vector.load %arg6[%get3A_43, %get3A_44] : memref<1x1xf32, #tpu.memory_space<vmem>>, vector<1x1xf32>
    %reduce_sum3A_46 = vector.shape_cast %broadcast_in_dim3A : vector<1024x1xf32> to vector<1x1024x1xf32>
    %reduce_sum3A_47 = arith.constant dense<0.000000e+00> : vector<1xf32>
    %reduce_sum3A_48 = vector.multi_reduction <add>, %reduce_sum3A_46, %reduce_sum3A_47 [1, 2] : vector<1x1024x1xf32> to vector<1xf32>
    %reduce_sum3A_49 = vector.shape_cast %reduce_sum3A_48 : vector<1xf32> to vector<1x1x1xf32>
    %reduce_sum3A_50 = vector.extract %reduce_sum3A_49[0, 0, 0] : f32 from vector<1x1x1xf32>
    %reshape3A = vector.broadcast %reduce_sum3A_50 : f32 to vector<1x1xf32>
    %add3A_51 = arith.addf %get3A_45, %reshape3A : vector<1x1xf32>
    %swap3A_52 = arith.constant 0 : index
    %swap3A_53 = arith.constant 0 : index
    %swap3A_54 = vector.load %arg6[%swap3A_52, %swap3A_53] : memref<1x1xf32, #tpu.memory_space<vmem>>, vector<1x1xf32>
    tpu.vector_store %arg6[%swap3A_52, %swap3A_53], %add3A_51 {strides = array<i32>} : memref<1x1xf32, #tpu.memory_space<vmem>>, vector<1x1xf32>,
    return
  }
  func.func @transform_0(%arg0: i32) -> (i32, i32) {
    %c0_i32 = arith.constant 0 : i32
    %c0_i32_0 = arith.constant 0 : i32
    return %arg0, %c0_i32 : i32, i32
  }
  func.func @transform_1(%arg0: i32) -> (i32, i32) {
    %c0_i32 = arith.constant 0 : i32
    %c0_i32_0 = arith.constant 0 : i32
    %c0_i32_1 = arith.constant 0 : i32
    return %c0_i32, %c0_i32_0 : i32, i32
  }
  func.func @transform_2(%arg0: i32) -> i32 {
    %c0_i32 = arith.constant 0 : i32
    return %arg0 : i32
  }
  func.func @transform_3(%arg0: i32) -> i32 {
    %c0_i32 = arith.constant 0 : i32
    return %arg0 : i32
  }
  func.func @transform_4(%arg0: i32) -> (i32, i32) {
    %c0_i32 = arith.constant 0 : i32
    %c0_i32_0 = arith.constant 0 : i32
    %c0_i32_1 = arith.constant 0 : i32
    return %c0_i32, %c0_i32_0 : i32, i32
  }
  func.func @transform_5(%arg0: i32) -> (i32, i32) {
    %c0_i32 = arith.constant 0 : i32
    %c0_i32_0 = arith.constant 0 : i32
    %c0_i32_1 = arith.constant 0 : i32
    return %c0_i32, %c0_i32_0 : i32, i32
  }
}

</mosaic_0001>

<sc_bundles>
// kernel: kernel.10.cloned.1.call-start
scs
__scs_entry_jumppad:
0x0: {  	(pc) =	sbr.rel $0x88, $3  }
0x1: {  	(tag) =	ssettag $0x0;
	lr =	simm.s32 $0x1  }
0x2: {  	[smem:$0x3F9A] =	sst lr;
	_ =	strace $0xD0000000  }
0x3: {  	_ = 	snop  }
0x4: {  	_ = 	snop  }
0x5: {  	_ = 	snop  }
0x6: {  	_ = 	snop  }
0x7: {  	_ = 	snop  }
__scs_overlays_trampoline_lowered:
0x8: {  	[smem:$0x3FA9] =	sst s0  }
0x9: {  	[smem:$0x3FAA] =	sst s1  }
0xa: {  	[smem:$0x3FAB] =	sst s2  }
0xb: {  	[smem:$0x3FAC] =	sst s3  }
0xc: {  	[smem:$0x3FAD] =	sst s4  }
0xd: {  	[smem:$0x3FAE] =	sst s5  }
0xe: {  	[smem:$0x3FAF] =	sst s6  }
0xf: {  	[smem:$0x3FB0] =	sst s7  }
0x10: {  	[smem:$0x3FB1] =	sst s8  }
0x11: {  	[smem:$0x3FB2] =	sst s9;
	s0 =	simm.s32 @!p0 $0x0  }
0x12: {  	s1 =	sld [smem:$0x3F98];
	s0 =	simm.s32 @p0 $0x1  }
0x13: {  	[smem:$0x3FB3] =	sst s0;
	s0 =	simm.s32 @!p1 $0x0  }
0x14: {  	s2 =	sld [smem:$0x3F97];
	s0 =	simm.s32 @p1 $0x1  }
0x15: {  	[smem:$0x3FB4] =	sst s0;
	s0 =	simm.s32 @!p2 $0x0  }
0x16: {  	s3 =	sld [smem:$0x3FDB];
	s0 =	simm.s32 @p2 $0x1  }
0x17: {  	s4 =	simm.s32 $0x1BF5;
	[smem:$0x3FB6] =	sst s0  }
0x18: {  	s0 =	sld [smem:$0x3F99];
	_ =	swait.ge [sflag:s4], $0x0  }
0x19: {  	s7 =	sld [smem:$0x3F9A]  }
0x1a: {  	s8 =	sadd.s32 $0xFFFFE003, lr  }
0x1b: {  	s9 =	sadd.s32 $0xFFFFFEF7, lr;
	s5 =	simm.s32 $0xFFFFFFFF;
	p2 =	slt.u32 s8, $0xFFFFF086  }
0x1c: {  	p1 =	slt.u32 s9, $0xF7A;
	s5 =	simm.s32 @!p2 $0x0  }
0x1d: {  	s5 =	simm.s32 @p1 $0x1;
	p0 =	seq.s32 s7, s2  }
0x1e: {  	s7 =	smul.u32 @!p0 $0xF7A, s2;
	p2 =	seq.s32 @!p0 s5, $0x0  }
0x1f: {  	s9 =	smul.u32 $0xF7A, s1;
	s8 =	simm.s32 @!p0 $0x1BF5;
	p2 =	por !p2, p0  }
0x20: {  	[sflag:s8] =	ssyncset.s32 @!p0 $0xFFFFF086;
	s6 =	sadd.s32 @!p0 s3, s7;
	s7 =	simm.s32 @!p0 $0x108  }
0x21: {  	s3 =	sadd.s32 s3, s9;
	s6 =	sadd.s32 @!p0 $0x88, s6;
	s7 =	simm.s32 @p2 $0x1082  }
0x22: {  	[simem:s7], [sflag:s8] =	dma.local @!p0 [hbm:s6], $0xF7A  }
0x23: {  	s9 =	sor.u32 $0xD0000000, s2;
	s6 =	simm.s32 $0x108;
	_ =	swait.ge @!p0 [sflag:s8], $0x0  }
0x24: {  	s3 =	sadd.s32 $0x88, s3;
	s6 =	simm.s32 @!p1 $0x1082;
	[sflag:s4] =	ssyncset.s32 $0xFFFFF086  }
0x25: {  	[simem:s6], [sflag:s4] =	dma.local [hbm:s3], $0xF7A  }
0x26: {  	[smem:$0x3F9A] =	sst s1;
	(tag) =	ssettag s2;
	_ =	strace s9  }
0x27: {  	s1 =	sld [smem:$0x3FAA]  }
0x28: {  	s2 =	sld [smem:$0x3FAB]  }
0x29: {  	s4 =	sld [smem:$0x3FAD]  }
0x2a: {  	p0 =	seq.s32 s5, $0x0;
	s5 =	sld [smem:$0x3FAE]  }
0x2b: {  	s6 =	sld [smem:$0x3FAF]  }
0x2c: {  	s7 =	sld [smem:$0x3FB0]  }
0x2d: {  	s3 =	simm.s32 $0x108;
	s8 =	sld [smem:$0x3FB1]  }
0x2e: {  	s3 =	simm.s32 @!p0 $0x1082;
	s9 =	sld [smem:$0x3FB2]  }
0x2f: {  	lr =	sadd.s32 s0, s3;
	s0 =	sld [smem:$0x3FA9]  }
0x30: {  	s3 =	sld [smem:$0x3FAC]  }
0x31: {  	[smem:$0x3FB5] =	sst s10  }
0x32: {  	s10 =	sld [smem:$0x3FB3];
	_ =	sdelay $0x3  }
0x33: {  	p0 =	seq.s32 s10, $0x1;
	s10 =	sld [smem:$0x3FB5];
	_ =	sdelay $0x3  }
0x34: {  	[smem:$0x3FB5] =	sst s10  }
0x35: {  	s10 =	sld [smem:$0x3FB4];
	_ =	sdelay $0x3  }
0x36: {  	p1 =	seq.s32 s10, $0x1;
	s10 =	sld [smem:$0x3FB5];
	_ =	sdelay $0x3  }
0x37: {  	[smem:$0x3FB5] =	sst s10  }
0x38: {  	s10 =	sld [smem:$0x3FB6]  }
0x39: {  	_ = 	snop;
	(pc) =	sbr.ind lr, $3  }
0x3a: {  	_ = 	snop  }
0x3b: {  	_ = 	snop  }
0x3c: {  	p2 =	seq.s32 s10, $0x1;
	s10 =	sld [smem:$0x3FB5]  }
0x3d: {  	_ =	shalt  }
0x3e: {  	_ =	shalt  }
0x3f: {  	_ =	shalt  }
0x40: {  	_ =	shalt  }
0x41: {  	_ =	shalt  }
0x42: {  	_ =	shalt  }
0x43: {  	_ =	shalt  }
0x44: {  	_ =	shalt  }
0x45: {  	_ =	shalt  }
0x46: {  	_ =	shalt  }
0x47: {  	_ =	shalt  }
0x48: {  	_ =	shalt  }
0x49: {  	_ =	shalt  }
0x4a: {  	_ =	shalt  }
0x4b: {  	_ =	shalt  }
0x4c: {  	_ =	shalt  }
0x4d: {  	_ =	shalt  }
0x4e: {  	_ =	shalt  }
0x4f: {  	_ =	shalt  }
0x50: {  	_ =	shalt  }
0x51: {  	_ =	shalt  }
0x52: {  	_ =	shalt  }
0x53: {  	_ =	shalt  }
0x54: {  	_ =	shalt  }
0x55: {  	_ =	shalt  }
0x56: {  	_ =	shalt  }
0x57: {  	_ =	shalt  }
0x58: {  	_ =	shalt  }
0x59: {  	_ =	shalt  }
0x5a: {  	_ =	shalt  }
0x5b: {  	_ =	shalt  }
0x5c: {  	_ =	shalt  }
0x5d: {  	_ =	shalt  }
0x5e: {  	_ =	shalt  }
0x5f: {  	_ =	shalt  }
0x60: {  	_ =	shalt  }
0x61: {  	_ =	shalt  }
0x62: {  	_ =	shalt  }
0x63: {  	_ =	shalt  }
0x64: {  	_ =	shalt  }
0x65: {  	_ =	shalt  }
0x66: {  	_ =	shalt  }
0x67: {  	_ =	shalt  }
0x68: {  	_ =	shalt  }
0x69: {  	_ =	shalt  }
0x6a: {  	_ =	shalt  }
0x6b: {  	_ =	shalt  }
0x6c: {  	_ =	shalt  }
0x6d: {  	_ =	shalt  }
0x6e: {  	_ =	shalt  }
0x6f: {  	_ =	shalt  }
0x70: {  	_ =	shalt  }
0x71: {  	_ =	shalt  }
0x72: {  	_ =	shalt  }
0x73: {  	_ =	shalt  }
0x74: {  	_ =	shalt  }
0x75: {  	_ =	shalt  }
0x76: {  	_ =	shalt  }
0x77: {  	_ =	shalt  }
0x78: {  	_ =	shalt  }
0x79: {  	_ =	shalt  }
0x7a: {  	_ =	shalt  }
0x7b: {  	_ =	shalt  }
0x7c: {  	_ =	shalt  }
0x7d: {  	_ =	shalt  }
0x7e: {  	_ =	shalt  }
0x7f: {  	_ =	shalt  }
0x80: {  	_ =	shalt  }
0x81: {  	_ =	shalt  }
0x82: {  	_ =	shalt  }
0x83: {  	_ =	shalt  }
0x84: {  	_ =	shalt  }
0x85: {  	_ =	shalt  }
0x86: {  	_ =	shalt  }
0x87: {  	_ =	shalt  }
.Lfunc_end0:
.L_simem_size_0:
called_computation_lowered:
.L_overlay_start_0:
0x88: {  	s2 =	sld [smem:$0x3FD9]  }
0x89: {  	s3 =	sld [smem:$0x3FFE];
	_ =	sdelay $0x1  }
0x8a: {  	s1 =	srdreg.scid  }
0x8b: {  	s0 =	sand.u32 $0x1, s1  }
0x8c: {  	s15 =	sshll.u32 s0, $0xA;
	s2 =	sadd.s32 s3, s2  }
0x8d: {  	s2 =	sadd.s32 s2, s15  }
0x8e: {  	[smem:$0x3FC1] =	sst s2  }
0x8f: {  	_ = 	snop  }
0x90: {  	s16 =	sld [smem:$0x3FD0];
	_ =	sdelay $0x2  }
0x91: {  	s4 =	simm.s32 $0xB;
	s5 =	simm.s32 $0x10;
	s2 =	sld [smem:$0x3FC8]  }
0x92: {  	[smem:s5], [sflag:s4] =	dma.local [hbm:s16], $0x1  }
0x93: {  	_ =	swait.eq [sflag:s4], $0x1  }
0x94: {  	[sflag:s4] =	ssyncset.done $0x0  }
0x95: {  	[sflag:s4] =	ssyncadd.s32 $0xFFFFFFFF  }
0x96: {  	s17 =	sld [smem:$0x12];
	(tm) =	ssettm $0x1  }
0x97: {  	s18 =	sld [smem:$0x3FFB];
	_ =	sdelay $0x3  }
0x98: {  	_ =	strace s18  }
0x99: {  	s3 =	sld [smem:$0x3FFC];
	_ =	sdelay $0x3  }
0x9a: {  	_ =	strace s3  }
0x9b: {  	s3 =	sld [smem:$0x3FFD];
	_ =	sdelay $0x3  }
0x9c: {  	_ =	strace s3  }
0x9d: {  	_ =	strace $0x8FFFFFFF  }
0x9e: {  	s19 =	sld [smem:$0x3FDB];
	_ =	sdelay $0x1  }
0x9f: {  	s20 =	simm.s32 $_scs_section_size  }
0xa0: {  	s6 =	simm.s32 $_size__tile_overlayer_lowered;
	s7 =	simm.s32 $_tile_overlayer_lowered  }
0xa1: {  	s8 =	simm.s32 $0x1BFF;
	s21 =	sshll.u32 s7, $0x1;
	s5 =	sadd.s32 s20, s19  }
0xa2: {  	s22 =	simm.s32 $0x0;
	s6 =	sshll.u32 s6, $0x1;
	s7 =	sadd.s32 s21, s5  }
0xa3: {  	[timem:s22], [sflag:s8] =	dma.local [hbm:s7], s6  }
0xa4: {  	_ =	swait.ge [sflag:s8], s6  }
0xa5: {  	s6 =	ssub.s32 $0x0, s6;
	[sflag:s8] =	ssyncset.done $0x0  }
0xa6: {  	[sflag:s8] =	ssyncadd.s32 s6;
	_ =	sdelay $0x1  }
0xa7: {  	s23 =	simm.s32 $0x1B8B  }
0xa8: {  	_ =	swait.ge [sflag:s23], $0x1  }
0xa9: {  	[sflag:s23] =	ssyncset.done $0x0  }
0xaa: {  	[sflag:s23] =	ssyncadd.s32 $0xFFFFFFFF  }
0xab: {  	s6 =	sld [smem:$0x0]  }
0xac: {  	s7 =	sand.u32 $0xFFFFFFFE, s1  }
0xad: {  	p0 =	sne.s32 s1, s7  }
0xae: {  	s7 =	sshll.u32 @p0 s7, $0xE  }
0xaf: {  	s7 =	sadd.s32 @p0 $0x11B8D, s7;
	s8 =	sshll.u32 @p0 s6, $0x11  }
0xb0: {  	s7 =	sor.u32 @p0 s8, s7  }
0xb1: {  	[sflag:s7] =	ssyncadd.remote.s32 @p0 $0x1;
	_ =	sdelay $0x1  }
0xb2: {  	s7 =	simm.s32 @p0 $0x1B8D  }
0xb3: {  	_ =	swait.eq @p0 [sflag:s7], $0x1  }
0xb4: {  	[sflag:s7] =	ssyncadd.s32 @p0 $0xFFFFFFFF  }
0xb5: {  	s8 =	sshll.u32 @!p0 s1, $0xE  }
0xb6: {  	s8 =	sor.u32 @!p0 $0x4000, s8;
	s7 =	simm.s32 @!p0 $0x1B8D  }
0xb7: {  	s6 =	sshll.u32 @!p0 s6, $0x11;
	s8 =	sadd.s32 @!p0 $0x11B8D, s8;
	_ =	swait.eq @!p0 [sflag:s7], $0x1  }
0xb8: {  	s6 =	sor.u32 @!p0 s6, s8;
	[sflag:s7] =	ssyncadd.s32 @!p0 $0xFFFFFFFF  }
0xb9: {  	s25 =	simm.s32 $0x1B8E;
	s24 =	sld [smem:$0x3FFE];
	[sflag:s6] =	ssyncadd.remote.s32 @!p0 $0x1  }
0xba: {  	s26 =	simm.s32 $execute0_lowered;
	[smem:$0x3FD2] =	sst s25  }
0xbb: {  	s7 =	sshll.u32 s26, $0x1;
	_ =	strace $0x80000049;
	[dreg:$0x1] =	wrdreg $0xFFFFFFFF  }
0xbc: {  	s28 =	simm.s32 $_size_execute0_lowered;
	s5 =	sadd.s32 s5, s7;
	[dreg:$0x0] =	wrdreg $0x0  }
0xbd: {  	s7 =	sshll.u32 s28, $0x1;
	[dreg:$0x2] =	wrdreg s5  }
0xbe: {  	[dreg:$0x3] =	wrdreg s7  }
0xbf: {  	[dreg:$0x4] =	wrdreg $0xC0  }
0xc0: {  	_ =	task [dreg:s22], $0x5FFFF  }
0xc1: {  	[dreg:$0x1] =	wrdreg $0xFFFFFFFF  }
0xc2: {  	[dreg:$0x0] =	wrdreg $0x60  }
0xc3: {  	[dreg:$0x2] =	wrdreg s17  }
0xc4: {  	[dreg:$0x3] =	wrdreg s2  }
0xc5: {  	[dreg:$0x4] =	wrdreg s24  }
0xc6: {  	[dreg:$0x5] =	wrdreg $0x9  }
0xc7: {  	_ =	task.clear_ibuf [dreg:s22], $0x6FFFF;
	_ =	strace $0x90000049  }
0xc8: {  	s29 =	simm.s32 $0x9;
	_ =	strace $0x8000004B  }
0xc9: {  	_ =	swait.ge [sflag:s29], $0x1  }
0xca: {  	[sflag:s29] =	ssyncadd.s32 $0xFFFFFFFF  }
0xcb: {  	_ =	strace $0x9000004B  }
0xcc: {  	_ =	sfence  }
0xcd: {  	s30 =	sld [smem:$0x0];
	_ =	sdelay $0x2  }
0xce: {  	s31 =	sshll.u32 s1, $0xD;
	s1 =	sshrl.u32 s1, $0x2  }
0xcf: {  	s4 =	sand.u32 $0x4000, s31;
	s1 =	sadd.s32 s1, s30  }
0xd0: {  	s0 =	sor.u32 s4, s0;
	s1 =	sshll.u32 s1, $0x11  }
0xd1: {  	s0 =	sor.u32 s1, s0  }
0xd2: {  	s0 =	sadd.s32 $0x8F2B, s0  }
0xd3: {  	[sflag:s0] =	ssyncadd.remote.s32 $0x1  }
0xd4: {  	_ =	sfence.sel $0xFFFF  }
0xd5: {  	[dreg:$0x0] =	wrdreg $0xFFFFFFFF;
	(pc) =	sbr.abs _section_cstart, $3  }
0xd6: {  	[dreg:$0x1] =	wrdreg $0xFFFFFFFF  }
0xd7: {  	_ =	task.clear_ibuf [dreg:s22], $0x2FFFF;
	_ =	strace $0x9FFFFFFF  }
0xd8: {  	(tm) =	ssettm $0x7FFFFFFF  }
0xd9: {  	_ =	shalt  }
tec
execute0_lowered:
.L_overlay_start_1:
0x0: {  	(tag) =	ssettag $0x1  }
0x1: {  	s0 =	rddreg [dreg:$0x0]  }
0x2: {  	s1 =	rddreg [dreg:$0x1]  }
0x3: {  	s2 =	rddreg [dreg:$0x2]  }
0x4: {  	s4 =	srdreg.scid;
	s3 =	simm.s32 $0x0;
	s5 =	stileid.u32  }
0x5: {  	s19 =	simm.s32 $0x2;
	s21 =	simm.s32 $0x4;
	s28 =	simm.s32 $0x1880  }
0x6: {  	s29 =	simm.s32 $0x2080;
	s30 =	simm.s32 $0x2880;
	s31 =	simm.s32 $0x3080  }
0x7: {  	s8 =	simm.s32 $0x3880;
	s10 =	simm.s32 $0x4880;
	s11 =	simm.s32 $0x5080  }
0x8: {  	s12 =	simm.s32 $0x5880;
	s13 =	simm.s32 $0x6080;
	s14 =	simm.s32 $0x6880  }
0x9: {  	s15 =	simm.s32 $0x7080;
	s16 =	simm.s32 $0x7880;
	s17 =	simm.s32 $0x8880  }
0xa: {  	s18 =	simm.s32 $0x9080;
	s20 =	simm.s32 $0xA080;
	s4 =	sand.u32 $0x1, s4  }
0xb: {  	[smem:$0x7FF] =	sst s3;
	s5 =	sshll.u32 s5, $0x8;
	s6 =	sshll.u32 s4, $0x7  }
0xc: {  	_ =	strace $0x8000004A;
	s4 =	ssub.s32 $0x2, s4;
	s5 =	sor.u32 s6, s5  }
0xd: {  	s22 =	sshrl.u32 s4, $0x1;
	s6 =	sshll.u32 s5, $0x7;
	s5 =	sshrl.u32 s5, $0x3  }
0xe: {  	s7 =	ssub.s32 s4, s22;
	s2 =	sadd.s32 s6, s2;
	s0 =	sadd.s32 s0, s5  }
0xf: {  	s4 =	sadd.s32 $0x100, s1;
	[dreg:$0x4] =	wrdreg s0;
	s23 =	sadd.s32 $0x84A00, s2  }
0x10: {  	s5 =	sadd.s32 $0x200, s1;
	s24 =	sadd.s32 $0x85A00, s2;
	[dreg:$0x5] =	wrdreg s23  }
0x11: {  	s6 =	sadd.s32 $0x300, s1;
	s25 =	sadd.s32 $0x86A00, s2;
	[dreg:$0x6] =	wrdreg s24  }
0x12: {  	v2 =	vlaneseq.u32;
	s7 =	smax.u32 s7, $0x1;
	s26 =	sadd.s32 $0x87A00, s2;
	[dreg:$0x7] =	wrdreg s25  }
0x13: {  	vm0 =	vmmov $0xffff;
	v1 =	vshrl.u32 v2, $0x3;
	s2 =	simm.s32 $0x4080;
	[dreg:$0x8] =	wrdreg s26;
	s26 =	simm.s32 $0x80  }
0x14: {  	v0 =	vand.u32 $0x7, v2;
	v2 =	vor.u32 $0x8, v2;
	v1 =	vmul.u32 $0x8, v1;
	s23 =	simm.s32 $0x880;
	s24 =	simm.s32 $0x1080;
	s25 =	simm.s32 $0x8080  }
.LBB2_1:
0x15: {  	s22 =	rddreg [dreg:$0x4];
	s0 =	simm.s32 $0x5  }
0x16: {  	[tilespmem:s3], [sflag:$0x5] =	stream.linear.gather [hbm4b:s22+s3], $0x80, $0x38;
	[tilespmem:$0x10080] =	vst v63  }
0x17: {  	_ =	swait.ge [sflag:s0], $0x80  }
0x18: {  	[sflag:s0] =	ssyncset.done $0x0  }
0x19: {  	[sflag:s0] =	ssyncadd.s32 $0xFFFFFF80  }
0x1a: {  	v3 =	vld [tilespmem:$0x0];
	_ =	sdelay $0x4  }
0x1b: {  	v4 =	vshll.u32 v3, $0x3  }
0x1c: {  	v3 =	vand.u32 $0x7, v3;
	v4 =	vand.u32 $0xFFFFFFC0, v4  }
0x1d: {  	v3 =	vor.u32 v3, v4  }
0x1e: {  	v4 =	vperm.xlane v3, v0;
	_ =	sdelay $0x1  }
0x1f: {  	v4 =	vadd.s32 v1, v4;
	_ =	sdelay $0x4  }
0x20: {  	[tilespmem:s26], [sflag:$0x1] =	stream.indirect_vreg.gather [hbm4b:s1+s3], $0x80, v4, vm0, $0xb8;
	[tilespmem:$0x10080] =	vst v63  }
0x21: {  	v3 =	vperm.xlane v3, v2  }
0x22: {  	[tilespmem:s23], [sflag:$0x1] =	stream.indirect_vreg.gather [hbm4b:s4+s3], $0x80, v4, vm0, $0xb8;
	[tilespmem:$0x10080] =	vst v63  }
0x23: {  	v3 =	vadd.s32 v1, v3  }
0x24: {  	[tilespmem:s24], [sflag:$0x1] =	stream.indirect_vreg.gather [hbm4b:s5+s3], $0x80, v4, vm0, $0xb8;
	[tilespmem:$0x10080] =	vst v63  }
0x25: {  	_ = 	snop  }
0x26: {  	[tilespmem:s28], [sflag:$0x1] =	stream.indirect_vreg.gather [hbm4b:s6+s3], $0x80, v4, vm0, $0xb8;
	[tilespmem:$0x10080] =	vst v63  }
0x27: {  	_ = 	snop  }
0x28: {  	[tilespmem:s29], [sflag:$0x1] =	stream.indirect_vreg.gather [hbm4b:s1+s3], $0x80, v3, vm0, $0xb8;
	[tilespmem:$0x10080] =	vst v63  }
0x29: {  	_ = 	snop  }
0x2a: {  	[tilespmem:s30], [sflag:$0x1] =	stream.indirect_vreg.gather [hbm4b:s4+s3], $0x80, v3, vm0, $0xb8;
	[tilespmem:$0x10080] =	vst v63  }
0x2b: {  	_ = 	snop  }
0x2c: {  	[tilespmem:s31], [sflag:$0x1] =	stream.indirect_vreg.gather [hbm4b:s5+s3], $0x80, v3, vm0, $0xb8;
	[tilespmem:$0x10080] =	vst v63  }
0x2d: {  	_ = 	snop  }
0x2e: {  	[tilespmem:s8], [sflag:$0x1] =	stream.indirect_vreg.gather [hbm4b:s6+s3], $0x80, v3, vm0, $0xb8;
	[tilespmem:$0x10080] =	vst v63  }
0x2f: {  	v3 =	vld [tilespmem:$0x10];
	_ =	sdelay $0x4  }
0x30: {  	v57 =	vshll.u32 v3, $0x3  }
0x31: {  	v3 =	vand.u32 $0x7, v3;
	v4 =	vand.u32 $0xFFFFFFC0, v57  }
0x32: {  	v3 =	vor.u32 v3, v4  }
0x33: {  	v4 =	vperm.xlane v3, v0;
	_ =	sdelay $0x1  }
0x34: {  	v4 =	vadd.s32 v1, v4;
	_ =	sdelay $0x4  }
0x35: {  	[tilespmem:s2], [sflag:$0x1] =	stream.indirect_vreg.gather [hbm4b:s1+s3], $0x80, v4, vm0, $0xb8;
	[tilespmem:$0x10080] =	vst v63  }
0x36: {  	v3 =	vperm.xlane v3, v2  }
0x37: {  	[tilespmem:s10], [sflag:$0x1] =	stream.indirect_vreg.gather [hbm4b:s4+s3], $0x80, v4, vm0, $0xb8;
	[tilespmem:$0x10080] =	vst v63  }
0x38: {  	v3 =	vadd.s32 v1, v3  }
0x39: {  	[tilespmem:s11], [sflag:$0x1] =	stream.indirect_vreg.gather [hbm4b:s5+s3], $0x80, v4, vm0, $0xb8;
	[tilespmem:$0x10080] =	vst v63  }
0x3a: {  	_ = 	snop  }
0x3b: {  	[tilespmem:s12], [sflag:$0x1] =	stream.indirect_vreg.gather [hbm4b:s6+s3], $0x80, v4, vm0, $0xb8;
	[tilespmem:$0x10080] =	vst v63  }
0x3c: {  	_ = 	snop  }
0x3d: {  	[tilespmem:s13], [sflag:$0x1] =	stream.indirect_vreg.gather [hbm4b:s1+s3], $0x80, v3, vm0, $0xb8;
	[tilespmem:$0x10080] =	vst v63  }
0x3e: {  	_ = 	snop  }
0x3f: {  	[tilespmem:s14], [sflag:$0x1] =	stream.indirect_vreg.gather [hbm4b:s4+s3], $0x80, v3, vm0, $0xb8;
	[tilespmem:$0x10080] =	vst v63  }
0x40: {  	_ = 	snop  }
0x41: {  	[tilespmem:s15], [sflag:$0x1] =	stream.indirect_vreg.gather [hbm4b:s5+s3], $0x80, v3, vm0, $0xb8;
	[tilespmem:$0x10080] =	vst v63  }
0x42: {  	s0 =	simm.s32 $0x1  }
0x43: {  	[tilespmem:s16], [sflag:$0x1] =	stream.indirect_vreg.gather [hbm4b:s6+s3], $0x80, v3, vm0, $0xb8;
	[tilespmem:$0x10080] =	vst v63  }
0x44: {  	_ =	swait.ge [sflag:s0], $0x8000  }
0x45: {  	[sflag:s0] =	ssyncset.done $0x0  }
0x46: {  	s9 =	rddreg [dreg:$0x5];
	[sflag:s0] =	ssyncadd.s32 $0xFFFF8000  }
0x47: {  	[hbm4b:s9+s3] =	stream.linear.scatter [tilespmem:s26], [sflag:$0x3], $0x8000, $0x38;
	[tilespmem:$0x10080] =	vst v63  }
0x48: {  	v3 =	vld [tilespmem:$0x20];
	_ =	sdelay $0x4  }
0x49: {  	v58 =	vshll.u32 v3, $0x3  }
0x4a: {  	v3 =	vand.u32 $0x7, v3;
	v4 =	vand.u32 $0xFFFFFFC0, v58  }
0x4b: {  	v3 =	vor.u32 v3, v4  }
0x4c: {  	v4 =	vperm.xlane v3, v0;
	_ =	sdelay $0x1  }
0x4d: {  	v4 =	vadd.s32 v1, v4;
	_ =	sdelay $0x4  }
0x4e: {  	[tilespmem:s25], [sflag:$0x2] =	stream.indirect_vreg.gather [hbm4b:s1+s3], $0x80, v4, vm0, $0xb8;
	[tilespmem:$0x10080] =	vst v63  }
0x4f: {  	v3 =	vperm.xlane v3, v2  }
0x50: {  	[tilespmem:s17], [sflag:$0x2] =	stream.indirect_vreg.gather [hbm4b:s4+s3], $0x80, v4, vm0, $0xb8;
	[tilespmem:$0x10080] =	vst v63  }
0x51: {  	v3 =	vadd.s32 v1, v3  }
0x52: {  	[tilespmem:s18], [sflag:$0x2] =	stream.indirect_vreg.gather [hbm4b:s5+s3], $0x80, v4, vm0, $0xb8;
	[tilespmem:$0x10080] =	vst v63  }
0x53: {  	s9 =	simm.s32 $0x9880  }
0x54: {  	[tilespmem:s9], [sflag:$0x2] =	stream.indirect_vreg.gather [hbm4b:s6+s3], $0x80, v4, vm0, $0xb8;
	[tilespmem:$0x10080] =	vst v63  }
0x55: {  	_ = 	snop  }
0x56: {  	[tilespmem:s20], [sflag:$0x2] =	stream.indirect_vreg.gather [hbm4b:s1+s3], $0x80, v3, vm0, $0xb8;
	[tilespmem:$0x10080] =	vst v63  }
0x57: {  	s9 =	simm.s32 $0xA880  }
0x58: {  	[tilespmem:s9], [sflag:$0x2] =	stream.indirect_vreg.gather [hbm4b:s4+s3], $0x80, v3, vm0, $0xb8;
	[tilespmem:$0x10080] =	vst v63  }
0x59: {  	s22 =	simm.s32 $0xB080  }
0x5a: {  	[tilespmem:s22], [sflag:$0x2] =	stream.indirect_vreg.gather [hbm4b:s5+s3], $0x80, v3, vm0, $0xb8;
	[tilespmem:$0x10080] =	vst v63  }
0x5b: {  	s22 =	simm.s32 $0xB880  }
0x5c: {  	[tilespmem:s22], [sflag:$0x2] =	stream.indirect_vreg.gather [hbm4b:s6+s3], $0x80, v3, vm0, $0xb8;
	[tilespmem:$0x10080] =	vst v63  }
0x5d: {  	v3 =	vld [tilespmem:$0x30];
	_ =	sdelay $0x4  }
0x5e: {  	v59 =	vshll.u32 v3, $0x3  }
0x5f: {  	v3 =	vand.u32 $0x7, v3;
	v4 =	vand.u32 $0xFFFFFFC0, v59  }
0x60: {  	v3 =	vor.u32 v3, v4  }
0x61: {  	v4 =	vperm.xlane v3, v0;
	_ =	sdelay $0x1  }
0x62: {  	v4 =	vadd.s32 v1, v4;
	_ =	sdelay $0x3  }
0x63: {  	s22 =	simm.s32 $0xC080  }
0x64: {  	[tilespmem:s22], [sflag:$0x2] =	stream.indirect_vreg.gather [hbm4b:s1+s3], $0x80, v4, vm0, $0xb8;
	[tilespmem:$0x10080] =	vst v63  }
0x65: {  	v3 =	vperm.xlane v3, v2;
	s22 =	simm.s32 $0xC880  }
0x66: {  	[tilespmem:s22], [sflag:$0x2] =	stream.indirect_vreg.gather [hbm4b:s4+s3], $0x80, v4, vm0, $0xb8;
	[tilespmem:$0x10080] =	vst v63  }
0x67: {  	v3 =	vadd.s32 v1, v3;
	s22 =	simm.s32 $0xD080  }
0x68: {  	[tilespmem:s22], [sflag:$0x2] =	stream.indirect_vreg.gather [hbm4b:s5+s3], $0x80, v4, vm0, $0xb8;
	[tilespmem:$0x10080] =	vst v63  }
0x69: {  	s22 =	simm.s32 $0xD880  }
0x6a: {  	[tilespmem:s22], [sflag:$0x2] =	stream.indirect_vreg.gather [hbm4b:s6+s3], $0x80, v4, vm0, $0xb8;
	[tilespmem:$0x10080] =	vst v63  }
0x6b: {  	s22 =	simm.s32 $0xE080  }
0x6c: {  	[tilespmem:s22], [sflag:$0x2] =	stream.indirect_vreg.gather [hbm4b:s1+s3], $0x80, v3, vm0, $0xb8;
	[tilespmem:$0x10080] =	vst v63  }
0x6d: {  	s22 =	simm.s32 $0xE880  }
0x6e: {  	[tilespmem:s22], [sflag:$0x2] =	stream.indirect_vreg.gather [hbm4b:s4+s3], $0x80, v3, vm0, $0xb8;
	[tilespmem:$0x10080] =	vst v63  }
0x6f: {  	s22 =	simm.s32 $0xF080  }
0x70: {  	[tilespmem:s22], [sflag:$0x2] =	stream.indirect_vreg.gather [hbm4b:s5+s3], $0x80, v3, vm0, $0xb8;
	[tilespmem:$0x10080] =	vst v63  }
0x71: {  	s22 =	simm.s32 $0xF880  }
0x72: {  	[tilespmem:s22], [sflag:$0x2] =	stream.indirect_vreg.gather [hbm4b:s6+s3], $0x80, v3, vm0, $0xb8;
	[tilespmem:$0x10080] =	vst v63  }
0x73: {  	_ =	swait.ge [sflag:s19], $0x8000  }
0x74: {  	[sflag:s19] =	ssyncset.done $0x0  }
0x75: {  	s22 =	rddreg [dreg:$0x6];
	[sflag:s19] =	ssyncadd.s32 $0xFFFF8000  }
0x76: {  	[hbm4b:s22+s3] =	stream.linear.scatter [tilespmem:s25], [sflag:$0x4], $0x8000, $0x38;
	[tilespmem:$0x10080] =	vst v63  }
0x77: {  	s22 =	simm.s32 $0x3  }
0x78: {  	_ =	swait.ge [sflag:s22], $0x8000  }
0x79: {  	[sflag:s22] =	ssyncset.done $0x0  }
0x7a: {  	[sflag:s22] =	ssyncadd.s32 $0xFFFF8000  }
0x7b: {  	v3 =	vld [tilespmem:$0x40];
	_ =	sdelay $0x4  }
0x7c: {  	v60 =	vshll.u32 v3, $0x3  }
0x7d: {  	v3 =	vand.u32 $0x7, v3;
	v4 =	vand.u32 $0xFFFFFFC0, v60  }
0x7e: {  	v3 =	vor.u32 v3, v4  }
0x7f: {  	v4 =	vperm.xlane v3, v0;
	_ =	sdelay $0x1  }
0x80: {  	v4 =	vadd.s32 v1, v4;
	_ =	sdelay $0x4  }
0x81: {  	[tilespmem:s26], [sflag:$0x1] =	stream.indirect_vreg.gather [hbm4b:s1+s3], $0x80, v4, vm0, $0xb8;
	[tilespmem:$0x10080] =	vst v63  }
0x82: {  	v3 =	vperm.xlane v3, v2  }
0x83: {  	[tilespmem:s23], [sflag:$0x1] =	stream.indirect_vreg.gather [hbm4b:s4+s3], $0x80, v4, vm0, $0xb8;
	[tilespmem:$0x10080] =	vst v63  }
0x84: {  	v3 =	vadd.s32 v1, v3  }
0x85: {  	[tilespmem:s24], [sflag:$0x1] =	stream.indirect_vreg.gather [hbm4b:s5+s3], $0x80, v4, vm0, $0xb8;
	[tilespmem:$0x10080] =	vst v63  }
0x86: {  	_ = 	snop  }
0x87: {  	[tilespmem:s28], [sflag:$0x1] =	stream.indirect_vreg.gather [hbm4b:s6+s3], $0x80, v4, vm0, $0xb8;
	[tilespmem:$0x10080] =	vst v63  }
0x88: {  	_ = 	snop  }
0x89: {  	[tilespmem:s29], [sflag:$0x1] =	stream.indirect_vreg.gather [hbm4b:s1+s3], $0x80, v3, vm0, $0xb8;
	[tilespmem:$0x10080] =	vst v63  }
0x8a: {  	_ = 	snop  }
0x8b: {  	[tilespmem:s30], [sflag:$0x1] =	stream.indirect_vreg.gather [hbm4b:s4+s3], $0x80, v3, vm0, $0xb8;
	[tilespmem:$0x10080] =	vst v63  }
0x8c: {  	_ = 	snop  }
0x8d: {  	[tilespmem:s31], [sflag:$0x1] =	stream.indirect_vreg.gather [hbm4b:s5+s3], $0x80, v3, vm0, $0xb8;
	[tilespmem:$0x10080] =	vst v63  }
0x8e: {  	_ = 	snop  }
0x8f: {  	[tilespmem:s8], [sflag:$0x1] =	stream.indirect_vreg.gather [hbm4b:s6+s3], $0x80, v3, vm0, $0xb8;
	[tilespmem:$0x10080] =	vst v63  }
0x90: {  	v3 =	vld [tilespmem:$0x50];
	_ =	sdelay $0x4  }
0x91: {  	v61 =	vshll.u32 v3, $0x3  }
0x92: {  	v3 =	vand.u32 $0x7, v3;
	v4 =	vand.u32 $0xFFFFFFC0, v61  }
0x93: {  	v3 =	vor.u32 v3, v4  }
0x94: {  	v4 =	vperm.xlane v3, v0;
	_ =	sdelay $0x1  }
0x95: {  	v4 =	vadd.s32 v1, v4;
	_ =	sdelay $0x4  }
0x96: {  	[tilespmem:s2], [sflag:$0x1] =	stream.indirect_vreg.gather [hbm4b:s1+s3], $0x80, v4, vm0, $0xb8;
	[tilespmem:$0x10080] =	vst v63  }
0x97: {  	v3 =	vperm.xlane v3, v2  }
0x98: {  	[tilespmem:s10], [sflag:$0x1] =	stream.indirect_vreg.gather [hbm4b:s4+s3], $0x80, v4, vm0, $0xb8;
	[tilespmem:$0x10080] =	vst v63  }
0x99: {  	v3 =	vadd.s32 v1, v3  }
0x9a: {  	[tilespmem:s11], [sflag:$0x1] =	stream.indirect_vreg.gather [hbm4b:s5+s3], $0x80, v4, vm0, $0xb8;
	[tilespmem:$0x10080] =	vst v63  }
0x9b: {  	_ = 	snop  }
0x9c: {  	[tilespmem:s12], [sflag:$0x1] =	stream.indirect_vreg.gather [hbm4b:s6+s3], $0x80, v4, vm0, $0xb8;
	[tilespmem:$0x10080] =	vst v63  }
0x9d: {  	_ = 	snop  }
0x9e: {  	[tilespmem:s13], [sflag:$0x1] =	stream.indirect_vreg.gather [hbm4b:s1+s3], $0x80, v3, vm0, $0xb8;
	[tilespmem:$0x10080] =	vst v63  }
0x9f: {  	_ = 	snop  }
0xa0: {  	[tilespmem:s14], [sflag:$0x1] =	stream.indirect_vreg.gather [hbm4b:s4+s3], $0x80, v3, vm0, $0xb8;
	[tilespmem:$0x10080] =	vst v63  }
0xa1: {  	_ = 	snop  }
0xa2: {  	[tilespmem:s15], [sflag:$0x1] =	stream.indirect_vreg.gather [hbm4b:s5+s3], $0x80, v3, vm0, $0xb8;
	[tilespmem:$0x10080] =	vst v63  }
0xa3: {  	_ = 	snop  }
0xa4: {  	[tilespmem:s16], [sflag:$0x1] =	stream.indirect_vreg.gather [hbm4b:s6+s3], $0x80, v3, vm0, $0xb8;
	[tilespmem:$0x10080] =	vst v63  }
0xa5: {  	_ =	swait.ge [sflag:s0], $0x8000  }
0xa6: {  	[sflag:s0] =	ssyncset.done $0x0  }
0xa7: {  	s22 =	rddreg [dreg:$0x7];
	[sflag:s0] =	ssyncadd.s32 $0xFFFF8000  }
0xa8: {  	[hbm4b:s22+s3] =	stream.linear.scatter [tilespmem:s26], [sflag:$0x3], $0x8000, $0x38;
	[tilespmem:$0x10080] =	vst v63  }
0xa9: {  	_ =	swait.ge [sflag:s21], $0x8000  }
0xaa: {  	[sflag:s21] =	ssyncset.done $0x0  }
0xab: {  	[sflag:s21] =	ssyncadd.s32 $0xFFFF8000  }
0xac: {  	v3 =	vld [tilespmem:$0x60];
	_ =	sdelay $0x4  }
0xad: {  	v62 =	vshll.u32 v3, $0x3  }
0xae: {  	v3 =	vand.u32 $0x7, v3;
	v4 =	vand.u32 $0xFFFFFFC0, v62  }
0xaf: {  	v3 =	vor.u32 v3, v4  }
0xb0: {  	v4 =	vperm.xlane v3, v0;
	_ =	sdelay $0x1  }
0xb1: {  	v4 =	vadd.s32 v1, v4;
	_ =	sdelay $0x4  }
0xb2: {  	[tilespmem:s25], [sflag:$0x2] =	stream.indirect_vreg.gather [hbm4b:s1+s3], $0x80, v4, vm0, $0xb8;
	[tilespmem:$0x10080] =	vst v63  }
0xb3: {  	v3 =	vperm.xlane v3, v2  }
0xb4: {  	[tilespmem:s17], [sflag:$0x2] =	stream.indirect_vreg.gather [hbm4b:s4+s3], $0x80, v4, vm0, $0xb8;
	[tilespmem:$0x10080] =	vst v63  }
0xb5: {  	v3 =	vadd.s32 v1, v3  }
0xb6: {  	[tilespmem:s18], [sflag:$0x2] =	stream.indirect_vreg.gather [hbm4b:s5+s3], $0x80, v4, vm0, $0xb8;
	[tilespmem:$0x10080] =	vst v63  }
0xb7: {  	s22 =	simm.s32 $0x9880  }
0xb8: {  	[tilespmem:s22], [sflag:$0x2] =	stream.indirect_vreg.gather [hbm4b:s6+s3], $0x80, v4, vm0, $0xb8;
	[tilespmem:$0x10080] =	vst v63  }
0xb9: {  	_ = 	snop  }
0xba: {  	[tilespmem:s20], [sflag:$0x2] =	stream.indirect_vreg.gather [hbm4b:s1+s3], $0x80, v3, vm0, $0xb8;
	[tilespmem:$0x10080] =	vst v63  }
0xbb: {  	_ = 	snop  }
0xbc: {  	[tilespmem:s9], [sflag:$0x2] =	stream.indirect_vreg.gather [hbm4b:s4+s3], $0x80, v3, vm0, $0xb8;
	[tilespmem:$0x10080] =	vst v63  }
0xbd: {  	s9 =	simm.s32 $0xB080  }
0xbe: {  	[tilespmem:s9], [sflag:$0x2] =	stream.indirect_vreg.gather [hbm4b:s5+s3], $0x80, v3, vm0, $0xb8;
	[tilespmem:$0x10080] =	vst v63  }
0xbf: {  	s22 =	simm.s32 $0xB880  }
0xc0: {  	[tilespmem:s22], [sflag:$0x2] =	stream.indirect_vreg.gather [hbm4b:s6+s3], $0x80, v3, vm0, $0xb8;
	[tilespmem:$0x10080] =	vst v63  }
0xc1: {  	v3 =	vld [tilespmem:$0x70];
	_ =	sdelay $0x4  }
0xc2: {  	v63 =	vshll.u32 v3, $0x3  }
0xc3: {  	v3 =	vand.u32 $0x7, v3;
	v4 =	vand.u32 $0xFFFFFFC0, v63  }
0xc4: {  	v3 =	vor.u32 v3, v4  }
0xc5: {  	v4 =	vperm.xlane v3, v0;
	_ =	sdelay $0x1  }
0xc6: {  	v4 =	vadd.s32 v1, v4;
	_ =	sdelay $0x3  }
0xc7: {  	s9 =	simm.s32 $0xC080  }
0xc8: {  	[tilespmem:s9], [sflag:$0x2] =	stream.indirect_vreg.gather [hbm4b:s1+s3], $0x80, v4, vm0, $0xb8;
	[tilespmem:$0x10080] =	vst v63  }
0xc9: {  	s22 =	simm.s32 $0xC880;
	v3 =	vperm.xlane v3, v2  }
0xca: {  	[tilespmem:s22], [sflag:$0x2] =	stream.indirect_vreg.gather [hbm4b:s4+s3], $0x80, v4, vm0, $0xb8;
	[tilespmem:$0x10080] =	vst v63  }
0xcb: {  	v3 =	vadd.s32 v1, v3;
	s9 =	simm.s32 $0xD080  }
0xcc: {  	[tilespmem:s9], [sflag:$0x2] =	stream.indirect_vreg.gather [hbm4b:s5+s3], $0x80, v4, vm0, $0xb8;
	[tilespmem:$0x10080] =	vst v63  }
0xcd: {  	s22 =	simm.s32 $0xD880  }
0xce: {  	[tilespmem:s22], [sflag:$0x2] =	stream.indirect_vreg.gather [hbm4b:s6+s3], $0x80, v4, vm0, $0xb8;
	[tilespmem:$0x10080] =	vst v63  }
0xcf: {  	s9 =	simm.s32 $0xE080  }
0xd0: {  	[tilespmem:s9], [sflag:$0x2] =	stream.indirect_vreg.gather [hbm4b:s1+s3], $0x80, v3, vm0, $0xb8;
	[tilespmem:$0x10080] =	vst v63  }
0xd1: {  	s22 =	simm.s32 $0xE880  }
0xd2: {  	[tilespmem:s22], [sflag:$0x2] =	stream.indirect_vreg.gather [hbm4b:s4+s3], $0x80, v3, vm0, $0xb8;
	[tilespmem:$0x10080] =	vst v63  }
0xd3: {  	s9 =	simm.s32 $0xF080  }
0xd4: {  	[tilespmem:s9], [sflag:$0x2] =	stream.indirect_vreg.gather [hbm4b:s5+s3], $0x80, v3, vm0, $0xb8;
	[tilespmem:$0x10080] =	vst v63  }
0xd5: {  	s22 =	simm.s32 $0xF880  }
0xd6: {  	[tilespmem:s22], [sflag:$0x2] =	stream.indirect_vreg.gather [hbm4b:s6+s3], $0x80, v3, vm0, $0xb8;
	[tilespmem:$0x10080] =	vst v63  }
0xd7: {  	_ =	swait.ge [sflag:s19], $0x8000  }
0xd8: {  	p0 =	sne.s32 s7, $0x1;
	[sflag:s19] =	ssyncset.done $0x0  }
.Ltmp0:
0xd9: {  	s9 =	rddreg [dreg:$0x8];
	[sflag:s19] =	ssyncadd.s32 $0xFFFF8000;
	(pc) =	sbr.rel @p0 .LBB2_1-.Ltmp0, $4  }
0xda: {  	[hbm4b:s9+s3] =	stream.linear.scatter [tilespmem:s25], [sflag:$0x4], $0x8000, $0x38;
	[tilespmem:$0x10080] =	vst v63  }
0xdb: {  	_ =	swait.ge [sflag:s21], $0x8000  }
0xdc: {  	[sflag:s21] =	ssyncset.done $0x0  }
0xdd: {  	s7 =	sadd.s32 $0xFFFFFFFF, s7;
	[sflag:s21] =	ssyncadd.s32 $0xFFFF8000  }
0xde: {  	_ =	sfence.sel $0x180000  }
0xdf: {  	[bflag:$0x0] =	sbarrier.arrive $0xFFFF  }
0xe0: {  	_ =	strace $0x9000004A  }
0xe1: {  	s0 =	stileid.u32;
	[bflag:$0x2] =	sbarrier.arrive $0xFFFF  }
0xe2: {  	p0 =	sne.s32 s0, $0x0;
	s0 =	rddreg [dreg:$0x3]  }
0xe3: {  	s0 =	sadd.s32 @!p0 $0x100000, s0  }
0xe4: {  	[sflag:s0] =	ssyncadd.tile.s32 @!p0 $0x1;
	_ =	shalt  }
.Lfunc_end2:
_tile_overlayer_lowered:
.L_overlay_start_2:
0xe5: {  	(tag) =	ssettag $0x2  }
0xe6: {  	s0 =	rddreg [dreg:$0x0];
	s2 =	stileid.u32  }
0xe7: {  	s1 =	rddreg [dreg:$0x1];
	p0 =	sne.s32 s2, $0x0  }
0xe8: {  	s3 =	rddreg [dreg:$0x2];
	[bflag:$0x3] =	sbarrier.arrive $0xFFFF;
	s2 =	simm.s32 @!p0 $0x1C05  }
0xe9: {  	[timem:s3], [sflag:s2] =	dma.local @!p0 [hbm:s0], s1  }
0xea: {  	s0 =	simm.s32 @!p0 $0x5  }
0xeb: {  	_ =	swait.ge @!p0 [sflag:s0], s1  }
0xec: {  	s1 =	ssub.s32 @!p0 $0x0, s1;
	[sflag:s0] =	ssyncset.done @!p0 $0x0  }
0xed: {  	[sflag:s0] =	ssyncadd.s32 @!p0 s1  }
0xee: {  	[bflag:$0x3] =	sbarrier.arrive $0xFFFF  }
0xef: {  	_ =	shalt  }

// kernel: kernel.13.cloned.1.call-start
scs
__scs_entry_jumppad:
0x0: {  	(pc) =	sbr.rel $0x88, $3  }
0x1: {  	(tag) =	ssettag $0x0;
	lr =	simm.s32 $0x1  }
0x2: {  	[smem:$0x3F9A] =	sst lr;
	_ =	strace $0xD0000000  }
0x3: {  	_ = 	snop  }
0x4: {  	_ = 	snop  }
0x5: {  	_ = 	snop  }
0x6: {  	_ = 	snop  }
0x7: {  	_ = 	snop  }
__scs_overlays_trampoline_lowered:
0x8: {  	[smem:$0x3FA9] =	sst s0  }
0x9: {  	[smem:$0x3FAA] =	sst s1  }
0xa: {  	[smem:$0x3FAB] =	sst s2  }
0xb: {  	[smem:$0x3FAC] =	sst s3  }
0xc: {  	[smem:$0x3FAD] =	sst s4  }
0xd: {  	[smem:$0x3FAE] =	sst s5  }
0xe: {  	[smem:$0x3FAF] =	sst s6  }
0xf: {  	[smem:$0x3FB0] =	sst s7  }
0x10: {  	[smem:$0x3FB1] =	sst s8  }
0x11: {  	[smem:$0x3FB2] =	sst s9;
	s0 =	simm.s32 @!p0 $0x0  }
0x12: {  	s1 =	sld [smem:$0x3F98];
	s0 =	simm.s32 @p0 $0x1  }
0x13: {  	[smem:$0x3FB3] =	sst s0;
	s0 =	simm.s32 @!p1 $0x0  }
0x14: {  	s2 =	sld [smem:$0x3F97];
	s0 =	simm.s32 @p1 $0x1  }
0x15: {  	[smem:$0x3FB4] =	sst s0;
	s0 =	simm.s32 @!p2 $0x0  }
0x16: {  	s3 =	sld [smem:$0x3FDB];
	s0 =	simm.s32 @p2 $0x1  }
0x17: {  	s4 =	simm.s32 $0x1BF5;
	[smem:$0x3FB6] =	sst s0  }
0x18: {  	s0 =	sld [smem:$0x3F99];
	_ =	swait.ge [sflag:s4], $0x0  }
0x19: {  	s7 =	sld [smem:$0x3F9A]  }
0x1a: {  	s8 =	sadd.s32 $0xFFFFE003, lr  }
0x1b: {  	s9 =	sadd.s32 $0xFFFFFEF7, lr;
	s5 =	simm.s32 $0xFFFFFFFF;
	p2 =	slt.u32 s8, $0xFFFFF086  }
0x1c: {  	p1 =	slt.u32 s9, $0xF7A;
	s5 =	simm.s32 @!p2 $0x0  }
0x1d: {  	s5 =	simm.s32 @p1 $0x1;
	p0 =	seq.s32 s7, s2  }
0x1e: {  	s7 =	smul.u32 @!p0 $0xF7A, s2;
	p2 =	seq.s32 @!p0 s5, $0x0  }
0x1f: {  	s9 =	smul.u32 $0xF7A, s1;
	s8 =	simm.s32 @!p0 $0x1BF5;
	p2 =	por !p2, p0  }
0x20: {  	[sflag:s8] =	ssyncset.s32 @!p0 $0xFFFFF086;
	s6 =	sadd.s32 @!p0 s3, s7;
	s7 =	simm.s32 @!p0 $0x108  }
0x21: {  	s3 =	sadd.s32 s3, s9;
	s6 =	sadd.s32 @!p0 $0x88, s6;
	s7 =	simm.s32 @p2 $0x1082  }
0x22: {  	[simem:s7], [sflag:s8] =	dma.local @!p0 [hbm:s6], $0xF7A  }
0x23: {  	s9 =	sor.u32 $0xD0000000, s2;
	s6 =	simm.s32 $0x108;
	_ =	swait.ge @!p0 [sflag:s8], $0x0  }
0x24: {  	s3 =	sadd.s32 $0x88, s3;
	s6 =	simm.s32 @!p1 $0x1082;
	[sflag:s4] =	ssyncset.s32 $0xFFFFF086  }
0x25: {  	[simem:s6], [sflag:s4] =	dma.local [hbm:s3], $0xF7A  }
0x26: {  	[smem:$0x3F9A] =	sst s1;
	(tag) =	ssettag s2;
	_ =	strace s9  }
0x27: {  	s1 =	sld [smem:$0x3FAA]  }
0x28: {  	s2 =	sld [smem:$0x3FAB]  }
0x29: {  	s4 =	sld [smem:$0x3FAD]  }
0x2a: {  	p0 =	seq.s32 s5, $0x0;
	s5 =	sld [smem:$0x3FAE]  }
0x2b: {  	s6 =	sld [smem:$0x3FAF]  }
0x2c: {  	s7 =	sld [smem:$0x3FB0]  }
0x2d: {  	s3 =	simm.s32 $0x108;
	s8 =	sld [smem:$0x3FB1]  }
0x2e: {  	s3 =	simm.s32 @!p0 $0x1082;
	s9 =	sld [smem:$0x3FB2]  }
0x2f: {  	lr =	sadd.s32 s0, s3;
	s0 =	sld [smem:$0x3FA9]  }
0x30: {  	s3 =	sld [smem:$0x3FAC]  }
0x31: {  	[smem:$0x3FB5] =	sst s10  }
0x32: {  	s10 =	sld [smem:$0x3FB3];
	_ =	sdelay $0x3  }
0x33: {  	p0 =	seq.s32 s10, $0x1;
	s10 =	sld [smem:$0x3FB5];
	_ =	sdelay $0x3  }
0x34: {  	[smem:$0x3FB5] =	sst s10  }
0x35: {  	s10 =	sld [smem:$0x3FB4];
	_ =	sdelay $0x3  }
0x36: {  	p1 =	seq.s32 s10, $0x1;
	s10 =	sld [smem:$0x3FB5];
	_ =	sdelay $0x3  }
0x37: {  	[smem:$0x3FB5] =	sst s10  }
0x38: {  	s10 =	sld [smem:$0x3FB6]  }
0x39: {  	_ = 	snop;
	(pc) =	sbr.ind lr, $3  }
0x3a: {  	_ = 	snop  }
0x3b: {  	_ = 	snop  }
0x3c: {  	p2 =	seq.s32 s10, $0x1;
	s10 =	sld [smem:$0x3FB5]  }
0x3d: {  	_ =	shalt  }
0x3e: {  	_ =	shalt  }
0x3f: {  	_ =	shalt  }
0x40: {  	_ =	shalt  }
0x41: {  	_ =	shalt  }
0x42: {  	_ =	shalt  }
0x43: {  	_ =	shalt  }
0x44: {  	_ =	shalt  }
0x45: {  	_ =	shalt  }
0x46: {  	_ =	shalt  }
0x47: {  	_ =	shalt  }
0x48: {  	_ =	shalt  }
0x49: {  	_ =	shalt  }
0x4a: {  	_ =	shalt  }
0x4b: {  	_ =	shalt  }
0x4c: {  	_ =	shalt  }
0x4d: {  	_ =	shalt  }
0x4e: {  	_ =	shalt  }
0x4f: {  	_ =	shalt  }
0x50: {  	_ =	shalt  }
0x51: {  	_ =	shalt  }
0x52: {  	_ =	shalt  }
0x53: {  	_ =	shalt  }
0x54: {  	_ =	shalt  }
0x55: {  	_ =	shalt  }
0x56: {  	_ =	shalt  }
0x57: {  	_ =	shalt  }
0x58: {  	_ =	shalt  }
0x59: {  	_ =	shalt  }
0x5a: {  	_ =	shalt  }
0x5b: {  	_ =	shalt  }
0x5c: {  	_ =	shalt  }
0x5d: {  	_ =	shalt  }
0x5e: {  	_ =	shalt  }
0x5f: {  	_ =	shalt  }
0x60: {  	_ =	shalt  }
0x61: {  	_ =	shalt  }
0x62: {  	_ =	shalt  }
0x63: {  	_ =	shalt  }
0x64: {  	_ =	shalt  }
0x65: {  	_ =	shalt  }
0x66: {  	_ =	shalt  }
0x67: {  	_ =	shalt  }
0x68: {  	_ =	shalt  }
0x69: {  	_ =	shalt  }
0x6a: {  	_ =	shalt  }
0x6b: {  	_ =	shalt  }
0x6c: {  	_ =	shalt  }
0x6d: {  	_ =	shalt  }
0x6e: {  	_ =	shalt  }
0x6f: {  	_ =	shalt  }
0x70: {  	_ =	shalt  }
0x71: {  	_ =	shalt  }
0x72: {  	_ =	shalt  }
0x73: {  	_ =	shalt  }
0x74: {  	_ =	shalt  }
0x75: {  	_ =	shalt  }
0x76: {  	_ =	shalt  }
0x77: {  	_ =	shalt  }
0x78: {  	_ =	shalt  }
0x79: {  	_ =	shalt  }
0x7a: {  	_ =	shalt  }
0x7b: {  	_ =	shalt  }
0x7c: {  	_ =	shalt  }
0x7d: {  	_ =	shalt  }
0x7e: {  	_ =	shalt  }
0x7f: {  	_ =	shalt  }
0x80: {  	_ =	shalt  }
0x81: {  	_ =	shalt  }
0x82: {  	_ =	shalt  }
0x83: {  	_ =	shalt  }
0x84: {  	_ =	shalt  }
0x85: {  	_ =	shalt  }
0x86: {  	_ =	shalt  }
0x87: {  	_ =	shalt  }
.Lfunc_end0:
.L_simem_size_0:
called_computation.1_lowered:
.L_overlay_start_0:
0x88: {  	s2 =	sld [smem:$0x3FD9]  }
0x89: {  	s3 =	sld [smem:$0x3FFE];
	_ =	sdelay $0x1  }
0x8a: {  	s1 =	srdreg.scid  }
0x8b: {  	s0 =	sand.u32 $0x1, s1  }
0x8c: {  	s17 =	sshll.u32 s0, $0xA;
	s2 =	sadd.s32 s3, s2  }
0x8d: {  	s2 =	sadd.s32 s2, s17  }
0x8e: {  	[smem:$0x3FC1] =	sst s2  }
0x8f: {  	_ = 	snop  }
0x90: {  	s2 =	sld [smem:$0x3FC8];
	(tm) =	ssettm $0x1  }
0x91: {  	s18 =	sld [smem:$0x3FFB];
	_ =	sdelay $0x3  }
0x92: {  	_ =	strace s18  }
0x93: {  	s3 =	sld [smem:$0x3FFC];
	_ =	sdelay $0x3  }
0x94: {  	_ =	strace s3  }
0x95: {  	s3 =	sld [smem:$0x3FFD];
	_ =	sdelay $0x3  }
0x96: {  	_ =	strace s3  }
0x97: {  	_ =	strace $0x8FFFFFFF  }
0x98: {  	s19 =	sld [smem:$0x3FDB];
	_ =	sdelay $0x1  }
0x99: {  	s4 =	simm.s32 $_scs_section_size  }
0x9a: {  	s5 =	simm.s32 $_size__tile_overlayer_lowered;
	s6 =	simm.s32 $_tile_overlayer_lowered  }
0x9b: {  	s22 =	simm.s32 $0x1BFF;
	s21 =	sshll.u32 s6, $0x1;
	s3 =	sadd.s32 s4, s19  }
0x9c: {  	s7 =	simm.s32 $0x0;
	s20 =	sshll.u32 s5, $0x1;
	s5 =	sadd.s32 s21, s3  }
0x9d: {  	[timem:s7], [sflag:s22] =	dma.local [hbm:s5], s20  }
0x9e: {  	_ =	swait.ge [sflag:s22], s20  }
0x9f: {  	s4 =	ssub.s32 $0x0, s20;
	[sflag:s22] =	ssyncset.done $0x0  }
0xa0: {  	[sflag:s22] =	ssyncadd.s32 s4;
	_ =	sdelay $0x1  }
0xa1: {  	s23 =	simm.s32 $0x1B8B  }
0xa2: {  	_ =	swait.ge [sflag:s23], $0x1  }
0xa3: {  	[sflag:s23] =	ssyncset.done $0x0  }
0xa4: {  	s25 =	simm.s32 $0x1B8E;
	s24 =	sld [smem:$0x3FFE];
	[sflag:s23] =	ssyncadd.s32 $0xFFFFFFFF  }
0xa5: {  	s26 =	simm.s32 $execute0_lowered;
	[smem:$0x3FD2] =	sst s25  }
0xa6: {  	s5 =	sshll.u32 s26, $0x1;
	_ =	strace $0x80000046;
	[dreg:$0x1] =	wrdreg $0xFFFFFFFF  }
0xa7: {  	s28 =	simm.s32 $_size_execute0_lowered;
	s3 =	sadd.s32 s3, s5;
	[dreg:$0x0] =	wrdreg $0x0  }
0xa8: {  	s5 =	sshll.u32 s28, $0x1;
	[dreg:$0x2] =	wrdreg s3  }
0xa9: {  	[dreg:$0x3] =	wrdreg s5  }
0xaa: {  	[dreg:$0x4] =	wrdreg $0xC0  }
0xab: {  	_ =	task [dreg:s7], $0x5FFFF  }
0xac: {  	[dreg:$0x1] =	wrdreg $0xFFFFFFFF  }
0xad: {  	[dreg:$0x0] =	wrdreg $0x60  }
0xae: {  	[dreg:$0x2] =	wrdreg s24  }
0xaf: {  	[dreg:$0x3] =	wrdreg s2  }
0xb0: {  	[dreg:$0x4] =	wrdreg $0xA  }
0xb1: {  	_ =	task.clear_ibuf [dreg:s7], $0x5FFFF;
	_ =	strace $0x90000046  }
0xb2: {  	s29 =	simm.s32 $0xA;
	_ =	strace $0x80000048  }
0xb3: {  	_ =	swait.ge [sflag:s29], $0x1  }
0xb4: {  	[sflag:s29] =	ssyncadd.s32 $0xFFFFFFFF  }
0xb5: {  	_ =	strace $0x90000048  }
0xb6: {  	_ =	sfence  }
0xb7: {  	s30 =	sld [smem:$0x0];
	_ =	sdelay $0x2  }
0xb8: {  	s31 =	sshll.u32 s1, $0xD;
	s1 =	sshrl.u32 s1, $0x2  }
0xb9: {  	s3 =	sand.u32 $0x4000, s31;
	s1 =	sadd.s32 s1, s30  }
0xba: {  	s0 =	sor.u32 s3, s0;
	s1 =	sshll.u32 s1, $0x11  }
0xbb: {  	s0 =	sor.u32 s1, s0  }
0xbc: {  	s0 =	sadd.s32 $0x8F2B, s0  }
0xbd: {  	[sflag:s0] =	ssyncadd.remote.s32 $0x1  }
0xbe: {  	_ =	sfence.sel $0xFFFF  }
0xbf: {  	[dreg:$0x0] =	wrdreg $0xFFFFFFFF;
	(pc) =	sbr.abs _section_cstart, $3  }
0xc0: {  	[dreg:$0x1] =	wrdreg $0xFFFFFFFF  }
0xc1: {  	_ =	task.clear_ibuf [dreg:s7], $0x2FFFF;
	_ =	strace $0x9FFFFFFF  }
0xc2: {  	(tm) =	ssettm $0x7FFFFFFF  }
0xc3: {  	_ =	shalt  }
tec
execute0_lowered:
.L_overlay_start_1:
0x0: {  	(tag) =	ssettag $0x1  }
0x1: {  	s0 =	rddreg [dreg:$0x0]  }
0x2: {  	s2 =	rddreg [dreg:$0x1];
	s1 =	srdreg.scid  }
0x3: {  	s4 =	stileid.u32;
	s3 =	simm.s32 $0x0;
	s19 =	simm.s32 $0x2  }
0x4: {  	s21 =	simm.s32 $0x4;
	s23 =	simm.s32 $0x880;
	s24 =	simm.s32 $0x1080  }
0x5: {  	s28 =	simm.s32 $0x1880;
	s29 =	simm.s32 $0x2080;
	s30 =	simm.s32 $0x2880  }
0x6: {  	s31 =	simm.s32 $0x3080;
	s8 =	simm.s32 $0x3880;
	s10 =	simm.s32 $0x4880  }
0x7: {  	s11 =	simm.s32 $0x5080;
	s12 =	simm.s32 $0x5880;
	s13 =	simm.s32 $0x6080  }
0x8: {  	s14 =	simm.s32 $0x6880;
	s15 =	simm.s32 $0x7080;
	s1 =	sand.u32 $0x1, s1  }
0x9: {  	s16 =	simm.s32 $0x7880;
	s4 =	sshll.u32 s4, $0x8;
	s5 =	sshll.u32 s1, $0x7  }
0xa: {  	s17 =	simm.s32 $0x8880;
	s18 =	simm.s32 $0x9080;
	s4 =	sor.u32 s5, s4  }
0xb: {  	s20 =	simm.s32 $0xA080;
	[smem:$0x7FF] =	sst s3;
	s5 =	sshrl.u32 s4, $0x3  }
0xc: {  	_ =	strace $0x80000047;
	s4 =	sshll.u32 s4, $0x7;
	s5 =	sadd.s32 s5, s0  }
0xd: {  	s1 =	ssub.s32 $0x2, s1;
	s0 =	sadd.s32 s4, s0;
	s5 =	sadd.s32 $0x4800, s5  }
0xe: {  	s25 =	sshrl.u32 s1, $0x1;
	s26 =	sadd.s32 $0x4A00, s0;
	[dreg:$0x3] =	wrdreg s5  }
0xf: {  	s1 =	ssub.s32 s1, s25;
	s6 =	sadd.s32 $0x5A00, s0;
	[dreg:$0x4] =	wrdreg s26  }
0x10: {  	s25 =	simm.s32 $0x8080;
	s7 =	sadd.s32 $0x6A00, s0;
	[dreg:$0x5] =	wrdreg s6  }
0x11: {  	v2 =	vlaneseq.u32;
	s4 =	sadd.s32 $0x100, s2;
	s0 =	sadd.s32 $0x7A00, s0;
	[dreg:$0x6] =	wrdreg s7  }
0x12: {  	vm0 =	vmmov $0xffff;
	v1 =	vshrl.u32 v2, $0x3;
	s5 =	sadd.s32 $0x200, s2;
	s6 =	sadd.s32 $0x300, s2;
	[dreg:$0x7] =	wrdreg s0  }
0x13: {  	v0 =	vand.u32 $0x7, v2;
	v2 =	vor.u32 $0x8, v2;
	v1 =	vmul.u32 $0x8, v1;
	s7 =	smax.u32 s1, $0x1;
	s26 =	simm.s32 $0x80;
	s1 =	simm.s32 $0x4080  }
.LBB2_1:
0x14: {  	s22 =	rddreg [dreg:$0x3];
	s0 =	simm.s32 $0x5  }
0x15: {  	[tilespmem:s3], [sflag:$0x5] =	stream.linear.gather [hbm4b:s22+s3], $0x80, $0x38;
	[tilespmem:$0x10080] =	vst v63  }
0x16: {  	_ =	swait.ge [sflag:s0], $0x80  }
0x17: {  	[sflag:s0] =	ssyncset.done $0x0  }
0x18: {  	[sflag:s0] =	ssyncadd.s32 $0xFFFFFF80  }
0x19: {  	v3 =	vld [tilespmem:$0x0];
	_ =	sdelay $0x4  }
0x1a: {  	v4 =	vshll.u32 v3, $0x3  }
0x1b: {  	v3 =	vand.u32 $0x7, v3;
	v4 =	vand.u32 $0xFFFFFFC0, v4  }
0x1c: {  	v3 =	vor.u32 v3, v4  }
0x1d: {  	v4 =	vperm.xlane v3, v0;
	_ =	sdelay $0x1  }
0x1e: {  	v4 =	vadd.s32 v1, v4;
	_ =	sdelay $0x4  }
0x1f: {  	[tilespmem:s26], [sflag:$0x1] =	stream.indirect_vreg.gather [hbm4b:s2+s3], $0x80, v4, vm0, $0xb8;
	[tilespmem:$0x10080] =	vst v63  }
0x20: {  	v3 =	vperm.xlane v3, v2  }
0x21: {  	[tilespmem:s23], [sflag:$0x1] =	stream.indirect_vreg.gather [hbm4b:s4+s3], $0x80, v4, vm0, $0xb8;
	[tilespmem:$0x10080] =	vst v63  }
0x22: {  	v3 =	vadd.s32 v1, v3  }
0x23: {  	[tilespmem:s24], [sflag:$0x1] =	stream.indirect_vreg.gather [hbm4b:s5+s3], $0x80, v4, vm0, $0xb8;
	[tilespmem:$0x10080] =	vst v63  }
0x24: {  	_ = 	snop  }
0x25: {  	[tilespmem:s28], [sflag:$0x1] =	stream.indirect_vreg.gather [hbm4b:s6+s3], $0x80, v4, vm0, $0xb8;
	[tilespmem:$0x10080] =	vst v63  }
0x26: {  	_ = 	snop  }
0x27: {  	[tilespmem:s29], [sflag:$0x1] =	stream.indirect_vreg.gather [hbm4b:s2+s3], $0x80, v3, vm0, $0xb8;
	[tilespmem:$0x10080] =	vst v63  }
0x28: {  	_ = 	snop  }
0x29: {  	[tilespmem:s30], [sflag:$0x1] =	stream.indirect_vreg.gather [hbm4b:s4+s3], $0x80, v3, vm0, $0xb8;
	[tilespmem:$0x10080] =	vst v63  }
0x2a: {  	_ = 	snop  }
0x2b: {  	[tilespmem:s31], [sflag:$0x1] =	stream.indirect_vreg.gather [hbm4b:s5+s3], $0x80, v3, vm0, $0xb8;
	[tilespmem:$0x10080] =	vst v63  }
0x2c: {  	_ = 	snop  }
0x2d: {  	[tilespmem:s8], [sflag:$0x1] =	stream.indirect_vreg.gather [hbm4b:s6+s3], $0x80, v3, vm0, $0xb8;
	[tilespmem:$0x10080] =	vst v63  }
0x2e: {  	v3 =	vld [tilespmem:$0x10];
	_ =	sdelay $0x4  }
0x2f: {  	v57 =	vshll.u32 v3, $0x3  }
0x30: {  	v3 =	vand.u32 $0x7, v3;
	v4 =	vand.u32 $0xFFFFFFC0, v57  }
0x31: {  	v3 =	vor.u32 v3, v4  }
0x32: {  	v4 =	vperm.xlane v3, v0;
	_ =	sdelay $0x1  }
0x33: {  	v4 =	vadd.s32 v1, v4;
	_ =	sdelay $0x4  }
0x34: {  	[tilespmem:s1], [sflag:$0x1] =	stream.indirect_vreg.gather [hbm4b:s2+s3], $0x80, v4, vm0, $0xb8;
	[tilespmem:$0x10080] =	vst v63  }
0x35: {  	v3 =	vperm.xlane v3, v2  }
0x36: {  	[tilespmem:s10], [sflag:$0x1] =	stream.indirect_vreg.gather [hbm4b:s4+s3], $0x80, v4, vm0, $0xb8;
	[tilespmem:$0x10080] =	vst v63  }
0x37: {  	v3 =	vadd.s32 v1, v3  }
0x38: {  	[tilespmem:s11], [sflag:$0x1] =	stream.indirect_vreg.gather [hbm4b:s5+s3], $0x80, v4, vm0, $0xb8;
	[tilespmem:$0x10080] =	vst v63  }
0x39: {  	_ = 	snop  }
0x3a: {  	[tilespmem:s12], [sflag:$0x1] =	stream.indirect_vreg.gather [hbm4b:s6+s3], $0x80, v4, vm0, $0xb8;
	[tilespmem:$0x10080] =	vst v63  }
0x3b: {  	_ = 	snop  }
0x3c: {  	[tilespmem:s13], [sflag:$0x1] =	stream.indirect_vreg.gather [hbm4b:s2+s3], $0x80, v3, vm0, $0xb8;
	[tilespmem:$0x10080] =	vst v63  }
0x3d: {  	_ = 	snop  }
0x3e: {  	[tilespmem:s14], [sflag:$0x1] =	stream.indirect_vreg.gather [hbm4b:s4+s3], $0x80, v3, vm0, $0xb8;
	[tilespmem:$0x10080] =	vst v63  }
0x3f: {  	_ = 	snop  }
0x40: {  	[tilespmem:s15], [sflag:$0x1] =	stream.indirect_vreg.gather [hbm4b:s5+s3], $0x80, v3, vm0, $0xb8;
	[tilespmem:$0x10080] =	vst v63  }
0x41: {  	s0 =	simm.s32 $0x1  }
0x42: {  	[tilespmem:s16], [sflag:$0x1] =	stream.indirect_vreg.gather [hbm4b:s6+s3], $0x80, v3, vm0, $0xb8;
	[tilespmem:$0x10080] =	vst v63  }
0x43: {  	_ =	swait.ge [sflag:s0], $0x8000  }
0x44: {  	[sflag:s0] =	ssyncset.done $0x0  }
0x45: {  	s9 =	rddreg [dreg:$0x4];
	[sflag:s0] =	ssyncadd.s32 $0xFFFF8000  }
0x46: {  	[hbm4b:s9+s3] =	stream.linear.scatter [tilespmem:s26], [sflag:$0x3], $0x8000, $0x38;
	[tilespmem:$0x10080] =	vst v63  }
0x47: {  	v3 =	vld [tilespmem:$0x20];
	_ =	sdelay $0x4  }
0x48: {  	v58 =	vshll.u32 v3, $0x3  }
0x49: {  	v3 =	vand.u32 $0x7, v3;
	v4 =	vand.u32 $0xFFFFFFC0, v58  }
0x4a: {  	v3 =	vor.u32 v3, v4  }
0x4b: {  	v4 =	vperm.xlane v3, v0;
	_ =	sdelay $0x1  }
0x4c: {  	v4 =	vadd.s32 v1, v4;
	_ =	sdelay $0x4  }
0x4d: {  	[tilespmem:s25], [sflag:$0x2] =	stream.indirect_vreg.gather [hbm4b:s2+s3], $0x80, v4, vm0, $0xb8;
	[tilespmem:$0x10080] =	vst v63  }
0x4e: {  	v3 =	vperm.xlane v3, v2  }
0x4f: {  	[tilespmem:s17], [sflag:$0x2] =	stream.indirect_vreg.gather [hbm4b:s4+s3], $0x80, v4, vm0, $0xb8;
	[tilespmem:$0x10080] =	vst v63  }
0x50: {  	v3 =	vadd.s32 v1, v3  }
0x51: {  	[tilespmem:s18], [sflag:$0x2] =	stream.indirect_vreg.gather [hbm4b:s5+s3], $0x80, v4, vm0, $0xb8;
	[tilespmem:$0x10080] =	vst v63  }
0x52: {  	s9 =	simm.s32 $0x9880  }
0x53: {  	[tilespmem:s9], [sflag:$0x2] =	stream.indirect_vreg.gather [hbm4b:s6+s3], $0x80, v4, vm0, $0xb8;
	[tilespmem:$0x10080] =	vst v63  }
0x54: {  	_ = 	snop  }
0x55: {  	[tilespmem:s20], [sflag:$0x2] =	stream.indirect_vreg.gather [hbm4b:s2+s3], $0x80, v3, vm0, $0xb8;
	[tilespmem:$0x10080] =	vst v63  }
0x56: {  	s9 =	simm.s32 $0xA880  }
0x57: {  	[tilespmem:s9], [sflag:$0x2] =	stream.indirect_vreg.gather [hbm4b:s4+s3], $0x80, v3, vm0, $0xb8;
	[tilespmem:$0x10080] =	vst v63  }
0x58: {  	s22 =	simm.s32 $0xB080  }
0x59: {  	[tilespmem:s22], [sflag:$0x2] =	stream.indirect_vreg.gather [hbm4b:s5+s3], $0x80, v3, vm0, $0xb8;
	[tilespmem:$0x10080] =	vst v63  }
0x5a: {  	s22 =	simm.s32 $0xB880  }
0x5b: {  	[tilespmem:s22], [sflag:$0x2] =	stream.indirect_vreg.gather [hbm4b:s6+s3], $0x80, v3, vm0, $0xb8;
	[tilespmem:$0x10080] =	vst v63  }
0x5c: {  	v3 =	vld [tilespmem:$0x30];
	_ =	sdelay $0x4  }
0x5d: {  	v59 =	vshll.u32 v3, $0x3  }
0x5e: {  	v3 =	vand.u32 $0x7, v3;
	v4 =	vand.u32 $0xFFFFFFC0, v59  }
0x5f: {  	v3 =	vor.u32 v3, v4  }
0x60: {  	v4 =	vperm.xlane v3, v0;
	_ =	sdelay $0x1  }
0x61: {  	v4 =	vadd.s32 v1, v4;
	_ =	sdelay $0x3  }
0x62: {  	s22 =	simm.s32 $0xC080  }
0x63: {  	[tilespmem:s22], [sflag:$0x2] =	stream.indirect_vreg.gather [hbm4b:s2+s3], $0x80, v4, vm0, $0xb8;
	[tilespmem:$0x10080] =	vst v63  }
0x64: {  	v3 =	vperm.xlane v3, v2;
	s22 =	simm.s32 $0xC880  }
0x65: {  	[tilespmem:s22], [sflag:$0x2] =	stream.indirect_vreg.gather [hbm4b:s4+s3], $0x80, v4, vm0, $0xb8;
	[tilespmem:$0x10080] =	vst v63  }
0x66: {  	v3 =	vadd.s32 v1, v3;
	s22 =	simm.s32 $0xD080  }
0x67: {  	[tilespmem:s22], [sflag:$0x2] =	stream.indirect_vreg.gather [hbm4b:s5+s3], $0x80, v4, vm0, $0xb8;
	[tilespmem:$0x10080] =	vst v63  }
0x68: {  	s22 =	simm.s32 $0xD880  }
0x69: {  	[tilespmem:s22], [sflag:$0x2] =	stream.indirect_vreg.gather [hbm4b:s6+s3], $0x80, v4, vm0, $0xb8;
	[tilespmem:$0x10080] =	vst v63  }
0x6a: {  	s22 =	simm.s32 $0xE080  }
0x6b: {  	[tilespmem:s22], [sflag:$0x2] =	stream.indirect_vreg.gather [hbm4b:s2+s3], $0x80, v3, vm0, $0xb8;
	[tilespmem:$0x10080] =	vst v63  }
0x6c: {  	s22 =	simm.s32 $0xE880  }
0x6d: {  	[tilespmem:s22], [sflag:$0x2] =	stream.indirect_vreg.gather [hbm4b:s4+s3], $0x80, v3, vm0, $0xb8;
	[tilespmem:$0x10080] =	vst v63  }
0x6e: {  	s22 =	simm.s32 $0xF080  }
0x6f: {  	[tilespmem:s22], [sflag:$0x2] =	stream.indirect_vreg.gather [hbm4b:s5+s3], $0x80, v3, vm0, $0xb8;
	[tilespmem:$0x10080] =	vst v63  }
0x70: {  	s22 =	simm.s32 $0xF880  }
0x71: {  	[tilespmem:s22], [sflag:$0x2] =	stream.indirect_vreg.gather [hbm4b:s6+s3], $0x80, v3, vm0, $0xb8;
	[tilespmem:$0x10080] =	vst v63  }
0x72: {  	_ =	swait.ge [sflag:s19], $0x8000  }
0x73: {  	[sflag:s19] =	ssyncset.done $0x0  }
0x74: {  	s22 =	rddreg [dreg:$0x5];
	[sflag:s19] =	ssyncadd.s32 $0xFFFF8000  }
0x75: {  	[hbm4b:s22+s3] =	stream.linear.scatter [tilespmem:s25], [sflag:$0x4], $0x8000, $0x38;
	[tilespmem:$0x10080] =	vst v63  }
0x76: {  	s22 =	simm.s32 $0x3  }
0x77: {  	_ =	swait.ge [sflag:s22], $0x8000  }
0x78: {  	[sflag:s22] =	ssyncset.done $0x0  }
0x79: {  	[sflag:s22] =	ssyncadd.s32 $0xFFFF8000  }
0x7a: {  	v3 =	vld [tilespmem:$0x40];
	_ =	sdelay $0x4  }
0x7b: {  	v60 =	vshll.u32 v3, $0x3  }
0x7c: {  	v3 =	vand.u32 $0x7, v3;
	v4 =	vand.u32 $0xFFFFFFC0, v60  }
0x7d: {  	v3 =	vor.u32 v3, v4  }
0x7e: {  	v4 =	vperm.xlane v3, v0;
	_ =	sdelay $0x1  }
0x7f: {  	v4 =	vadd.s32 v1, v4;
	_ =	sdelay $0x4  }
0x80: {  	[tilespmem:s26], [sflag:$0x1] =	stream.indirect_vreg.gather [hbm4b:s2+s3], $0x80, v4, vm0, $0xb8;
	[tilespmem:$0x10080] =	vst v63  }
0x81: {  	v3 =	vperm.xlane v3, v2  }
0x82: {  	[tilespmem:s23], [sflag:$0x1] =	stream.indirect_vreg.gather [hbm4b:s4+s3], $0x80, v4, vm0, $0xb8;
	[tilespmem:$0x10080] =	vst v63  }
0x83: {  	v3 =	vadd.s32 v1, v3  }
0x84: {  	[tilespmem:s24], [sflag:$0x1] =	stream.indirect_vreg.gather [hbm4b:s5+s3], $0x80, v4, vm0, $0xb8;
	[tilespmem:$0x10080] =	vst v63  }
0x85: {  	_ = 	snop  }
0x86: {  	[tilespmem:s28], [sflag:$0x1] =	stream.indirect_vreg.gather [hbm4b:s6+s3], $0x80, v4, vm0, $0xb8;
	[tilespmem:$0x10080] =	vst v63  }
0x87: {  	_ = 	snop  }
0x88: {  	[tilespmem:s29], [sflag:$0x1] =	stream.indirect_vreg.gather [hbm4b:s2+s3], $0x80, v3, vm0, $0xb8;
	[tilespmem:$0x10080] =	vst v63  }
0x89: {  	_ = 	snop  }
0x8a: {  	[tilespmem:s30], [sflag:$0x1] =	stream.indirect_vreg.gather [hbm4b:s4+s3], $0x80, v3, vm0, $0xb8;
	[tilespmem:$0x10080] =	vst v63  }
0x8b: {  	_ = 	snop  }
0x8c: {  	[tilespmem:s31], [sflag:$0x1] =	stream.indirect_vreg.gather [hbm4b:s5+s3], $0x80, v3, vm0, $0xb8;
	[tilespmem:$0x10080] =	vst v63  }
0x8d: {  	_ = 	snop  }
0x8e: {  	[tilespmem:s8], [sflag:$0x1] =	stream.indirect_vreg.gather [hbm4b:s6+s3], $0x80, v3, vm0, $0xb8;
	[tilespmem:$0x10080] =	vst v63  }
0x8f: {  	v3 =	vld [tilespmem:$0x50];
	_ =	sdelay $0x4  }
0x90: {  	v61 =	vshll.u32 v3, $0x3  }
0x91: {  	v3 =	vand.u32 $0x7, v3;
	v4 =	vand.u32 $0xFFFFFFC0, v61  }
0x92: {  	v3 =	vor.u32 v3, v4  }
0x93: {  	v4 =	vperm.xlane v3, v0;
	_ =	sdelay $0x1  }
0x94: {  	v4 =	vadd.s32 v1, v4;
	_ =	sdelay $0x4  }
0x95: {  	[tilespmem:s1], [sflag:$0x1] =	stream.indirect_vreg.gather [hbm4b:s2+s3], $0x80, v4, vm0, $0xb8;
	[tilespmem:$0x10080] =	vst v63  }
0x96: {  	v3 =	vperm.xlane v3, v2  }
0x97: {  	[tilespmem:s10], [sflag:$0x1] =	stream.indirect_vreg.gather [hbm4b:s4+s3], $0x80, v4, vm0, $0xb8;
	[tilespmem:$0x10080] =	vst v63  }
0x98: {  	v3 =	vadd.s32 v1, v3  }
0x99: {  	[tilespmem:s11], [sflag:$0x1] =	stream.indirect_vreg.gather [hbm4b:s5+s3], $0x80, v4, vm0, $0xb8;
	[tilespmem:$0x10080] =	vst v63  }
0x9a: {  	_ = 	snop  }
0x9b: {  	[tilespmem:s12], [sflag:$0x1] =	stream.indirect_vreg.gather [hbm4b:s6+s3], $0x80, v4, vm0, $0xb8;
	[tilespmem:$0x10080] =	vst v63  }
0x9c: {  	_ = 	snop  }
0x9d: {  	[tilespmem:s13], [sflag:$0x1] =	stream.indirect_vreg.gather [hbm4b:s2+s3], $0x80, v3, vm0, $0xb8;
	[tilespmem:$0x10080] =	vst v63  }
0x9e: {  	_ = 	snop  }
0x9f: {  	[tilespmem:s14], [sflag:$0x1] =	stream.indirect_vreg.gather [hbm4b:s4+s3], $0x80, v3, vm0, $0xb8;
	[tilespmem:$0x10080] =	vst v63  }
0xa0: {  	_ = 	snop  }
0xa1: {  	[tilespmem:s15], [sflag:$0x1] =	stream.indirect_vreg.gather [hbm4b:s5+s3], $0x80, v3, vm0, $0xb8;
	[tilespmem:$0x10080] =	vst v63  }
0xa2: {  	_ = 	snop  }
0xa3: {  	[tilespmem:s16], [sflag:$0x1] =	stream.indirect_vreg.gather [hbm4b:s6+s3], $0x80, v3, vm0, $0xb8;
	[tilespmem:$0x10080] =	vst v63  }
0xa4: {  	_ =	swait.ge [sflag:s0], $0x8000  }
0xa5: {  	[sflag:s0] =	ssyncset.done $0x0  }
0xa6: {  	s22 =	rddreg [dreg:$0x6];
	[sflag:s0] =	ssyncadd.s32 $0xFFFF8000  }
0xa7: {  	[hbm4b:s22+s3] =	stream.linear.scatter [tilespmem:s26], [sflag:$0x3], $0x8000, $0x38;
	[tilespmem:$0x10080] =	vst v63  }
0xa8: {  	_ =	swait.ge [sflag:s21], $0x8000  }
0xa9: {  	[sflag:s21] =	ssyncset.done $0x0  }
0xaa: {  	[sflag:s21] =	ssyncadd.s32 $0xFFFF8000  }
0xab: {  	v3 =	vld [tilespmem:$0x60];
	_ =	sdelay $0x4  }
0xac: {  	v62 =	vshll.u32 v3, $0x3  }
0xad: {  	v3 =	vand.u32 $0x7, v3;
	v4 =	vand.u32 $0xFFFFFFC0, v62  }
0xae: {  	v3 =	vor.u32 v3, v4  }
0xaf: {  	v4 =	vperm.xlane v3, v0;
	_ =	sdelay $0x1  }
0xb0: {  	v4 =	vadd.s32 v1, v4;
	_ =	sdelay $0x4  }
0xb1: {  	[tilespmem:s25], [sflag:$0x2] =	stream.indirect_vreg.gather [hbm4b:s2+s3], $0x80, v4, vm0, $0xb8;
	[tilespmem:$0x10080] =	vst v63  }
0xb2: {  	v3 =	vperm.xlane v3, v2  }
0xb3: {  	[tilespmem:s17], [sflag:$0x2] =	stream.indirect_vreg.gather [hbm4b:s4+s3], $0x80, v4, vm0, $0xb8;
	[tilespmem:$0x10080] =	vst v63  }
0xb4: {  	v3 =	vadd.s32 v1, v3  }
0xb5: {  	[tilespmem:s18], [sflag:$0x2] =	stream.indirect_vreg.gather [hbm4b:s5+s3], $0x80, v4, vm0, $0xb8;
	[tilespmem:$0x10080] =	vst v63  }
0xb6: {  	s22 =	simm.s32 $0x9880  }
0xb7: {  	[tilespmem:s22], [sflag:$0x2] =	stream.indirect_vreg.gather [hbm4b:s6+s3], $0x80, v4, vm0, $0xb8;
	[tilespmem:$0x10080] =	vst v63  }
0xb8: {  	_ = 	snop  }
0xb9: {  	[tilespmem:s20], [sflag:$0x2] =	stream.indirect_vreg.gather [hbm4b:s2+s3], $0x80, v3, vm0, $0xb8;
	[tilespmem:$0x10080] =	vst v63  }
0xba: {  	_ = 	snop  }
0xbb: {  	[tilespmem:s9], [sflag:$0x2] =	stream.indirect_vreg.gather [hbm4b:s4+s3], $0x80, v3, vm0, $0xb8;
	[tilespmem:$0x10080] =	vst v63  }
0xbc: {  	s9 =	simm.s32 $0xB080  }
0xbd: {  	[tilespmem:s9], [sflag:$0x2] =	stream.indirect_vreg.gather [hbm4b:s5+s3], $0x80, v3, vm0, $0xb8;
	[tilespmem:$0x10080] =	vst v63  }
0xbe: {  	s22 =	simm.s32 $0xB880  }
0xbf: {  	[tilespmem:s22], [sflag:$0x2] =	stream.indirect_vreg.gather [hbm4b:s6+s3], $0x80, v3, vm0, $0xb8;
	[tilespmem:$0x10080] =	vst v63  }
0xc0: {  	v3 =	vld [tilespmem:$0x70];
	_ =	sdelay $0x4  }
0xc1: {  	v63 =	vshll.u32 v3, $0x3  }
0xc2: {  	v3 =	vand.u32 $0x7, v3;
	v4 =	vand.u32 $0xFFFFFFC0, v63  }
0xc3: {  	v3 =	vor.u32 v3, v4  }
0xc4: {  	v4 =	vperm.xlane v3, v0;
	_ =	sdelay $0x1  }
0xc5: {  	v4 =	vadd.s32 v1, v4;
	_ =	sdelay $0x3  }
0xc6: {  	s9 =	simm.s32 $0xC080  }
0xc7: {  	[tilespmem:s9], [sflag:$0x2] =	stream.indirect_vreg.gather [hbm4b:s2+s3], $0x80, v4, vm0, $0xb8;
	[tilespmem:$0x10080] =	vst v63  }
0xc8: {  	s22 =	simm.s32 $0xC880;
	v3 =	vperm.xlane v3, v2  }
0xc9: {  	[tilespmem:s22], [sflag:$0x2] =	stream.indirect_vreg.gather [hbm4b:s4+s3], $0x80, v4, vm0, $0xb8;
	[tilespmem:$0x10080] =	vst v63  }
0xca: {  	v3 =	vadd.s32 v1, v3;
	s9 =	simm.s32 $0xD080  }
0xcb: {  	[tilespmem:s9], [sflag:$0x2] =	stream.indirect_vreg.gather [hbm4b:s5+s3], $0x80, v4, vm0, $0xb8;
	[tilespmem:$0x10080] =	vst v63  }
0xcc: {  	s22 =	simm.s32 $0xD880  }
0xcd: {  	[tilespmem:s22], [sflag:$0x2] =	stream.indirect_vreg.gather [hbm4b:s6+s3], $0x80, v4, vm0, $0xb8;
	[tilespmem:$0x10080] =	vst v63  }
0xce: {  	s9 =	simm.s32 $0xE080  }
0xcf: {  	[tilespmem:s9], [sflag:$0x2] =	stream.indirect_vreg.gather [hbm4b:s2+s3], $0x80, v3, vm0, $0xb8;
	[tilespmem:$0x10080] =	vst v63  }
0xd0: {  	s22 =	simm.s32 $0xE880  }
0xd1: {  	[tilespmem:s22], [sflag:$0x2] =	stream.indirect_vreg.gather [hbm4b:s4+s3], $0x80, v3, vm0, $0xb8;
	[tilespmem:$0x10080] =	vst v63  }
0xd2: {  	s9 =	simm.s32 $0xF080  }
0xd3: {  	[tilespmem:s9], [sflag:$0x2] =	stream.indirect_vreg.gather [hbm4b:s5+s3], $0x80, v3, vm0, $0xb8;
	[tilespmem:$0x10080] =	vst v63  }
0xd4: {  	s22 =	simm.s32 $0xF880  }
0xd5: {  	[tilespmem:s22], [sflag:$0x2] =	stream.indirect_vreg.gather [hbm4b:s6+s3], $0x80, v3, vm0, $0xb8;
	[tilespmem:$0x10080] =	vst v63  }
0xd6: {  	_ =	swait.ge [sflag:s19], $0x8000  }
0xd7: {  	p0 =	sne.s32 s7, $0x1;
	[sflag:s19] =	ssyncset.done $0x0  }
.Ltmp0:
0xd8: {  	s9 =	rddreg [dreg:$0x7];
	[sflag:s19] =	ssyncadd.s32 $0xFFFF8000;
	(pc) =	sbr.rel @p0 .LBB2_1-.Ltmp0, $4  }
0xd9: {  	[hbm4b:s9+s3] =	stream.linear.scatter [tilespmem:s25], [sflag:$0x4], $0x8000, $0x38;
	[tilespmem:$0x10080] =	vst v63  }
0xda: {  	_ =	swait.ge [sflag:s21], $0x8000  }
0xdb: {  	[sflag:s21] =	ssyncset.done $0x0  }
0xdc: {  	s7 =	sadd.s32 $0xFFFFFFFF, s7;
	[sflag:s21] =	ssyncadd.s32 $0xFFFF8000  }
0xdd: {  	_ =	sfence.sel $0x180000  }
0xde: {  	[bflag:$0x0] =	sbarrier.arrive $0xFFFF  }
0xdf: {  	_ =	strace $0x90000047  }
0xe0: {  	s0 =	stileid.u32;
	[bflag:$0x2] =	sbarrier.arrive $0xFFFF  }
0xe1: {  	p0 =	sne.s32 s0, $0x0;
	s0 =	rddreg [dreg:$0x2]  }
0xe2: {  	s0 =	sadd.s32 @!p0 $0x100000, s0  }
0xe3: {  	[sflag:s0] =	ssyncadd.tile.s32 @!p0 $0x1;
	_ =	shalt  }
.Lfunc_end2:
_tile_overlayer_lowered:
.L_overlay_start_2:
0xe4: {  	(tag) =	ssettag $0x2  }
0xe5: {  	s0 =	rddreg [dreg:$0x0];
	s2 =	stileid.u32  }
0xe6: {  	s1 =	rddreg [dreg:$0x1];
	p0 =	sne.s32 s2, $0x0  }
0xe7: {  	s3 =	rddreg [dreg:$0x2];
	[bflag:$0x3] =	sbarrier.arrive $0xFFFF;
	s2 =	simm.s32 @!p0 $0x1C05  }
0xe8: {  	[timem:s3], [sflag:s2] =	dma.local @!p0 [hbm:s0], s1  }
0xe9: {  	s0 =	simm.s32 @!p0 $0x5  }
0xea: {  	_ =	swait.ge @!p0 [sflag:s0], s1  }
0xeb: {  	s1 =	ssub.s32 @!p0 $0x0, s1;
	[sflag:s0] =	ssyncset.done @!p0 $0x0  }
0xec: {  	[sflag:s0] =	ssyncadd.s32 @!p0 s1  }
0xed: {  	[bflag:$0x3] =	sbarrier.arrive $0xFFFF  }
0xee: {  	_ =	shalt  }

// kernel: kernel.16.cloned.1.call-start
scs
__scs_entry_jumppad:
0x0: {  	(pc) =	sbr.rel $0x88, $3  }
0x1: {  	(tag) =	ssettag $0x0;
	lr =	simm.s32 $0x1  }
0x2: {  	[smem:$0x3F9A] =	sst lr;
	_ =	strace $0xD0000000  }
0x3: {  	_ = 	snop  }
0x4: {  	_ = 	snop  }
0x5: {  	_ = 	snop  }
0x6: {  	_ = 	snop  }
0x7: {  	_ = 	snop  }
__scs_overlays_trampoline_lowered:
0x8: {  	[smem:$0x3FA9] =	sst s0  }
0x9: {  	[smem:$0x3FAA] =	sst s1  }
0xa: {  	[smem:$0x3FAB] =	sst s2  }
0xb: {  	[smem:$0x3FAC] =	sst s3  }
0xc: {  	[smem:$0x3FAD] =	sst s4  }
0xd: {  	[smem:$0x3FAE] =	sst s5  }
0xe: {  	[smem:$0x3FAF] =	sst s6  }
0xf: {  	[smem:$0x3FB0] =	sst s7  }
0x10: {  	[smem:$0x3FB1] =	sst s8  }
0x11: {  	[smem:$0x3FB2] =	sst s9;
	s0 =	simm.s32 @!p0 $0x0  }
0x12: {  	s1 =	sld [smem:$0x3F98];
	s0 =	simm.s32 @p0 $0x1  }
0x13: {  	[smem:$0x3FB3] =	sst s0;
	s0 =	simm.s32 @!p1 $0x0  }
0x14: {  	s2 =	sld [smem:$0x3F97];
	s0 =	simm.s32 @p1 $0x1  }
0x15: {  	[smem:$0x3FB4] =	sst s0;
	s0 =	simm.s32 @!p2 $0x0  }
0x16: {  	s3 =	sld [smem:$0x3FDB];
	s0 =	simm.s32 @p2 $0x1  }
0x17: {  	s4 =	simm.s32 $0x1BF5;
	[smem:$0x3FB6] =	sst s0  }
0x18: {  	s0 =	sld [smem:$0x3F99];
	_ =	swait.ge [sflag:s4], $0x0  }
0x19: {  	s7 =	sld [smem:$0x3F9A]  }
0x1a: {  	s8 =	sadd.s32 $0xFFFFE003, lr  }
0x1b: {  	s9 =	sadd.s32 $0xFFFFFEF7, lr;
	s5 =	simm.s32 $0xFFFFFFFF;
	p2 =	slt.u32 s8, $0xFFFFF086  }
0x1c: {  	p1 =	slt.u32 s9, $0xF7A;
	s5 =	simm.s32 @!p2 $0x0  }
0x1d: {  	s5 =	simm.s32 @p1 $0x1;
	p0 =	seq.s32 s7, s2  }
0x1e: {  	s7 =	smul.u32 @!p0 $0xF7A, s2;
	p2 =	seq.s32 @!p0 s5, $0x0  }
0x1f: {  	s9 =	smul.u32 $0xF7A, s1;
	s8 =	simm.s32 @!p0 $0x1BF5;
	p2 =	por !p2, p0  }
0x20: {  	[sflag:s8] =	ssyncset.s32 @!p0 $0xFFFFF086;
	s6 =	sadd.s32 @!p0 s3, s7;
	s7 =	simm.s32 @!p0 $0x108  }
0x21: {  	s3 =	sadd.s32 s3, s9;
	s6 =	sadd.s32 @!p0 $0x88, s6;
	s7 =	simm.s32 @p2 $0x1082  }
0x22: {  	[simem:s7], [sflag:s8] =	dma.local @!p0 [hbm:s6], $0xF7A  }
0x23: {  	s9 =	sor.u32 $0xD0000000, s2;
	s6 =	simm.s32 $0x108;
	_ =	swait.ge @!p0 [sflag:s8], $0x0  }
0x24: {  	s3 =	sadd.s32 $0x88, s3;
	s6 =	simm.s32 @!p1 $0x1082;
	[sflag:s4] =	ssyncset.s32 $0xFFFFF086  }
0x25: {  	[simem:s6], [sflag:s4] =	dma.local [hbm:s3], $0xF7A  }
0x26: {  	[smem:$0x3F9A] =	sst s1;
	(tag) =	ssettag s2;
	_ =	strace s9  }
0x27: {  	s1 =	sld [smem:$0x3FAA]  }
0x28: {  	s2 =	sld [smem:$0x3FAB]  }
0x29: {  	s4 =	sld [smem:$0x3FAD]  }
0x2a: {  	p0 =	seq.s32 s5, $0x0;
	s5 =	sld [smem:$0x3FAE]  }
0x2b: {  	s6 =	sld [smem:$0x3FAF]  }
0x2c: {  	s7 =	sld [smem:$0x3FB0]  }
0x2d: {  	s3 =	simm.s32 $0x108;
	s8 =	sld [smem:$0x3FB1]  }
0x2e: {  	s3 =	simm.s32 @!p0 $0x1082;
	s9 =	sld [smem:$0x3FB2]  }
0x2f: {  	lr =	sadd.s32 s0, s3;
	s0 =	sld [smem:$0x3FA9]  }
0x30: {  	s3 =	sld [smem:$0x3FAC]  }
0x31: {  	[smem:$0x3FB5] =	sst s10  }
0x32: {  	s10 =	sld [smem:$0x3FB3];
	_ =	sdelay $0x3  }
0x33: {  	p0 =	seq.s32 s10, $0x1;
	s10 =	sld [smem:$0x3FB5];
	_ =	sdelay $0x3  }
0x34: {  	[smem:$0x3FB5] =	sst s10  }
0x35: {  	s10 =	sld [smem:$0x3FB4];
	_ =	sdelay $0x3  }
0x36: {  	p1 =	seq.s32 s10, $0x1;
	s10 =	sld [smem:$0x3FB5];
	_ =	sdelay $0x3  }
0x37: {  	[smem:$0x3FB5] =	sst s10  }
0x38: {  	s10 =	sld [smem:$0x3FB6]  }
0x39: {  	_ = 	snop;
	(pc) =	sbr.ind lr, $3  }
0x3a: {  	_ = 	snop  }
0x3b: {  	_ = 	snop  }
0x3c: {  	p2 =	seq.s32 s10, $0x1;
	s10 =	sld [smem:$0x3FB5]  }
0x3d: {  	_ =	shalt  }
0x3e: {  	_ =	shalt  }
0x3f: {  	_ =	shalt  }
0x40: {  	_ =	shalt  }
0x41: {  	_ =	shalt  }
0x42: {  	_ =	shalt  }
0x43: {  	_ =	shalt  }
0x44: {  	_ =	shalt  }
0x45: {  	_ =	shalt  }
0x46: {  	_ =	shalt  }
0x47: {  	_ =	shalt  }
0x48: {  	_ =	shalt  }
0x49: {  	_ =	shalt  }
0x4a: {  	_ =	shalt  }
0x4b: {  	_ =	shalt  }
0x4c: {  	_ =	shalt  }
0x4d: {  	_ =	shalt  }
0x4e: {  	_ =	shalt  }
0x4f: {  	_ =	shalt  }
0x50: {  	_ =	shalt  }
0x51: {  	_ =	shalt  }
0x52: {  	_ =	shalt  }
0x53: {  	_ =	shalt  }
0x54: {  	_ =	shalt  }
0x55: {  	_ =	shalt  }
0x56: {  	_ =	shalt  }
0x57: {  	_ =	shalt  }
0x58: {  	_ =	shalt  }
0x59: {  	_ =	shalt  }
0x5a: {  	_ =	shalt  }
0x5b: {  	_ =	shalt  }
0x5c: {  	_ =	shalt  }
0x5d: {  	_ =	shalt  }
0x5e: {  	_ =	shalt  }
0x5f: {  	_ =	shalt  }
0x60: {  	_ =	shalt  }
0x61: {  	_ =	shalt  }
0x62: {  	_ =	shalt  }
0x63: {  	_ =	shalt  }
0x64: {  	_ =	shalt  }
0x65: {  	_ =	shalt  }
0x66: {  	_ =	shalt  }
0x67: {  	_ =	shalt  }
0x68: {  	_ =	shalt  }
0x69: {  	_ =	shalt  }
0x6a: {  	_ =	shalt  }
0x6b: {  	_ =	shalt  }
0x6c: {  	_ =	shalt  }
0x6d: {  	_ =	shalt  }
0x6e: {  	_ =	shalt  }
0x6f: {  	_ =	shalt  }
0x70: {  	_ =	shalt  }
0x71: {  	_ =	shalt  }
0x72: {  	_ =	shalt  }
0x73: {  	_ =	shalt  }
0x74: {  	_ =	shalt  }
0x75: {  	_ =	shalt  }
0x76: {  	_ =	shalt  }
0x77: {  	_ =	shalt  }
0x78: {  	_ =	shalt  }
0x79: {  	_ =	shalt  }
0x7a: {  	_ =	shalt  }
0x7b: {  	_ =	shalt  }
0x7c: {  	_ =	shalt  }
0x7d: {  	_ =	shalt  }
0x7e: {  	_ =	shalt  }
0x7f: {  	_ =	shalt  }
0x80: {  	_ =	shalt  }
0x81: {  	_ =	shalt  }
0x82: {  	_ =	shalt  }
0x83: {  	_ =	shalt  }
0x84: {  	_ =	shalt  }
0x85: {  	_ =	shalt  }
0x86: {  	_ =	shalt  }
0x87: {  	_ =	shalt  }
.Lfunc_end0:
.L_simem_size_0:
called_computation.2_lowered:
.L_overlay_start_0:
0x88: {  	s2 =	sld [smem:$0x3FD9]  }
0x89: {  	s3 =	sld [smem:$0x3FFE];
	_ =	sdelay $0x1  }
0x8a: {  	s1 =	srdreg.scid  }
0x8b: {  	s0 =	sand.u32 $0x1, s1  }
0x8c: {  	s15 =	sshll.u32 s0, $0xA;
	s2 =	sadd.s32 s3, s2  }
0x8d: {  	s2 =	sadd.s32 s2, s15  }
0x8e: {  	[smem:$0x3FC1] =	sst s2  }
0x8f: {  	_ = 	snop  }
0x90: {  	s2 =	sld [smem:$0x3FD0];
	_ =	sdelay $0x2  }
0x91: {  	s4 =	simm.s32 $0xB;
	s16 =	simm.s32 $0x10  }
0x92: {  	[smem:s16], [sflag:s4] =	dma.local [hbm:s2], $0x1  }
0x93: {  	_ =	swait.eq [sflag:s4], $0x1  }
0x94: {  	[sflag:s4] =	ssyncset.done $0x0  }
0x95: {  	s17 =	sld [smem:$0x11];
	[sflag:s4] =	ssyncadd.s32 $0xFFFFFFFF  }
0x96: {  	s18 =	sld [smem:$0x12];
	(tm) =	ssettm $0x1  }
0x97: {  	s19 =	sld [smem:$0x3FFB];
	_ =	sdelay $0x3  }
0x98: {  	_ =	strace s19  }
0x99: {  	s2 =	sld [smem:$0x3FFC];
	_ =	sdelay $0x3  }
0x9a: {  	_ =	strace s2  }
0x9b: {  	s2 =	sld [smem:$0x3FFD];
	_ =	sdelay $0x3  }
0x9c: {  	_ =	strace s2  }
0x9d: {  	_ =	strace $0x8FFFFFFF  }
0x9e: {  	s20 =	sld [smem:$0x3FDB];
	_ =	sdelay $0x1  }
0x9f: {  	s5 =	simm.s32 $_scs_section_size  }
0xa0: {  	s6 =	simm.s32 $_size__tile_overlayer_lowered;
	s7 =	simm.s32 $_tile_overlayer_lowered  }
0xa1: {  	s8 =	simm.s32 $0x1BFF;
	s21 =	sshll.u32 s7, $0x1;
	s5 =	sadd.s32 s5, s20  }
0xa2: {  	s22 =	simm.s32 $0x0;
	s6 =	sshll.u32 s6, $0x1;
	s7 =	sadd.s32 s21, s5  }
0xa3: {  	[timem:s22], [sflag:s8] =	dma.local [hbm:s7], s6  }
0xa4: {  	_ =	swait.ge [sflag:s8], s6  }
0xa5: {  	s6 =	ssub.s32 $0x0, s6;
	[sflag:s8] =	ssyncset.done $0x0  }
0xa6: {  	[sflag:s8] =	ssyncadd.s32 s6;
	_ =	sdelay $0x1  }
0xa7: {  	s23 =	simm.s32 $0x1B8B  }
0xa8: {  	_ =	swait.ge [sflag:s23], $0x1  }
0xa9: {  	[sflag:s23] =	ssyncset.done $0x0  }
0xaa: {  	[sflag:s23] =	ssyncadd.s32 $0xFFFFFFFF  }
0xab: {  	s6 =	sld [smem:$0x0]  }
0xac: {  	s7 =	sand.u32 $0xFFFFFFFE, s1  }
0xad: {  	p0 =	sne.s32 s1, s7  }
0xae: {  	s7 =	sshll.u32 @p0 s7, $0xE  }
0xaf: {  	s7 =	sadd.s32 @p0 $0x11B8D, s7;
	s8 =	sshll.u32 @p0 s6, $0x11  }
0xb0: {  	s7 =	sor.u32 @p0 s8, s7  }
0xb1: {  	[sflag:s7] =	ssyncadd.remote.s32 @p0 $0x1;
	_ =	sdelay $0x1  }
0xb2: {  	s7 =	simm.s32 @p0 $0x1B8D  }
0xb3: {  	_ =	swait.eq @p0 [sflag:s7], $0x1  }
0xb4: {  	[sflag:s7] =	ssyncadd.s32 @p0 $0xFFFFFFFF  }
0xb5: {  	s8 =	sshll.u32 @!p0 s1, $0xE  }
0xb6: {  	s8 =	sor.u32 @!p0 $0x4000, s8;
	s7 =	simm.s32 @!p0 $0x1B8D  }
0xb7: {  	s6 =	sshll.u32 @!p0 s6, $0x11;
	s8 =	sadd.s32 @!p0 $0x11B8D, s8;
	_ =	swait.eq @!p0 [sflag:s7], $0x1  }
0xb8: {  	s6 =	sor.u32 @!p0 s6, s8;
	[sflag:s7] =	ssyncadd.s32 @!p0 $0xFFFFFFFF  }
0xb9: {  	s25 =	simm.s32 $0x1B8E;
	s24 =	sld [smem:$0x3FFE];
	[sflag:s6] =	ssyncadd.remote.s32 @!p0 $0x1  }
0xba: {  	s26 =	simm.s32 $execute0_lowered;
	[smem:$0x3FD2] =	sst s25  }
0xbb: {  	s7 =	sshll.u32 s26, $0x1;
	_ =	strace $0x8000004F;
	[dreg:$0x1] =	wrdreg $0xFFFFFFFF  }
0xbc: {  	s28 =	simm.s32 $_size_execute0_lowered;
	s5 =	sadd.s32 s5, s7;
	[dreg:$0x0] =	wrdreg $0x0  }
0xbd: {  	s7 =	sshll.u32 s28, $0x1;
	[dreg:$0x2] =	wrdreg s5  }
0xbe: {  	[dreg:$0x3] =	wrdreg s7  }
0xbf: {  	[dreg:$0x4] =	wrdreg $0xC0  }
0xc0: {  	_ =	task [dreg:s22], $0x5FFFF  }
0xc1: {  	[dreg:$0x1] =	wrdreg $0xFFFFFFFF  }
0xc2: {  	[dreg:$0x0] =	wrdreg $0x60  }
0xc3: {  	[dreg:$0x2] =	wrdreg s18  }
0xc4: {  	[dreg:$0x3] =	wrdreg s17  }
0xc5: {  	[dreg:$0x4] =	wrdreg s24  }
0xc6: {  	[dreg:$0x5] =	wrdreg $0x9  }
0xc7: {  	_ =	task.clear_ibuf [dreg:s22], $0x6FFFF;
	_ =	strace $0x9000004F  }
0xc8: {  	s29 =	simm.s32 $0x9;
	_ =	strace $0x80000051  }
0xc9: {  	_ =	swait.ge [sflag:s29], $0x1  }
0xca: {  	[sflag:s29] =	ssyncadd.s32 $0xFFFFFFFF  }
0xcb: {  	_ =	strace $0x90000051  }
0xcc: {  	_ =	sfence  }
0xcd: {  	s30 =	sld [smem:$0x0];
	_ =	sdelay $0x2  }
0xce: {  	s31 =	sshll.u32 s1, $0xD;
	s1 =	sshrl.u32 s1, $0x2  }
0xcf: {  	s4 =	sand.u32 $0x4000, s31;
	s1 =	sadd.s32 s1, s30  }
0xd0: {  	s0 =	sor.u32 s4, s0;
	s1 =	sshll.u32 s1, $0x11  }
0xd1: {  	s0 =	sor.u32 s1, s0  }
0xd2: {  	s0 =	sadd.s32 $0x8F2B, s0  }
0xd3: {  	[sflag:s0] =	ssyncadd.remote.s32 $0x1  }
0xd4: {  	_ =	sfence.sel $0xFFFF  }
0xd5: {  	[dreg:$0x0] =	wrdreg $0xFFFFFFFF;
	(pc) =	sbr.abs _section_cstart, $3  }
0xd6: {  	[dreg:$0x1] =	wrdreg $0xFFFFFFFF  }
0xd7: {  	_ =	task.clear_ibuf [dreg:s22], $0x2FFFF;
	_ =	strace $0x9FFFFFFF  }
0xd8: {  	(tm) =	ssettm $0x7FFFFFFF  }
0xd9: {  	_ =	shalt  }
tec
execute0_lowered:
.L_overlay_start_1:
0x0: {  	(tag) =	ssettag $0x1  }
0x1: {  	s5 =	rddreg [dreg:$0x0]  }
0x2: {  	s2 =	rddreg [dreg:$0x1];
	s1 =	srdreg.scid  }
0x3: {  	s0 =	stileid.u32;
	s6 =	rddreg [dreg:$0x2];
	s3 =	simm.s32 $0x0  }
0x4: {  	s14 =	simm.s32 $0x800;
	s17 =	simm.s32 $0x1B00;
	s18 =	simm.s32 $0x1  }
0x5: {  	s19 =	simm.s32 $0x1880;
	s20 =	simm.s32 $0x1900;
	s23 =	simm.s32 $0x1A80  }
0x6: {  	s7 =	sand.u32 $0x1, s1;
	s4 =	sshll.u32 s0, $0x1;
	s1 =	rddreg [dreg:$0x3]  }
0x7: {  	[smem:$0x7FF] =	sst s3;
	s28 =	sshll.u32 s0, $0x5;
	s8 =	sor.u32 s7, s4  }
0x8: {  	_ =	strace $0x80000050;
	s4 =	sadd.s32 $0x104A00, s6;
	s25 =	ssub.s32 $0x2, s7  }
0x9: {  	s9 =	sshll.u32 s8, $0x4;
	s26 =	sshll.u32 s8, $0x7;
	s29 =	sshrl.u32 s25, $0x1  }
0xa: {  	v14 =	vlaneseq.u32;
	s8 =	sand.u32 $0x100, s28;
	s11 =	sadd.s32 s9, s6;
	s7 =	sand.u32 $0x780, s26  }
0xb: {  	v13 =	vadd.s32 $0x1, v14;
	v5 =	vadd.s32 $0x21, v14;
	v9 =	vadd.s32 $0x41, v14;
	s12 =	ssub.s32 s25, s29;
	s5 =	sadd.s32 s5, s8;
	s30 =	sor.u32 $0x10, s7  }
0xc: {  	v15 =	vadd.s32 $0x61, v14;
	s31 =	sor.u32 $0x20, s7;
	s13 =	sor.u32 $0x30, s7;
	s15 =	sor.u32 $0x40, s7;
	v0 =	vor.u32 s7, v14;
	v1 =	vor.u32 s7, v13  }
0xd: {  	s16 =	sor.u32 $0x50, s7;
	s21 =	sor.u32 $0x60, s7;
	s22 =	sor.u32 $0x70, s7;
	v2 =	vor.u32 s30, v14;
	v3 =	vadd.s32 s30, v13;
	v4 =	vor.u32 s31, v14  }
0xe: {  	s6 =	sadd.s32 $0x5A00, s11;
	s7 =	sadd.s32 $0x5C00, s11;
	s8 =	sadd.s32 $0x5E00, s11;
	v5 =	vor.u32 s31, v5;
	v6 =	vor.u32 s13, v14;
	v7 =	vadd.s32 s13, v13  }
0xf: {  	s9 =	sadd.s32 $0x6000, s11;
	s10 =	sadd.s32 $0x6200, s11;
	s11 =	sadd.s32 $0x6400, s11;
	v8 =	vor.u32 s15, v14;
	v9 =	vor.u32 s15, v9;
	v10 =	vor.u32 s16, v14  }
0x10: {  	s12 =	smax.u32 s12, $0x1;
	s13 =	simm.s32 $0x2;
	v11 =	vadd.s32 s16, v13;
	s15 =	simm.s32 $0x80;
	v12 =	vor.u32 s21, v14;
	v16 =	vadd.s32 s22, v13  }
0x11: {  	s16 =	simm.s32 $0x1800;
	v13 =	vor.u32 s21, v15;
	v14 =	vor.u32 s22, v14;
	s21 =	simm.s32 $0x1980;
	s22 =	simm.s32 $0x1A00;
	v15 =	vand.u32 $0x7FF, v16  }
.LBB2_1:
0x12: {  	[tilespmem:s3], [sflag:$0x2] =	stream.linear.gather [hbm4b:s5+s3], $0x800, $0x38;
	[tilespmem:$0x1B80] =	vst v63  }
0x13: {  	_ =	swait.ge [sflag:s13], $0x800  }
0x14: {  	[sflag:s13] =	ssyncset.done $0x0  }
0x15: {  	[sflag:s13] =	ssyncadd.s32 $0xFFFFF800  }
0x16: {  	[tilespmem:s14], [sflag:$0x2] =	stream.linear.gather [hbm4b:s2+s3], $0x1000, $0x38;
	[tilespmem:$0x1B80] =	vst v63  }
0x17: {  	_ =	swait.ge [sflag:s13], $0x1000  }
0x18: {  	[sflag:s13] =	ssyncset.done $0x0  }
0x19: {  	[sflag:s13] =	ssyncadd.s32 $0xFFFFF000  }
0x1a: {  	v16 =	vld.idx.msk [tilespmem:v0+s3+$0x0], $0xffff  }
0x1b: {  	v17 =	vld.idx.msk [tilespmem:v1+s3+$0x0], $0xffff;
	_ =	sdelay $0x3  }
0x1c: {  	v18 =	vshll.u32 v16, $0x9  }
0x1d: {  	v17 =	vadd.s32 v17, v18  }
0x1e: {  	[tilespmem:$0x1800] =	vst v17  }
0x1f: {  	v17 =	vld.idx.msk [tilespmem:v16+s14+$0x0], $0xffff  }
0x20: {  	v33 =	vadd.s32 $0x200, v16;
	_ =	sdelay $0x3  }
0x21: {  	[tilespmem:$0x1880] =	vst v17  }
0x22: {  	v17 =	vld.idx.msk [tilespmem:v33+s14+$0x0], $0xffff  }
0x23: {  	v34 =	vadd.s32 $0x400, v16;
	_ =	sdelay $0x3  }
0x24: {  	[tilespmem:$0x1900] =	vst v17  }
0x25: {  	v17 =	vld.idx.msk [tilespmem:v34+s14+$0x0], $0xffff  }
0x26: {  	v35 =	vadd.s32 $0x600, v16;
	_ =	sdelay $0x3  }
0x27: {  	[tilespmem:$0x1980] =	vst v17  }
0x28: {  	v17 =	vld.idx.msk [tilespmem:v35+s14+$0x0], $0xffff  }
0x29: {  	v16 =	vadd.s32 $0x800, v16;
	_ =	sdelay $0x3  }
0x2a: {  	[tilespmem:$0x1A00] =	vst v17  }
0x2b: {  	v16 =	vld.idx.msk [tilespmem:v16+s14+$0x0], $0xffff;
	_ =	sdelay $0x4  }
0x2c: {  	[tilespmem:$0x1A80] =	vst v16  }
0x2d: {  	v16 =	vld.idx.msk [tilespmem:v2+s3+$0x0], $0xffff  }
0x2e: {  	v17 =	vld.idx.msk [tilespmem:v3+s3+$0x0], $0xffff;
	_ =	sdelay $0x3  }
0x2f: {  	v36 =	vshll.u32 v16, $0x9  }
0x30: {  	v17 =	vadd.s32 v17, v36  }
0x31: {  	[tilespmem:$0x1810] =	vst v17  }
0x32: {  	v17 =	vld.idx.msk [tilespmem:v16+s14+$0x0], $0xffff  }
0x33: {  	v37 =	vadd.s32 $0x200, v16;
	_ =	sdelay $0x3  }
0x34: {  	[tilespmem:$0x1890] =	vst v17  }
0x35: {  	v17 =	vld.idx.msk [tilespmem:v37+s14+$0x0], $0xffff  }
0x36: {  	v38 =	vadd.s32 $0x400, v16;
	_ =	sdelay $0x3  }
0x37: {  	[tilespmem:$0x1910] =	vst v17  }
0x38: {  	v17 =	vld.idx.msk [tilespmem:v38+s14+$0x0], $0xffff  }
0x39: {  	v39 =	vadd.s32 $0x600, v16;
	_ =	sdelay $0x3  }
0x3a: {  	[tilespmem:$0x1990] =	vst v17  }
0x3b: {  	v17 =	vld.idx.msk [tilespmem:v39+s14+$0x0], $0xffff  }
0x3c: {  	v16 =	vadd.s32 $0x800, v16;
	_ =	sdelay $0x3  }
0x3d: {  	[tilespmem:$0x1A10] =	vst v17  }
0x3e: {  	v16 =	vld.idx.msk [tilespmem:v16+s14+$0x0], $0xffff;
	_ =	sdelay $0x4  }
0x3f: {  	[tilespmem:$0x1A90] =	vst v16  }
0x40: {  	v16 =	vld.idx.msk [tilespmem:v4+s3+$0x0], $0xffff  }
0x41: {  	v17 =	vld.idx.msk [tilespmem:v5+s3+$0x0], $0xffff;
	_ =	sdelay $0x3  }
0x42: {  	v40 =	vshll.u32 v16, $0x9  }
0x43: {  	v17 =	vadd.s32 v17, v40  }
0x44: {  	[tilespmem:$0x1820] =	vst v17  }
0x45: {  	v17 =	vld.idx.msk [tilespmem:v16+s14+$0x0], $0xffff  }
0x46: {  	v41 =	vadd.s32 $0x200, v16;
	_ =	sdelay $0x3  }
0x47: {  	[tilespmem:$0x18A0] =	vst v17  }
0x48: {  	v17 =	vld.idx.msk [tilespmem:v41+s14+$0x0], $0xffff  }
0x49: {  	v42 =	vadd.s32 $0x400, v16;
	_ =	sdelay $0x3  }
0x4a: {  	[tilespmem:$0x1920] =	vst v17  }
0x4b: {  	v17 =	vld.idx.msk [tilespmem:v42+s14+$0x0], $0xffff  }
0x4c: {  	v43 =	vadd.s32 $0x600, v16;
	_ =	sdelay $0x3  }
0x4d: {  	[tilespmem:$0x19A0] =	vst v17  }
0x4e: {  	v17 =	vld.idx.msk [tilespmem:v43+s14+$0x0], $0xffff  }
0x4f: {  	v16 =	vadd.s32 $0x800, v16;
	_ =	sdelay $0x3  }
0x50: {  	[tilespmem:$0x1A20] =	vst v17  }
0x51: {  	v16 =	vld.idx.msk [tilespmem:v16+s14+$0x0], $0xffff;
	_ =	sdelay $0x4  }
0x52: {  	[tilespmem:$0x1AA0] =	vst v16  }
0x53: {  	v16 =	vld.idx.msk [tilespmem:v6+s3+$0x0], $0xffff  }
0x54: {  	v17 =	vld.idx.msk [tilespmem:v7+s3+$0x0], $0xffff;
	_ =	sdelay $0x3  }
0x55: {  	v44 =	vshll.u32 v16, $0x9  }
0x56: {  	v17 =	vadd.s32 v17, v44  }
0x57: {  	[tilespmem:$0x1830] =	vst v17  }
0x58: {  	v17 =	vld.idx.msk [tilespmem:v16+s14+$0x0], $0xffff  }
0x59: {  	v45 =	vadd.s32 $0x200, v16;
	_ =	sdelay $0x3  }
0x5a: {  	[tilespmem:$0x18B0] =	vst v17  }
0x5b: {  	v17 =	vld.idx.msk [tilespmem:v45+s14+$0x0], $0xffff  }
0x5c: {  	v46 =	vadd.s32 $0x400, v16;
	_ =	sdelay $0x3  }
0x5d: {  	[tilespmem:$0x1930] =	vst v17  }
0x5e: {  	v17 =	vld.idx.msk [tilespmem:v46+s14+$0x0], $0xffff  }
0x5f: {  	v47 =	vadd.s32 $0x600, v16;
	_ =	sdelay $0x3  }
0x60: {  	[tilespmem:$0x19B0] =	vst v17  }
0x61: {  	v17 =	vld.idx.msk [tilespmem:v47+s14+$0x0], $0xffff  }
0x62: {  	v16 =	vadd.s32 $0x800, v16;
	_ =	sdelay $0x3  }
0x63: {  	[tilespmem:$0x1A30] =	vst v17  }
0x64: {  	v16 =	vld.idx.msk [tilespmem:v16+s14+$0x0], $0xffff;
	_ =	sdelay $0x4  }
0x65: {  	[tilespmem:$0x1AB0] =	vst v16  }
0x66: {  	v16 =	vld.idx.msk [tilespmem:v8+s3+$0x0], $0xffff  }
0x67: {  	v17 =	vld.idx.msk [tilespmem:v9+s3+$0x0], $0xffff;
	_ =	sdelay $0x3  }
0x68: {  	v48 =	vshll.u32 v16, $0x9  }
0x69: {  	v17 =	vadd.s32 v17, v48  }
0x6a: {  	[tilespmem:$0x1840] =	vst v17  }
0x6b: {  	v17 =	vld.idx.msk [tilespmem:v16+s14+$0x0], $0xffff  }
0x6c: {  	v49 =	vadd.s32 $0x200, v16;
	_ =	sdelay $0x3  }
0x6d: {  	[tilespmem:$0x18C0] =	vst v17  }
0x6e: {  	v17 =	vld.idx.msk [tilespmem:v49+s14+$0x0], $0xffff  }
0x6f: {  	v50 =	vadd.s32 $0x400, v16;
	_ =	sdelay $0x3  }
0x70: {  	[tilespmem:$0x1940] =	vst v17  }
0x71: {  	v17 =	vld.idx.msk [tilespmem:v50+s14+$0x0], $0xffff  }
0x72: {  	v51 =	vadd.s32 $0x600, v16;
	_ =	sdelay $0x3  }
0x73: {  	[tilespmem:$0x19C0] =	vst v17  }
0x74: {  	v17 =	vld.idx.msk [tilespmem:v51+s14+$0x0], $0xffff  }
0x75: {  	v16 =	vadd.s32 $0x800, v16;
	_ =	sdelay $0x3  }
0x76: {  	[tilespmem:$0x1A40] =	vst v17  }
0x77: {  	v16 =	vld.idx.msk [tilespmem:v16+s14+$0x0], $0xffff;
	_ =	sdelay $0x4  }
0x78: {  	[tilespmem:$0x1AC0] =	vst v16  }
0x79: {  	v16 =	vld.idx.msk [tilespmem:v10+s3+$0x0], $0xffff  }
0x7a: {  	v17 =	vld.idx.msk [tilespmem:v11+s3+$0x0], $0xffff;
	_ =	sdelay $0x3  }
0x7b: {  	v52 =	vshll.u32 v16, $0x9  }
0x7c: {  	v17 =	vadd.s32 v17, v52  }
0x7d: {  	[tilespmem:$0x1850] =	vst v17  }
0x7e: {  	v17 =	vld.idx.msk [tilespmem:v16+s14+$0x0], $0xffff  }
0x7f: {  	v53 =	vadd.s32 $0x200, v16;
	_ =	sdelay $0x3  }
0x80: {  	[tilespmem:$0x18D0] =	vst v17  }
0x81: {  	v17 =	vld.idx.msk [tilespmem:v53+s14+$0x0], $0xffff  }
0x82: {  	v54 =	vadd.s32 $0x400, v16;
	_ =	sdelay $0x3  }
0x83: {  	[tilespmem:$0x1950] =	vst v17  }
0x84: {  	v17 =	vld.idx.msk [tilespmem:v54+s14+$0x0], $0xffff  }
0x85: {  	v55 =	vadd.s32 $0x600, v16;
	_ =	sdelay $0x3  }
0x86: {  	[tilespmem:$0x19D0] =	vst v17  }
0x87: {  	v17 =	vld.idx.msk [tilespmem:v55+s14+$0x0], $0xffff  }
0x88: {  	v16 =	vadd.s32 $0x800, v16;
	_ =	sdelay $0x3  }
0x89: {  	[tilespmem:$0x1A50] =	vst v17  }
0x8a: {  	v16 =	vld.idx.msk [tilespmem:v16+s14+$0x0], $0xffff;
	_ =	sdelay $0x4  }
0x8b: {  	[tilespmem:$0x1AD0] =	vst v16  }
0x8c: {  	v16 =	vld.idx.msk [tilespmem:v12+s3+$0x0], $0xffff  }
0x8d: {  	v17 =	vld.idx.msk [tilespmem:v13+s3+$0x0], $0xffff;
	_ =	sdelay $0x3  }
0x8e: {  	v56 =	vshll.u32 v16, $0x9  }
0x8f: {  	v17 =	vadd.s32 v17, v56  }
0x90: {  	[tilespmem:$0x1860] =	vst v17  }
0x91: {  	v17 =	vld.idx.msk [tilespmem:v16+s14+$0x0], $0xffff  }
0x92: {  	v57 =	vadd.s32 $0x200, v16;
	_ =	sdelay $0x3  }
0x93: {  	[tilespmem:$0x18E0] =	vst v17  }
0x94: {  	v17 =	vld.idx.msk [tilespmem:v57+s14+$0x0], $0xffff  }
0x95: {  	v58 =	vadd.s32 $0x400, v16;
	_ =	sdelay $0x3  }
0x96: {  	[tilespmem:$0x1960] =	vst v17  }
0x97: {  	v17 =	vld.idx.msk [tilespmem:v58+s14+$0x0], $0xffff  }
0x98: {  	v59 =	vadd.s32 $0x600, v16;
	_ =	sdelay $0x3  }
0x99: {  	[tilespmem:$0x19E0] =	vst v17  }
0x9a: {  	v17 =	vld.idx.msk [tilespmem:v59+s14+$0x0], $0xffff  }
0x9b: {  	v16 =	vadd.s32 $0x800, v16;
	_ =	sdelay $0x3  }
0x9c: {  	[tilespmem:$0x1A60] =	vst v17  }
0x9d: {  	v16 =	vld.idx.msk [tilespmem:v16+s14+$0x0], $0xffff;
	_ =	sdelay $0x4  }
0x9e: {  	[tilespmem:$0x1AE0] =	vst v16  }
0x9f: {  	v16 =	vld.idx.msk [tilespmem:v14+s3+$0x0], $0xffff  }
0xa0: {  	v17 =	vld.idx.msk [tilespmem:v15+s3+$0x0], $0xffff;
	_ =	sdelay $0x3  }
0xa1: {  	v60 =	vshll.u32 v16, $0x9  }
0xa2: {  	v17 =	vadd.s32 v17, v60  }
0xa3: {  	[tilespmem:$0x1870] =	vst v17  }
0xa4: {  	v17 =	vld.idx.msk [tilespmem:v16+s14+$0x0], $0xffff  }
0xa5: {  	v61 =	vadd.s32 $0x200, v16;
	_ =	sdelay $0x3  }
0xa6: {  	[tilespmem:$0x18F0] =	vst v17  }
0xa7: {  	v17 =	vld.idx.msk [tilespmem:v61+s14+$0x0], $0xffff  }
0xa8: {  	v62 =	vadd.s32 $0x400, v16;
	_ =	sdelay $0x3  }
0xa9: {  	[tilespmem:$0x1970] =	vst v17  }
0xaa: {  	v17 =	vld.idx.msk [tilespmem:v62+s14+$0x0], $0xffff  }
0xab: {  	v63 =	vadd.s32 $0x600, v16;
	_ =	sdelay $0x3  }
0xac: {  	[tilespmem:$0x19F0] =	vst v17  }
0xad: {  	v17 =	vld.idx.msk [tilespmem:v63+s14+$0x0], $0xffff  }
0xae: {  	v16 =	vadd.s32 $0x800, v16;
	_ =	sdelay $0x3  }
0xaf: {  	[tilespmem:$0x1A70] =	vst v17  }
0xb0: {  	v16 =	vld.idx.msk [tilespmem:v16+s14+$0x0], $0xffff;
	_ =	sdelay $0x4  }
0xb1: {  	[tilespmem:$0x1AF0] =	vst v16  }
0xb2: {  	[tilespmem:s17], [sflag:$0x1] =	stream.indirect.gather [hbm4b:s4+s15], $0x1, s16, s15, $0xb8;
	[tilespmem:$0x1B80] =	vst v63  }
0xb3: {  	_ =	swait.ge [sflag:s18], $0x80  }
0xb4: {  	[sflag:s18] =	ssyncset.done $0x0  }
0xb5: {  	[sflag:s18] =	ssyncadd.s32 $0xFFFFFF80  }
0xb6: {  	[hbm4b:s6+s3] =	stream.linear.scatter [tilespmem:s19], [sflag:$0x2], $0x80, $0x38;
	[tilespmem:$0x1B80] =	vst v63  }
0xb7: {  	_ =	swait.ge [sflag:s13], $0x80  }
0xb8: {  	[sflag:s13] =	ssyncset.done $0x0  }
0xb9: {  	[sflag:s13] =	ssyncadd.s32 $0xFFFFFF80  }
0xba: {  	[hbm4b:s7+s3] =	stream.linear.scatter [tilespmem:s20], [sflag:$0x2], $0x80, $0x38;
	[tilespmem:$0x1B80] =	vst v63  }
0xbb: {  	_ =	swait.ge [sflag:s13], $0x80  }
0xbc: {  	[sflag:s13] =	ssyncset.done $0x0  }
0xbd: {  	[sflag:s13] =	ssyncadd.s32 $0xFFFFFF80  }
0xbe: {  	[hbm4b:s8+s3] =	stream.linear.scatter [tilespmem:s21], [sflag:$0x2], $0x80, $0x38;
	[tilespmem:$0x1B80] =	vst v63  }
0xbf: {  	_ =	swait.ge [sflag:s13], $0x80  }
0xc0: {  	[sflag:s13] =	ssyncset.done $0x0  }
0xc1: {  	[sflag:s13] =	ssyncadd.s32 $0xFFFFFF80  }
0xc2: {  	[hbm4b:s9+s3] =	stream.linear.scatter [tilespmem:s22], [sflag:$0x2], $0x80, $0x38;
	[tilespmem:$0x1B80] =	vst v63  }
0xc3: {  	_ =	swait.ge [sflag:s13], $0x80  }
0xc4: {  	[sflag:s13] =	ssyncset.done $0x0  }
0xc5: {  	[sflag:s13] =	ssyncadd.s32 $0xFFFFFF80  }
0xc6: {  	[hbm4b:s10+s3] =	stream.linear.scatter [tilespmem:s23], [sflag:$0x2], $0x80, $0x38;
	[tilespmem:$0x1B80] =	vst v63  }
0xc7: {  	_ =	swait.ge [sflag:s13], $0x80  }
0xc8: {  	p0 =	sne.s32 s12, $0x1;
	[sflag:s13] =	ssyncset.done $0x0  }
.Ltmp0:
0xc9: {  	[sflag:s13] =	ssyncadd.s32 $0xFFFFFF80;
	(pc) =	sbr.rel @p0 .LBB2_1-.Ltmp0, $4  }
0xca: {  	[hbm4b:s11+s3] =	stream.linear.scatter [tilespmem:s17], [sflag:$0x2], $0x80, $0x38;
	[tilespmem:$0x1B80] =	vst v63  }
0xcb: {  	_ =	swait.ge [sflag:s13], $0x80  }
0xcc: {  	[sflag:s13] =	ssyncset.done $0x0  }
0xcd: {  	s12 =	sadd.s32 $0xFFFFFFFF, s12;
	[sflag:s13] =	ssyncadd.s32 $0xFFFFFF80  }
0xce: {  	_ =	sfence.sel $0x180000  }
0xcf: {  	[bflag:$0x0] =	sbarrier.arrive $0xFFFF  }
0xd0: {  	p0 =	sne.s32 s0, $0x0;
	_ =	strace $0x90000050  }
0xd1: {  	s0 =	sadd.s32 @!p0 $0x100000, s1;
	[bflag:$0x2] =	sbarrier.arrive $0xFFFF  }
0xd2: {  	[sflag:s0] =	ssyncadd.tile.s32 @!p0 $0x1;
	_ =	shalt  }
.Lfunc_end2:
_tile_overlayer_lowered:
.L_overlay_start_2:
0xd3: {  	(tag) =	ssettag $0x2  }
0xd4: {  	s0 =	rddreg [dreg:$0x0];
	s2 =	stileid.u32  }
0xd5: {  	s1 =	rddreg [dreg:$0x1];
	p0 =	sne.s32 s2, $0x0  }
0xd6: {  	s3 =	rddreg [dreg:$0x2];
	[bflag:$0x3] =	sbarrier.arrive $0xFFFF;
	s2 =	simm.s32 @!p0 $0x1C02  }
0xd7: {  	[timem:s3], [sflag:s2] =	dma.local @!p0 [hbm:s0], s1  }
0xd8: {  	s0 =	simm.s32 @!p0 $0x2  }
0xd9: {  	_ =	swait.ge @!p0 [sflag:s0], s1  }
0xda: {  	s1 =	ssub.s32 @!p0 $0x0, s1;
	[sflag:s0] =	ssyncset.done @!p0 $0x0  }
0xdb: {  	[sflag:s0] =	ssyncadd.s32 @!p0 s1  }
0xdc: {  	[bflag:$0x3] =	sbarrier.arrive $0xFFFF  }
0xdd: {  	_ =	shalt  }

// kernel: kernel.19.cloned.1.call-start
scs
__scs_entry_jumppad:
0x0: {  	(pc) =	sbr.rel $0x88, $3  }
0x1: {  	(tag) =	ssettag $0x0;
	lr =	simm.s32 $0x1  }
0x2: {  	[smem:$0x3F9A] =	sst lr;
	_ =	strace $0xD0000000  }
0x3: {  	_ = 	snop  }
0x4: {  	_ = 	snop  }
0x5: {  	_ = 	snop  }
0x6: {  	_ = 	snop  }
0x7: {  	_ = 	snop  }
__scs_overlays_trampoline_lowered:
0x8: {  	[smem:$0x3FA9] =	sst s0  }
0x9: {  	[smem:$0x3FAA] =	sst s1  }
0xa: {  	[smem:$0x3FAB] =	sst s2  }
0xb: {  	[smem:$0x3FAC] =	sst s3  }
0xc: {  	[smem:$0x3FAD] =	sst s4  }
0xd: {  	[smem:$0x3FAE] =	sst s5  }
0xe: {  	[smem:$0x3FAF] =	sst s6  }
0xf: {  	[smem:$0x3FB0] =	sst s7  }
0x10: {  	[smem:$0x3FB1] =	sst s8  }
0x11: {  	[smem:$0x3FB2] =	sst s9;
	s0 =	simm.s32 @!p0 $0x0  }
0x12: {  	s1 =	sld [smem:$0x3F98];
	s0 =	simm.s32 @p0 $0x1  }
0x13: {  	[smem:$0x3FB3] =	sst s0;
	s0 =	simm.s32 @!p1 $0x0  }
0x14: {  	s2 =	sld [smem:$0x3F97];
	s0 =	simm.s32 @p1 $0x1  }
0x15: {  	[smem:$0x3FB4] =	sst s0;
	s0 =	simm.s32 @!p2 $0x0  }
0x16: {  	s3 =	sld [smem:$0x3FDB];
	s0 =	simm.s32 @p2 $0x1  }
0x17: {  	s4 =	simm.s32 $0x1BF5;
	[smem:$0x3FB6] =	sst s0  }
0x18: {  	s0 =	sld [smem:$0x3F99];
	_ =	swait.ge [sflag:s4], $0x0  }
0x19: {  	s7 =	sld [smem:$0x3F9A]  }
0x1a: {  	s8 =	sadd.s32 $0xFFFFE003, lr  }
0x1b: {  	s9 =	sadd.s32 $0xFFFFFEF7, lr;
	s5 =	simm.s32 $0xFFFFFFFF;
	p2 =	slt.u32 s8, $0xFFFFF086  }
0x1c: {  	p1 =	slt.u32 s9, $0xF7A;
	s5 =	simm.s32 @!p2 $0x0  }
0x1d: {  	s5 =	simm.s32 @p1 $0x1;
	p0 =	seq.s32 s7, s2  }
0x1e: {  	s7 =	smul.u32 @!p0 $0xF7A, s2;
	p2 =	seq.s32 @!p0 s5, $0x0  }
0x1f: {  	s9 =	smul.u32 $0xF7A, s1;
	s8 =	simm.s32 @!p0 $0x1BF5;
	p2 =	por !p2, p0  }
0x20: {  	[sflag:s8] =	ssyncset.s32 @!p0 $0xFFFFF086;
	s6 =	sadd.s32 @!p0 s3, s7;
	s7 =	simm.s32 @!p0 $0x108  }
0x21: {  	s3 =	sadd.s32 s3, s9;
	s6 =	sadd.s32 @!p0 $0x88, s6;
	s7 =	simm.s32 @p2 $0x1082  }
0x22: {  	[simem:s7], [sflag:s8] =	dma.local @!p0 [hbm:s6], $0xF7A  }
0x23: {  	s9 =	sor.u32 $0xD0000000, s2;
	s6 =	simm.s32 $0x108;
	_ =	swait.ge @!p0 [sflag:s8], $0x0  }
0x24: {  	s3 =	sadd.s32 $0x88, s3;
	s6 =	simm.s32 @!p1 $0x1082;
	[sflag:s4] =	ssyncset.s32 $0xFFFFF086  }
0x25: {  	[simem:s6], [sflag:s4] =	dma.local [hbm:s3], $0xF7A  }
0x26: {  	[smem:$0x3F9A] =	sst s1;
	(tag) =	ssettag s2;
	_ =	strace s9  }
0x27: {  	s1 =	sld [smem:$0x3FAA]  }
0x28: {  	s2 =	sld [smem:$0x3FAB]  }
0x29: {  	s4 =	sld [smem:$0x3FAD]  }
0x2a: {  	p0 =	seq.s32 s5, $0x0;
	s5 =	sld [smem:$0x3FAE]  }
0x2b: {  	s6 =	sld [smem:$0x3FAF]  }
0x2c: {  	s7 =	sld [smem:$0x3FB0]  }
0x2d: {  	s3 =	simm.s32 $0x108;
	s8 =	sld [smem:$0x3FB1]  }
0x2e: {  	s3 =	simm.s32 @!p0 $0x1082;
	s9 =	sld [smem:$0x3FB2]  }
0x2f: {  	lr =	sadd.s32 s0, s3;
	s0 =	sld [smem:$0x3FA9]  }
0x30: {  	s3 =	sld [smem:$0x3FAC]  }
0x31: {  	[smem:$0x3FB5] =	sst s10  }
0x32: {  	s10 =	sld [smem:$0x3FB3];
	_ =	sdelay $0x3  }
0x33: {  	p0 =	seq.s32 s10, $0x1;
	s10 =	sld [smem:$0x3FB5];
	_ =	sdelay $0x3  }
0x34: {  	[smem:$0x3FB5] =	sst s10  }
0x35: {  	s10 =	sld [smem:$0x3FB4];
	_ =	sdelay $0x3  }
0x36: {  	p1 =	seq.s32 s10, $0x1;
	s10 =	sld [smem:$0x3FB5];
	_ =	sdelay $0x3  }
0x37: {  	[smem:$0x3FB5] =	sst s10  }
0x38: {  	s10 =	sld [smem:$0x3FB6]  }
0x39: {  	_ = 	snop;
	(pc) =	sbr.ind lr, $3  }
0x3a: {  	_ = 	snop  }
0x3b: {  	_ = 	snop  }
0x3c: {  	p2 =	seq.s32 s10, $0x1;
	s10 =	sld [smem:$0x3FB5]  }
0x3d: {  	_ =	shalt  }
0x3e: {  	_ =	shalt  }
0x3f: {  	_ =	shalt  }
0x40: {  	_ =	shalt  }
0x41: {  	_ =	shalt  }
0x42: {  	_ =	shalt  }
0x43: {  	_ =	shalt  }
0x44: {  	_ =	shalt  }
0x45: {  	_ =	shalt  }
0x46: {  	_ =	shalt  }
0x47: {  	_ =	shalt  }
0x48: {  	_ =	shalt  }
0x49: {  	_ =	shalt  }
0x4a: {  	_ =	shalt  }
0x4b: {  	_ =	shalt  }
0x4c: {  	_ =	shalt  }
0x4d: {  	_ =	shalt  }
0x4e: {  	_ =	shalt  }
0x4f: {  	_ =	shalt  }
0x50: {  	_ =	shalt  }
0x51: {  	_ =	shalt  }
0x52: {  	_ =	shalt  }
0x53: {  	_ =	shalt  }
0x54: {  	_ =	shalt  }
0x55: {  	_ =	shalt  }
0x56: {  	_ =	shalt  }
0x57: {  	_ =	shalt  }
0x58: {  	_ =	shalt  }
0x59: {  	_ =	shalt  }
0x5a: {  	_ =	shalt  }
0x5b: {  	_ =	shalt  }
0x5c: {  	_ =	shalt  }
0x5d: {  	_ =	shalt  }
0x5e: {  	_ =	shalt  }
0x5f: {  	_ =	shalt  }
0x60: {  	_ =	shalt  }
0x61: {  	_ =	shalt  }
0x62: {  	_ =	shalt  }
0x63: {  	_ =	shalt  }
0x64: {  	_ =	shalt  }
0x65: {  	_ =	shalt  }
0x66: {  	_ =	shalt  }
0x67: {  	_ =	shalt  }
0x68: {  	_ =	shalt  }
0x69: {  	_ =	shalt  }
0x6a: {  	_ =	shalt  }
0x6b: {  	_ =	shalt  }
0x6c: {  	_ =	shalt  }
0x6d: {  	_ =	shalt  }
0x6e: {  	_ =	shalt  }
0x6f: {  	_ =	shalt  }
0x70: {  	_ =	shalt  }
0x71: {  	_ =	shalt  }
0x72: {  	_ =	shalt  }
0x73: {  	_ =	shalt  }
0x74: {  	_ =	shalt  }
0x75: {  	_ =	shalt  }
0x76: {  	_ =	shalt  }
0x77: {  	_ =	shalt  }
0x78: {  	_ =	shalt  }
0x79: {  	_ =	shalt  }
0x7a: {  	_ =	shalt  }
0x7b: {  	_ =	shalt  }
0x7c: {  	_ =	shalt  }
0x7d: {  	_ =	shalt  }
0x7e: {  	_ =	shalt  }
0x7f: {  	_ =	shalt  }
0x80: {  	_ =	shalt  }
0x81: {  	_ =	shalt  }
0x82: {  	_ =	shalt  }
0x83: {  	_ =	shalt  }
0x84: {  	_ =	shalt  }
0x85: {  	_ =	shalt  }
0x86: {  	_ =	shalt  }
0x87: {  	_ =	shalt  }
.Lfunc_end0:
.L_simem_size_0:
called_computation.3_lowered:
.L_overlay_start_0:
0x88: {  	s2 =	sld [smem:$0x3FD9]  }
0x89: {  	s3 =	sld [smem:$0x3FFE];
	_ =	sdelay $0x1  }
0x8a: {  	s1 =	srdreg.scid  }
0x8b: {  	s0 =	sand.u32 $0x1, s1  }
0x8c: {  	s15 =	sshll.u32 s0, $0xA;
	s2 =	sadd.s32 s3, s2  }
0x8d: {  	s2 =	sadd.s32 s2, s15  }
0x8e: {  	[smem:$0x3FC1] =	sst s2  }
0x8f: {  	_ = 	snop  }
0x90: {  	s2 =	sld [smem:$0x3FD0];
	_ =	sdelay $0x2  }
0x91: {  	s16 =	simm.s32 $0xB;
	s4 =	simm.s32 $0x10  }
0x92: {  	[smem:s4], [sflag:s16] =	dma.local [hbm:s2], $0x1  }
0x93: {  	_ =	swait.eq [sflag:s16], $0x1  }
0x94: {  	[sflag:s16] =	ssyncset.done $0x0  }
0x95: {  	[sflag:s16] =	ssyncadd.s32 $0xFFFFFFFF  }
0x96: {  	s17 =	sld [smem:$0x11];
	(tm) =	ssettm $0x1  }
0x97: {  	s18 =	sld [smem:$0x3FFB];
	_ =	sdelay $0x3  }
0x98: {  	_ =	strace s18  }
0x99: {  	s2 =	sld [smem:$0x3FFC];
	_ =	sdelay $0x3  }
0x9a: {  	_ =	strace s2  }
0x9b: {  	s2 =	sld [smem:$0x3FFD];
	_ =	sdelay $0x3  }
0x9c: {  	_ =	strace s2  }
0x9d: {  	_ =	strace $0x8FFFFFFF  }
0x9e: {  	s19 =	sld [smem:$0x3FDB];
	_ =	sdelay $0x1  }
0x9f: {  	s20 =	simm.s32 $_scs_section_size  }
0xa0: {  	s5 =	simm.s32 $_size__tile_overlayer_lowered;
	s6 =	simm.s32 $_tile_overlayer_lowered  }
0xa1: {  	s7 =	simm.s32 $0x1BFF;
	s21 =	sshll.u32 s6, $0x1;
	s4 =	sadd.s32 s20, s19  }
0xa2: {  	s22 =	simm.s32 $0x0;
	s5 =	sshll.u32 s5, $0x1;
	s6 =	sadd.s32 s21, s4  }
0xa3: {  	[timem:s22], [sflag:s7] =	dma.local [hbm:s6], s5  }
0xa4: {  	_ =	swait.ge [sflag:s7], s5  }
0xa5: {  	s5 =	ssub.s32 $0x0, s5;
	[sflag:s7] =	ssyncset.done $0x0  }
0xa6: {  	[sflag:s7] =	ssyncadd.s32 s5;
	_ =	sdelay $0x1  }
0xa7: {  	s23 =	simm.s32 $0x1B8B  }
0xa8: {  	_ =	swait.ge [sflag:s23], $0x1  }
0xa9: {  	[sflag:s23] =	ssyncset.done $0x0  }
0xaa: {  	[sflag:s23] =	ssyncadd.s32 $0xFFFFFFFF  }
0xab: {  	s5 =	sld [smem:$0x0]  }
0xac: {  	s6 =	sand.u32 $0xFFFFFFFE, s1  }
0xad: {  	p0 =	sne.s32 s1, s6  }
0xae: {  	s6 =	sshll.u32 @p0 s6, $0xE  }
0xaf: {  	s6 =	sadd.s32 @p0 $0x11B8D, s6;
	s7 =	sshll.u32 @p0 s5, $0x11  }
0xb0: {  	s6 =	sor.u32 @p0 s7, s6  }
0xb1: {  	[sflag:s6] =	ssyncadd.remote.s32 @p0 $0x1;
	_ =	sdelay $0x1  }
0xb2: {  	s6 =	simm.s32 @p0 $0x1B8D  }
0xb3: {  	_ =	swait.eq @p0 [sflag:s6], $0x1  }
0xb4: {  	[sflag:s6] =	ssyncadd.s32 @p0 $0xFFFFFFFF  }
0xb5: {  	s7 =	sshll.u32 @!p0 s1, $0xE  }
0xb6: {  	s7 =	sor.u32 @!p0 $0x4000, s7;
	s6 =	simm.s32 @!p0 $0x1B8D  }
0xb7: {  	s5 =	sshll.u32 @!p0 s5, $0x11;
	s7 =	sadd.s32 @!p0 $0x11B8D, s7;
	_ =	swait.eq @!p0 [sflag:s6], $0x1  }
0xb8: {  	s5 =	sor.u32 @!p0 s5, s7;
	[sflag:s6] =	ssyncadd.s32 @!p0 $0xFFFFFFFF  }
0xb9: {  	s25 =	simm.s32 $0x1B8E;
	s24 =	sld [smem:$0x3FFE];
	[sflag:s5] =	ssyncadd.remote.s32 @!p0 $0x1  }
0xba: {  	s26 =	simm.s32 $execute0_lowered;
	[smem:$0x3FD2] =	sst s25  }
0xbb: {  	s6 =	sshll.u32 s26, $0x1;
	_ =	strace $0x8000004C;
	[dreg:$0x1] =	wrdreg $0xFFFFFFFF  }
0xbc: {  	s28 =	simm.s32 $_size_execute0_lowered;
	s4 =	sadd.s32 s4, s6;
	[dreg:$0x0] =	wrdreg $0x0  }
0xbd: {  	s6 =	sshll.u32 s28, $0x1;
	[dreg:$0x2] =	wrdreg s4  }
0xbe: {  	[dreg:$0x3] =	wrdreg s6  }
0xbf: {  	[dreg:$0x4] =	wrdreg $0xC0  }
0xc0: {  	_ =	task [dreg:s22], $0x5FFFF  }
0xc1: {  	[dreg:$0x1] =	wrdreg $0xFFFFFFFF  }
0xc2: {  	[dreg:$0x0] =	wrdreg $0x60  }
0xc3: {  	[dreg:$0x2] =	wrdreg s24  }
0xc4: {  	[dreg:$0x3] =	wrdreg s17  }
0xc5: {  	[dreg:$0x4] =	wrdreg $0xA  }
0xc6: {  	_ =	task.clear_ibuf [dreg:s22], $0x5FFFF;
	_ =	strace $0x9000004C  }
0xc7: {  	s29 =	simm.s32 $0xA;
	_ =	strace $0x8000004E  }
0xc8: {  	_ =	swait.ge [sflag:s29], $0x1  }
0xc9: {  	[sflag:s29] =	ssyncadd.s32 $0xFFFFFFFF  }
0xca: {  	_ =	strace $0x9000004E  }
0xcb: {  	_ =	sfence  }
0xcc: {  	s30 =	sld [smem:$0x0];
	_ =	sdelay $0x2  }
0xcd: {  	s31 =	sshll.u32 s1, $0xD;
	s1 =	sshrl.u32 s1, $0x2  }
0xce: {  	s4 =	sand.u32 $0x4000, s31;
	s1 =	sadd.s32 s1, s30  }
0xcf: {  	s0 =	sor.u32 s4, s0;
	s1 =	sshll.u32 s1, $0x11  }
0xd0: {  	s0 =	sor.u32 s1, s0  }
0xd1: {  	s0 =	sadd.s32 $0x8F2B, s0  }
0xd2: {  	[sflag:s0] =	ssyncadd.remote.s32 $0x1  }
0xd3: {  	_ =	sfence.sel $0xFFFF  }
0xd4: {  	[dreg:$0x0] =	wrdreg $0xFFFFFFFF;
	(pc) =	sbr.abs _section_cstart, $3  }
0xd5: {  	[dreg:$0x1] =	wrdreg $0xFFFFFFFF  }
0xd6: {  	_ =	task.clear_ibuf [dreg:s22], $0x2FFFF;
	_ =	strace $0x9FFFFFFF  }
0xd7: {  	(tm) =	ssettm $0x7FFFFFFF  }
tec
execute0_lowered:
.L_overlay_start_1:
0x0: {  	(tag) =	ssettag $0x1  }
0x1: {  	s5 =	rddreg [dreg:$0x0]  }
0x2: {  	s2 =	rddreg [dreg:$0x1]  }
0x3: {  	s0 =	rddreg [dreg:$0x2]  }
0x4: {  	s3 =	simm.s32 $0x0;
	s1 =	stileid.u32;
	s6 =	srdreg.scid  }
0x5: {  	s14 =	simm.s32 $0x800;
	s17 =	simm.s32 $0x1B00;
	s18 =	simm.s32 $0x1  }
0x6: {  	s19 =	simm.s32 $0x1880;
	s20 =	simm.s32 $0x1900;
	s23 =	simm.s32 $0x1A80  }
0x7: {  	[smem:$0x7FF] =	sst s3;
	s4 =	sshll.u32 s1, $0x5;
	s6 =	sand.u32 $0x1, s6  }
0x8: {  	s7 =	sshll.u32 s1, $0x1;
	_ =	strace $0x8000004D;
	s4 =	sand.u32 $0x100, s4  }
0x9: {  	s7 =	sor.u32 s6, s7;
	s6 =	ssub.s32 $0x2, s6;
	s8 =	sadd.s32 s4, s5  }
0xa: {  	s4 =	sadd.s32 $0x104A00, s5;
	s9 =	sshll.u32 s7, $0x4;
	s7 =	sshll.u32 s7, $0x7  }
0xb: {  	v14 =	vlaneseq.u32;
	s29 =	sshrl.u32 s6, $0x1;
	s11 =	sadd.s32 s9, s5;
	s7 =	sand.u32 $0x780, s7  }
0xc: {  	v13 =	vadd.s32 $0x1, v14;
	v5 =	vadd.s32 $0x21, v14;
	v9 =	vadd.s32 $0x41, v14;
	s12 =	ssub.s32 s6, s29;
	s5 =	sadd.s32 $0x4A00, s8;
	s30 =	sor.u32 $0x10, s7  }
0xd: {  	v15 =	vadd.s32 $0x61, v14;
	s31 =	sor.u32 $0x20, s7;
	s13 =	sor.u32 $0x30, s7;
	s15 =	sor.u32 $0x40, s7;
	v0 =	vor.u32 s7, v14;
	v1 =	vor.u32 s7, v13  }
0xe: {  	s16 =	sor.u32 $0x50, s7;
	s21 =	sor.u32 $0x60, s7;
	s22 =	sor.u32 $0x70, s7;
	v2 =	vor.u32 s30, v14;
	v3 =	vadd.s32 s30, v13;
	v4 =	vor.u32 s31, v14  }
0xf: {  	s6 =	sadd.s32 $0x4C00, s11;
	s7 =	sadd.s32 $0x4E00, s11;
	s8 =	sadd.s32 $0x5000, s11;
	v5 =	vor.u32 s31, v5;
	v6 =	vor.u32 s13, v14;
	v7 =	vadd.s32 s13, v13  }
0x10: {  	s9 =	sadd.s32 $0x5200, s11;
	s10 =	sadd.s32 $0x5400, s11;
	s11 =	sadd.s32 $0x5600, s11;
	v8 =	vor.u32 s15, v14;
	v9 =	vor.u32 s15, v9;
	v10 =	vor.u32 s16, v14  }
0x11: {  	s12 =	smax.u32 s12, $0x1;
	s13 =	simm.s32 $0x2;
	v11 =	vadd.s32 s16, v13;
	s15 =	simm.s32 $0x80;
	v12 =	vor.u32 s21, v14;
	v16 =	vadd.s32 s22, v13  }
0x12: {  	s16 =	simm.s32 $0x1800;
	v13 =	vor.u32 s21, v15;
	v14 =	vor.u32 s22, v14;
	s21 =	simm.s32 $0x1980;
	s22 =	simm.s32 $0x1A00;
	v15 =	vand.u32 $0x7FF, v16  }
.LBB2_1:
0x13: {  	[tilespmem:s3], [sflag:$0x2] =	stream.linear.gather [hbm4b:s5+s3], $0x800, $0x38;
	[tilespmem:$0x1B80] =	vst v63  }
0x14: {  	_ =	swait.ge [sflag:s13], $0x800  }
0x15: {  	[sflag:s13] =	ssyncset.done $0x0  }
0x16: {  	[sflag:s13] =	ssyncadd.s32 $0xFFFFF800  }
0x17: {  	[tilespmem:s14], [sflag:$0x2] =	stream.linear.gather [hbm4b:s2+s3], $0x1000, $0x38;
	[tilespmem:$0x1B80] =	vst v63  }
0x18: {  	_ =	swait.ge [sflag:s13], $0x1000  }
0x19: {  	[sflag:s13] =	ssyncset.done $0x0  }
0x1a: {  	[sflag:s13] =	ssyncadd.s32 $0xFFFFF000  }
0x1b: {  	v16 =	vld.idx.msk [tilespmem:v0+s3+$0x0], $0xffff  }
0x1c: {  	v17 =	vld.idx.msk [tilespmem:v1+s3+$0x0], $0xffff;
	_ =	sdelay $0x3  }
0x1d: {  	v18 =	vshll.u32 v16, $0x9  }
0x1e: {  	v17 =	vadd.s32 v17, v18  }
0x1f: {  	[tilespmem:$0x1800] =	vst v17  }
0x20: {  	v17 =	vld.idx.msk [tilespmem:v16+s14+$0x0], $0xffff  }
0x21: {  	v33 =	vadd.s32 $0x200, v16;
	_ =	sdelay $0x3  }
0x22: {  	[tilespmem:$0x1880] =	vst v17  }
0x23: {  	v17 =	vld.idx.msk [tilespmem:v33+s14+$0x0], $0xffff  }
0x24: {  	v34 =	vadd.s32 $0x400, v16;
	_ =	sdelay $0x3  }
0x25: {  	[tilespmem:$0x1900] =	vst v17  }
0x26: {  	v17 =	vld.idx.msk [tilespmem:v34+s14+$0x0], $0xffff  }
0x27: {  	v35 =	vadd.s32 $0x600, v16;
	_ =	sdelay $0x3  }
0x28: {  	[tilespmem:$0x1980] =	vst v17  }
0x29: {  	v17 =	vld.idx.msk [tilespmem:v35+s14+$0x0], $0xffff  }
0x2a: {  	v16 =	vadd.s32 $0x800, v16;
	_ =	sdelay $0x3  }
0x2b: {  	[tilespmem:$0x1A00] =	vst v17  }
0x2c: {  	v16 =	vld.idx.msk [tilespmem:v16+s14+$0x0], $0xffff;
	_ =	sdelay $0x4  }
0x2d: {  	[tilespmem:$0x1A80] =	vst v16  }
0x2e: {  	v16 =	vld.idx.msk [tilespmem:v2+s3+$0x0], $0xffff  }
0x2f: {  	v17 =	vld.idx.msk [tilespmem:v3+s3+$0x0], $0xffff;
	_ =	sdelay $0x3  }
0x30: {  	v36 =	vshll.u32 v16, $0x9  }
0x31: {  	v17 =	vadd.s32 v17, v36  }
0x32: {  	[tilespmem:$0x1810] =	vst v17  }
0x33: {  	v17 =	vld.idx.msk [tilespmem:v16+s14+$0x0], $0xffff  }
0x34: {  	v37 =	vadd.s32 $0x200, v16;
	_ =	sdelay $0x3  }
0x35: {  	[tilespmem:$0x1890] =	vst v17  }
0x36: {  	v17 =	vld.idx.msk [tilespmem:v37+s14+$0x0], $0xffff  }
0x37: {  	v38 =	vadd.s32 $0x400, v16;
	_ =	sdelay $0x3  }
0x38: {  	[tilespmem:$0x1910] =	vst v17  }
0x39: {  	v17 =	vld.idx.msk [tilespmem:v38+s14+$0x0], $0xffff  }
0x3a: {  	v39 =	vadd.s32 $0x600, v16;
	_ =	sdelay $0x3  }
0x3b: {  	[tilespmem:$0x1990] =	vst v17  }
0x3c: {  	v17 =	vld.idx.msk [tilespmem:v39+s14+$0x0], $0xffff  }
0x3d: {  	v16 =	vadd.s32 $0x800, v16;
	_ =	sdelay $0x3  }
0x3e: {  	[tilespmem:$0x1A10] =	vst v17  }
0x3f: {  	v16 =	vld.idx.msk [tilespmem:v16+s14+$0x0], $0xffff;
	_ =	sdelay $0x4  }
0x40: {  	[tilespmem:$0x1A90] =	vst v16  }
0x41: {  	v16 =	vld.idx.msk [tilespmem:v4+s3+$0x0], $0xffff  }
0x42: {  	v17 =	vld.idx.msk [tilespmem:v5+s3+$0x0], $0xffff;
	_ =	sdelay $0x3  }
0x43: {  	v40 =	vshll.u32 v16, $0x9  }
0x44: {  	v17 =	vadd.s32 v17, v40  }
0x45: {  	[tilespmem:$0x1820] =	vst v17  }
0x46: {  	v17 =	vld.idx.msk [tilespmem:v16+s14+$0x0], $0xffff  }
0x47: {  	v41 =	vadd.s32 $0x200, v16;
	_ =	sdelay $0x3  }
0x48: {  	[tilespmem:$0x18A0] =	vst v17  }
0x49: {  	v17 =	vld.idx.msk [tilespmem:v41+s14+$0x0], $0xffff  }
0x4a: {  	v42 =	vadd.s32 $0x400, v16;
	_ =	sdelay $0x3  }
0x4b: {  	[tilespmem:$0x1920] =	vst v17  }
0x4c: {  	v17 =	vld.idx.msk [tilespmem:v42+s14+$0x0], $0xffff  }
0x4d: {  	v43 =	vadd.s32 $0x600, v16;
	_ =	sdelay $0x3  }
0x4e: {  	[tilespmem:$0x19A0] =	vst v17  }
0x4f: {  	v17 =	vld.idx.msk [tilespmem:v43+s14+$0x0], $0xffff  }
0x50: {  	v16 =	vadd.s32 $0x800, v16;
	_ =	sdelay $0x3  }
0x51: {  	[tilespmem:$0x1A20] =	vst v17  }
0x52: {  	v16 =	vld.idx.msk [tilespmem:v16+s14+$0x0], $0xffff;
	_ =	sdelay $0x4  }
0x53: {  	[tilespmem:$0x1AA0] =	vst v16  }
0x54: {  	v16 =	vld.idx.msk [tilespmem:v6+s3+$0x0], $0xffff  }
0x55: {  	v17 =	vld.idx.msk [tilespmem:v7+s3+$0x0], $0xffff;
	_ =	sdelay $0x3  }
0x56: {  	v44 =	vshll.u32 v16, $0x9  }
0x57: {  	v17 =	vadd.s32 v17, v44  }
0x58: {  	[tilespmem:$0x1830] =	vst v17  }
0x59: {  	v17 =	vld.idx.msk [tilespmem:v16+s14+$0x0], $0xffff  }
0x5a: {  	v45 =	vadd.s32 $0x200, v16;
	_ =	sdelay $0x3  }
0x5b: {  	[tilespmem:$0x18B0] =	vst v17  }
0x5c: {  	v17 =	vld.idx.msk [tilespmem:v45+s14+$0x0], $0xffff  }
0x5d: {  	v46 =	vadd.s32 $0x400, v16;
	_ =	sdelay $0x3  }
0x5e: {  	[tilespmem:$0x1930] =	vst v17  }
0x5f: {  	v17 =	vld.idx.msk [tilespmem:v46+s14+$0x0], $0xffff  }
0x60: {  	v47 =	vadd.s32 $0x600, v16;
	_ =	sdelay $0x3  }
0x61: {  	[tilespmem:$0x19B0] =	vst v17  }
0x62: {  	v17 =	vld.idx.msk [tilespmem:v47+s14+$0x0], $0xffff  }
0x63: {  	v16 =	vadd.s32 $0x800, v16;
	_ =	sdelay $0x3  }
0x64: {  	[tilespmem:$0x1A30] =	vst v17  }
0x65: {  	v16 =	vld.idx.msk [tilespmem:v16+s14+$0x0], $0xffff;
	_ =	sdelay $0x4  }
0x66: {  	[tilespmem:$0x1AB0] =	vst v16  }
0x67: {  	v16 =	vld.idx.msk [tilespmem:v8+s3+$0x0], $0xffff  }
0x68: {  	v17 =	vld.idx.msk [tilespmem:v9+s3+$0x0], $0xffff;
	_ =	sdelay $0x3  }
0x69: {  	v48 =	vshll.u32 v16, $0x9  }
0x6a: {  	v17 =	vadd.s32 v17, v48  }
0x6b: {  	[tilespmem:$0x1840] =	vst v17  }
0x6c: {  	v17 =	vld.idx.msk [tilespmem:v16+s14+$0x0], $0xffff  }
0x6d: {  	v49 =	vadd.s32 $0x200, v16;
	_ =	sdelay $0x3  }
0x6e: {  	[tilespmem:$0x18C0] =	vst v17  }
0x6f: {  	v17 =	vld.idx.msk [tilespmem:v49+s14+$0x0], $0xffff  }
0x70: {  	v50 =	vadd.s32 $0x400, v16;
	_ =	sdelay $0x3  }
0x71: {  	[tilespmem:$0x1940] =	vst v17  }
0x72: {  	v17 =	vld.idx.msk [tilespmem:v50+s14+$0x0], $0xffff  }
0x73: {  	v51 =	vadd.s32 $0x600, v16;
	_ =	sdelay $0x3  }
0x74: {  	[tilespmem:$0x19C0] =	vst v17  }
0x75: {  	v17 =	vld.idx.msk [tilespmem:v51+s14+$0x0], $0xffff  }
0x76: {  	v16 =	vadd.s32 $0x800, v16;
	_ =	sdelay $0x3  }
0x77: {  	[tilespmem:$0x1A40] =	vst v17  }
0x78: {  	v16 =	vld.idx.msk [tilespmem:v16+s14+$0x0], $0xffff;
	_ =	sdelay $0x4  }
0x79: {  	[tilespmem:$0x1AC0] =	vst v16  }
0x7a: {  	v16 =	vld.idx.msk [tilespmem:v10+s3+$0x0], $0xffff  }
0x7b: {  	v17 =	vld.idx.msk [tilespmem:v11+s3+$0x0], $0xffff;
	_ =	sdelay $0x3  }
0x7c: {  	v52 =	vshll.u32 v16, $0x9  }
0x7d: {  	v17 =	vadd.s32 v17, v52  }
0x7e: {  	[tilespmem:$0x1850] =	vst v17  }
0x7f: {  	v17 =	vld.idx.msk [tilespmem:v16+s14+$0x0], $0xffff  }
0x80: {  	v53 =	vadd.s32 $0x200, v16;
	_ =	sdelay $0x3  }
0x81: {  	[tilespmem:$0x18D0] =	vst v17  }
0x82: {  	v17 =	vld.idx.msk [tilespmem:v53+s14+$0x0], $0xffff  }
0x83: {  	v54 =	vadd.s32 $0x400, v16;
	_ =	sdelay $0x3  }
0x84: {  	[tilespmem:$0x1950] =	vst v17  }
0x85: {  	v17 =	vld.idx.msk [tilespmem:v54+s14+$0x0], $0xffff  }
0x86: {  	v55 =	vadd.s32 $0x600, v16;
	_ =	sdelay $0x3  }
0x87: {  	[tilespmem:$0x19D0] =	vst v17  }
0x88: {  	v17 =	vld.idx.msk [tilespmem:v55+s14+$0x0], $0xffff  }
0x89: {  	v16 =	vadd.s32 $0x800, v16;
	_ =	sdelay $0x3  }
0x8a: {  	[tilespmem:$0x1A50] =	vst v17  }
0x8b: {  	v16 =	vld.idx.msk [tilespmem:v16+s14+$0x0], $0xffff;
	_ =	sdelay $0x4  }
0x8c: {  	[tilespmem:$0x1AD0] =	vst v16  }
0x8d: {  	v16 =	vld.idx.msk [tilespmem:v12+s3+$0x0], $0xffff  }
0x8e: {  	v17 =	vld.idx.msk [tilespmem:v13+s3+$0x0], $0xffff;
	_ =	sdelay $0x3  }
0x8f: {  	v56 =	vshll.u32 v16, $0x9  }
0x90: {  	v17 =	vadd.s32 v17, v56  }
0x91: {  	[tilespmem:$0x1860] =	vst v17  }
0x92: {  	v17 =	vld.idx.msk [tilespmem:v16+s14+$0x0], $0xffff  }
0x93: {  	v57 =	vadd.s32 $0x200, v16;
	_ =	sdelay $0x3  }
0x94: {  	[tilespmem:$0x18E0] =	vst v17  }
0x95: {  	v17 =	vld.idx.msk [tilespmem:v57+s14+$0x0], $0xffff  }
0x96: {  	v58 =	vadd.s32 $0x400, v16;
	_ =	sdelay $0x3  }
0x97: {  	[tilespmem:$0x1960] =	vst v17  }
0x98: {  	v17 =	vld.idx.msk [tilespmem:v58+s14+$0x0], $0xffff  }
0x99: {  	v59 =	vadd.s32 $0x600, v16;
	_ =	sdelay $0x3  }
0x9a: {  	[tilespmem:$0x19E0] =	vst v17  }
0x9b: {  	v17 =	vld.idx.msk [tilespmem:v59+s14+$0x0], $0xffff  }
0x9c: {  	v16 =	vadd.s32 $0x800, v16;
	_ =	sdelay $0x3  }
0x9d: {  	[tilespmem:$0x1A60] =	vst v17  }
0x9e: {  	v16 =	vld.idx.msk [tilespmem:v16+s14+$0x0], $0xffff;
	_ =	sdelay $0x4  }
0x9f: {  	[tilespmem:$0x1AE0] =	vst v16  }
0xa0: {  	v16 =	vld.idx.msk [tilespmem:v14+s3+$0x0], $0xffff  }
0xa1: {  	v17 =	vld.idx.msk [tilespmem:v15+s3+$0x0], $0xffff;
	_ =	sdelay $0x3  }
0xa2: {  	v60 =	vshll.u32 v16, $0x9  }
0xa3: {  	v17 =	vadd.s32 v17, v60  }
0xa4: {  	[tilespmem:$0x1870] =	vst v17  }
0xa5: {  	v17 =	vld.idx.msk [tilespmem:v16+s14+$0x0], $0xffff  }
0xa6: {  	v61 =	vadd.s32 $0x200, v16;
	_ =	sdelay $0x3  }
0xa7: {  	[tilespmem:$0x18F0] =	vst v17  }
0xa8: {  	v17 =	vld.idx.msk [tilespmem:v61+s14+$0x0], $0xffff  }
0xa9: {  	v62 =	vadd.s32 $0x400, v16;
	_ =	sdelay $0x3  }
0xaa: {  	[tilespmem:$0x1970] =	vst v17  }
0xab: {  	v17 =	vld.idx.msk [tilespmem:v62+s14+$0x0], $0xffff  }
0xac: {  	v63 =	vadd.s32 $0x600, v16;
	_ =	sdelay $0x3  }
0xad: {  	[tilespmem:$0x19F0] =	vst v17  }
0xae: {  	v17 =	vld.idx.msk [tilespmem:v63+s14+$0x0], $0xffff  }
0xaf: {  	v16 =	vadd.s32 $0x800, v16;
	_ =	sdelay $0x3  }
0xb0: {  	[tilespmem:$0x1A70] =	vst v17  }
0xb1: {  	v16 =	vld.idx.msk [tilespmem:v16+s14+$0x0], $0xffff;
	_ =	sdelay $0x4  }
0xb2: {  	[tilespmem:$0x1AF0] =	vst v16  }
0xb3: {  	[tilespmem:s17], [sflag:$0x1] =	stream.indirect.gather [hbm4b:s4+s15], $0x1, s16, s15, $0xb8;
	[tilespmem:$0x1B80] =	vst v63  }
0xb4: {  	_ =	swait.ge [sflag:s18], $0x80  }
0xb5: {  	[sflag:s18] =	ssyncset.done $0x0  }
0xb6: {  	[sflag:s18] =	ssyncadd.s32 $0xFFFFFF80  }
0xb7: {  	[hbm4b:s6+s3] =	stream.linear.scatter [tilespmem:s19], [sflag:$0x2], $0x80, $0x38;
	[tilespmem:$0x1B80] =	vst v63  }
0xb8: {  	_ =	swait.ge [sflag:s13], $0x80  }
0xb9: {  	[sflag:s13] =	ssyncset.done $0x0  }
0xba: {  	[sflag:s13] =	ssyncadd.s32 $0xFFFFFF80  }
0xbb: {  	[hbm4b:s7+s3] =	stream.linear.scatter [tilespmem:s20], [sflag:$0x2], $0x80, $0x38;
	[tilespmem:$0x1B80] =	vst v63  }
0xbc: {  	_ =	swait.ge [sflag:s13], $0x80  }
0xbd: {  	[sflag:s13] =	ssyncset.done $0x0  }
0xbe: {  	[sflag:s13] =	ssyncadd.s32 $0xFFFFFF80  }
0xbf: {  	[hbm4b:s8+s3] =	stream.linear.scatter [tilespmem:s21], [sflag:$0x2], $0x80, $0x38;
	[tilespmem:$0x1B80] =	vst v63  }
0xc0: {  	_ =	swait.ge [sflag:s13], $0x80  }
0xc1: {  	[sflag:s13] =	ssyncset.done $0x0  }
0xc2: {  	[sflag:s13] =	ssyncadd.s32 $0xFFFFFF80  }
0xc3: {  	[hbm4b:s9+s3] =	stream.linear.scatter [tilespmem:s22], [sflag:$0x2], $0x80, $0x38;
	[tilespmem:$0x1B80] =	vst v63  }
0xc4: {  	_ =	swait.ge [sflag:s13], $0x80  }
0xc5: {  	[sflag:s13] =	ssyncset.done $0x0  }
0xc6: {  	[sflag:s13] =	ssyncadd.s32 $0xFFFFFF80  }
0xc7: {  	[hbm4b:s10+s3] =	stream.linear.scatter [tilespmem:s23], [sflag:$0x2], $0x80, $0x38;
	[tilespmem:$0x1B80] =	vst v63  }
0xc8: {  	_ =	swait.ge [sflag:s13], $0x80  }
0xc9: {  	p0 =	sne.s32 s12, $0x1;
	[sflag:s13] =	ssyncset.done $0x0  }
.Ltmp0:
0xca: {  	[sflag:s13] =	ssyncadd.s32 $0xFFFFFF80;
	(pc) =	sbr.rel @p0 .LBB2_1-.Ltmp0, $4  }
0xcb: {  	[hbm4b:s11+s3] =	stream.linear.scatter [tilespmem:s17], [sflag:$0x2], $0x80, $0x38;
	[tilespmem:$0x1B80] =	vst v63  }
0xcc: {  	_ =	swait.ge [sflag:s13], $0x80  }
0xcd: {  	[sflag:s13] =	ssyncset.done $0x0  }
0xce: {  	s12 =	sadd.s32 $0xFFFFFFFF, s12;
	[sflag:s13] =	ssyncadd.s32 $0xFFFFFF80  }
0xcf: {  	_ =	sfence.sel $0x180000  }
0xd0: {  	[bflag:$0x0] =	sbarrier.arrive $0xFFFF  }
0xd1: {  	p0 =	sne.s32 s1, $0x0;
	_ =	strace $0x9000004D  }
0xd2: {  	s0 =	sadd.s32 @!p0 $0x100000, s0;
	[bflag:$0x2] =	sbarrier.arrive $0xFFFF  }
0xd3: {  	[sflag:s0] =	ssyncadd.tile.s32 @!p0 $0x1;
	_ =	shalt  }
.Lfunc_end2:
_tile_overlayer_lowered:
.L_overlay_start_2:
0xd4: {  	(tag) =	ssettag $0x2  }
0xd5: {  	s0 =	rddreg [dreg:$0x0];
	s2 =	stileid.u32  }
0xd6: {  	s1 =	rddreg [dreg:$0x1];
	p0 =	sne.s32 s2, $0x0  }
0xd7: {  	s3 =	rddreg [dreg:$0x2];
	[bflag:$0x3] =	sbarrier.arrive $0xFFFF;
	s2 =	simm.s32 @!p0 $0x1C02  }
0xd8: {  	[timem:s3], [sflag:s2] =	dma.local @!p0 [hbm:s0], s1  }
0xd9: {  	s0 =	simm.s32 @!p0 $0x2  }
0xda: {  	_ =	swait.ge @!p0 [sflag:s0], s1  }
0xdb: {  	s1 =	ssub.s32 @!p0 $0x0, s1;
	[sflag:s0] =	ssyncset.done @!p0 $0x0  }
0xdc: {  	[sflag:s0] =	ssyncadd.s32 @!p0 s1  }
0xdd: {  	[bflag:$0x3] =	sbarrier.arrive $0xFFFF  }
0xde: {  	_ =	shalt  }

</sc_bundles>
